<compile_context>
chip_gen: v7x
topology: tpu7x:2x2x1
jax: 0.10.2.dev20260603
libtpu: 0.0.44.dev20260713+nightly
codegen_flags: <defaults>
</compile_context>

<pallas_src>
import functools

import jax
import jax.numpy as jnp
from jax import lax
from jax.experimental import pallas as pl
from jax.experimental.pallas import tpu as pltpu
from jax.experimental.pallas import tpu_sc as plsc

_N = 10000
_E = 320000
_D = 128
_NC = 2
_NS = 16
_NW = _NC * _NS
_C = 128
_NCHUNK = 80
_PER_W = _NCHUNK * _C
_EPAD = _NW * _PER_W
_NBUF = 2
_G = 8
_NGRP = _NCHUNK // _G
_NSINK = 128
_NDEG = 10240
_RPT = 624
_TAIL = _N - _NS * _RPT
_TAIL_OFF = _NS * _RPT


def _make_seg_sum(with_deg):
  mesh = plsc.VectorSubcoreMesh(core_axis_name="c", subcore_axis_name="s")
  out_type = [jax.ShapeDtypeStruct((_NC, _N, _D), jnp.float32)]
  if with_deg:
    out_type.append(jax.ShapeDtypeStruct((_NC, _NDEG), jnp.float32))

  @functools.partial(
      pl.kernel,
      out_type=out_type,
      mesh=mesh,
      scratch_types=[
          pltpu.VMEM((_G, _C), jnp.int32),
          pltpu.VMEM((_G, _C), jnp.int32),
          pltpu.VMEM((_NBUF, _C, _D), jnp.float32),
          pltpu.VMEM((_C,), jnp.float32),
          pltpu.VMEM_SHARED((_N + _NSINK, _D), jnp.float32),
          pltpu.VMEM_SHARED((_NDEG,), jnp.float32),
          pltpu.SemaphoreType.DMA,
          pltpu.SemaphoreType.DMA,
          pltpu.SemaphoreType.DMA,
          pltpu.SemaphoreType.DMA,
      ],
  )
  def seg(table_hbm, src_hbm, dst_hbm, ones_hbm, zrow_hbm, zdeg_hbm,
          *out_and_scratch):
    if with_deg:
      (agg_out, deg_out, srcblk, dstblk, rows_v, ones_v, acc_sh, deg_sh,
       sem0, sem1, sem2, sem3) = out_and_scratch
    else:
      (agg_out, srcblk, dstblk, rows_v, ones_v, acc_sh, deg_sh,
       sem0, sem1, sem2, sem3) = out_and_scratch
      deg_out = None
    sems = (sem0, sem1, sem2, sem3)
    c = lax.axis_index("c")
    s = lax.axis_index("s")
    wid = s * _NC + c
    pltpu.sync_copy(zrow_hbm.at[pl.ds(s * _RPT, _RPT)],
                    acc_sh.at[pl.ds(s * _RPT, _RPT)])

    @pl.when(s == _NS - 1)
    def _():
      pltpu.sync_copy(zrow_hbm.at[pl.ds(_TAIL_OFF, _TAIL)],
                      acc_sh.at[pl.ds(_TAIL_OFF, _TAIL)])

    if with_deg:
      @pl.when(s == 0)
      def _():
        pltpu.sync_copy(zdeg_hbm, deg_sh)
      pltpu.sync_copy(ones_hbm, ones_v)
    plsc.subcore_barrier()

    def body(g, carry):
      g8 = pl.multiple_of(g * _G, _G)
      pltpu.sync_copy(src_hbm.at[wid, pl.ds(g8, _G)], srcblk)
      pltpu.sync_copy(dst_hbm.at[wid, pl.ds(g8, _G)], dstblk)
      for half in range(_G // _NBUF):
        hs = []
        for k in range(_NBUF):
          j = half * _NBUF + k
          hs.append(pltpu.async_copy(
              table_hbm.at[srcblk.at[j]], rows_v.at[k], sems[k]))
        for k in range(_NBUF):
          j = half * _NBUF + k
          hs[k].wait()
          pltpu.sync_copy(rows_v.at[k], acc_sh.at[dstblk.at[j]], add=True)
          if with_deg:
            pltpu.sync_copy(ones_v, deg_sh.at[dstblk.at[j]], add=True)
      return carry

    lax.fori_loop(0, _NGRP, body, 0)
    plsc.subcore_barrier()

    pltpu.sync_copy(acc_sh.at[pl.ds(s * _RPT, _RPT)],
                    agg_out.at[c, pl.ds(s * _RPT, _RPT)])

    @pl.when(s == _NS - 1)
    def _():
      pltpu.sync_copy(acc_sh.at[pl.ds(_TAIL_OFF, _TAIL)],
                      agg_out.at[c, pl.ds(_TAIL_OFF, _TAIL)])

    if with_deg:
      @pl.when(s == 0)
      def _():
        pltpu.sync_copy(deg_sh, deg_out.at[c])

  return seg


def _prelu(v, a):
  return jnp.where(v >= 0, v, a * v)


_BLK = 1000


def _tc1_body(aggp, degp, x, w0l, b0l, w0r, wskip, a0, hin2, degc):
  agg = aggp[0] + aggp[1]
  deg = jnp.maximum(degp[0] + degp[1], 1.0)
  mean = agg / deg
  h = (jnp.dot(mean, w0l[...], preferred_element_type=jnp.float32)
       + b0l[...]
       + jnp.dot(x[...], w0r[...], preferred_element_type=jnp.float32))
  h = _prelu(_prelu(h, a0[...]), a0[...])
  hin2[...] = h + jnp.dot(x[...], wskip[...], preferred_element_type=jnp.float32)
  degc[...] = deg


def _tc2_body(aggp, degc, hin2, w1l, b1l, w1r, a1, out):
  mean = (aggp[0] + aggp[1]) / degc[...]
  h = (jnp.dot(mean, w1l[...], preferred_element_type=jnp.float32)
       + b1l[...]
       + jnp.dot(hin2[...], w1r[...], preferred_element_type=jnp.float32))
  out[...] = _prelu(h, a1[...])


def _w_spec():
  return pl.BlockSpec((_D, _D), lambda i: (0, 0))


def _v_spec():
  return pl.BlockSpec((1, _D), lambda i: (0, 0))


def _row_spec(d=_D):
  return pl.BlockSpec((_BLK, d), lambda i: (i, 0))


def _part_spec(d=_D):
  return pl.BlockSpec((_NC, _BLK, d), lambda i: (0, i, 0))


def _tc1(aggp, degp, x, w0l, b0l, w0r, wskip, a0):
  return pl.pallas_call(
      _tc1_body,
      grid=(_N // _BLK,),
      in_specs=[_part_spec(), _part_spec(1), _row_spec(), _w_spec(), _v_spec(),
                _w_spec(), _w_spec(), _v_spec()],
      out_specs=[_row_spec(), _row_spec(1)],
      out_shape=[jax.ShapeDtypeStruct((_N, _D), jnp.float32),
                 jax.ShapeDtypeStruct((_N, 1), jnp.float32)],
  )(aggp, degp, x, w0l, b0l, w0r, wskip, a0)


def _tc2(aggp, degc, hin2, w1l, b1l, w1r, a1):
  return pl.pallas_call(
      _tc2_body,
      grid=(_N // _BLK,),
      in_specs=[_part_spec(), _row_spec(1), _row_spec(), _w_spec(), _v_spec(),
                _w_spec(), _v_spec()],
      out_specs=_row_spec(),
      out_shape=jax.ShapeDtypeStruct((_N, _D), jnp.float32),
  )(aggp, degc, hin2, w1l, b1l, w1r, a1)


def kernel(x, edge_index, edge_weight, W0l, b0l, W0r, W1l, b1l, W1r, Wskip, a0, a1):
  del edge_weight
  npad = _EPAD - _E
  src = jnp.concatenate(
      [edge_index[0].astype(jnp.int32),
       jnp.arange(npad, dtype=jnp.int32) % _N])
  dst = jnp.concatenate(
      [edge_index[1].astype(jnp.int32),
       _N + jnp.arange(npad, dtype=jnp.int32) % _NSINK])
  src3 = src.reshape(_NW, _NCHUNK, _C)
  dst3 = dst.reshape(_NW, _NCHUNK, _C)
  ones = jnp.ones((_C,), jnp.float32)
  zrow = jnp.zeros((_N, _D), jnp.float32)
  zdeg = jnp.zeros((_NDEG,), jnp.float32)
  seg1 = _make_seg_sum(True)
  seg2 = _make_seg_sum(False)

  b0 = b0l.reshape(1, _D)
  b1 = b1l.reshape(1, _D)
  a0r = a0.reshape(1, _D)
  a1r = a1.reshape(1, _D)

  agg1p, deg1p = seg1(x, src3, dst3, ones, zrow, zdeg)
  deg1p = deg1p[:, :_N].reshape(_NC, _N, 1)
  hin2, degc = _tc1(agg1p, deg1p, x, W0l, b0, W0r, Wskip, a0r)
  (agg2p,) = seg2(hin2, src3, dst3, ones, zrow, zdeg)
  return _tc2(agg2p, degc, hin2, W1l, b1, W1r, a1r)

# --- scband reference (transcript-rebuilt; emitter-appended) ---
"""Pipeline reference for scband-sage-encoder-7627861917895 (READ-ONLY COPY).

The authoritative reference and input builder live on the scoring server;
editing this copy changes nothing except your own understanding.
"""

import jax, jax.numpy as jnp
import numpy as np

N = 10000
E = 320000
D_IN = 128
D_HID = 128
D_EMB = 128


def _lin_init(key, fan_in, fan_out, with_bias):
    s = 1.0 / np.sqrt(fan_in)
    kw, kb = jax.random.split(key)
    W = jax.random.uniform(kw, (fan_in, fan_out), minval=-s, maxval=s, dtype=jnp.float32)
    if with_bias:
        b = jax.random.uniform(kb, (fan_out,), minval=-s, maxval=s, dtype=jnp.float32)
        return W, b
    return W


def setup_inputs(seed: int = 0) -> dict:
    key = jax.random.key(seed)
    ks = jax.random.split(key, 10)
    x = jax.random.normal(ks[0], (N, D_IN), dtype=jnp.float32)
    edge_index = jax.random.randint(ks[1], (2, E), 0, N)
    edge_weight = jax.random.uniform(ks[2], (E,), dtype=jnp.float32)
    # SAGEConv 0: input_size -> hidden_size (lin_l has bias, lin_r root weight no bias)
    W0l, b0l = _lin_init(ks[3], D_IN, D_HID, True)
    W0r = _lin_init(ks[4], D_IN, D_HID, False)
    # SAGEConv 1: hidden_size -> embedding_size
    W1l, b1l = _lin_init(ks[5], D_HID, D_EMB, True)
    W1r = _lin_init(ks[6], D_HID, D_EMB, False)
    # skip linear: input_size -> hidden_size, bias=False
    Wskip = _lin_init(ks[7], D_IN, D_HID, False)
    # PReLU per-channel weights, init 0.25
    a0 = jnp.full((D_HID,), 0.25, dtype=jnp.float32)
    a1 = jnp.full((D_EMB,), 0.25, dtype=jnp.float32)
    return {"x": x, "edge_index": edge_index, "edge_weight": edge_weight,
            "W0l": W0l, "b0l": b0l, "W0r": W0r,
            "W1l": W1l, "b1l": b1l, "W1r": W1r,
            "Wskip": Wskip, "a0": a0, "a1": a1}


def _sage_conv(h, src, dst, Wl, bl, Wr):
    # mean aggregation of source-node messages at destination nodes
    agg = jax.ops.segment_sum(h[src], dst, num_segments=N)
    deg = jax.ops.segment_sum(jnp.ones((src.shape[0],), dtype=h.dtype), dst, num_segments=N)
    mean = agg / jnp.maximum(deg, 1.0)[:, None]
    return mean @ Wl + bl + h @ Wr


def _prelu(v, a):
    return jnp.where(v >= 0, v, a * v)


def reference(x, edge_index, edge_weight, W0l, b0l, W0r, W1l, b1l, W1r, Wskip, a0, a1):
    # edge_weight is accepted by the torch forward but unused (SAGEConv called without it)
    src = edge_index[0]
    dst = edge_index[1]
    h = _sage_conv(x, src, dst, W0l, b0l, W0r)
    h = _prelu(h, a0)
    hl_sum = _prelu(h, a0)  # torch code applies activation again when storing in h_l
    x_skip = x @ Wskip
    h = _sage_conv(hl_sum + x_skip, src, dst, W1l, b1l, W1r)
    h = _prelu(h, a1)
    return h

if __name__ == "__main__":
    import jax
    _d = setup_inputs()
    print(jax.jit(kernel)(*tuple(_d.values())))

</pallas_src>

<mosaic_0001>
#map = affine_map<(d0, d1) -> (0, 0)>
#map1 = affine_map<(d0, d1) -> (0, 0, 0)>
#map2 = affine_map<(d0, d1) -> (0)>
module attributes {stable_mosaic.version = 14 : i64} {
  func.func @seg(%arg0: i32, %arg1: i32, %arg2: memref<10000x128xf32, #tpu.memory_space<hbm>>, %arg3: memref<32x80x128xi32, #tpu.memory_space<hbm>>, %arg4: memref<32x80x128xi32, #tpu.memory_space<hbm>>, %arg5: memref<128xf32, #tpu.memory_space<hbm>>, %arg6: memref<10000x128xf32, #tpu.memory_space<hbm>>, %arg7: memref<10240xf32, #tpu.memory_space<hbm>>, %arg8: memref<2x10000x128xf32, #tpu.memory_space<hbm>>, %arg9: memref<2x10240xf32, #tpu.memory_space<hbm>>, %arg10: memref<8x128xi32, #tpu.memory_space<vmem>>, %arg11: memref<8x128xi32, #tpu.memory_space<vmem>>, %arg12: memref<2x128x128xf32, #tpu.memory_space<vmem>>, %arg13: memref<128xf32, #tpu.memory_space<vmem>>, %arg14: memref<10128x128xf32, #tpu.memory_space<vmem_shared>>, %arg15: memref<10240xf32, #tpu.memory_space<vmem_shared>>, %arg16: memref<!tpu.dma_semaphore, #tpu.memory_space<semaphore_mem>>, %arg17: memref<!tpu.dma_semaphore, #tpu.memory_space<semaphore_mem>>, %arg18: memref<!tpu.dma_semaphore, #tpu.memory_space<semaphore_mem>>, %arg19: memref<!tpu.dma_semaphore, #tpu.memory_space<semaphore_mem>>) attributes {dimension_semantics = [#tpu.dimension_semantics<core_parallel>, #tpu.dimension_semantics<subcore_parallel>], iteration_bounds = array<i64: 2, 16>, scalar_prefetch = 0 : i64, scratch_operands = 10 : i64, tpu.core_type = #tpu.core_type<sc_vector_subcore>, window_params = [{transform_indices = #map}, {transform_indices = #map1}, {transform_indices = #map1}, {transform_indices = #map2}, {transform_indices = #map}, {transform_indices = #map2}, {transform_indices = #map1}, {transform_indices = #map}]} {
    %mul3A = arith.constant 2 : i32
    %mul3A_0 = arith.muli %arg1, %mul3A : i32
    %add3A = arith.addi %mul3A_0, %arg0 : i32
    %mul3A_1 = arith.constant 624 : i32
    %mul3A_2 = arith.muli %arg1, %mul3A_1 : i32
    %mul3A_3 = arith.constant 624 : i32
    %mul3A_4 = arith.muli %arg1, %mul3A_3 : i32
    "tpu.region"() ({
      %run_scoped3A = tpu.sem_alloc : memref<!tpu.dma_semaphore, #tpu.memory_space<semaphore_mem>>
      %dma_start3A = arith.constant 0 : i32
      %dma_start3A_32 = tpu.memref_slice %arg14[%mul3A_4, %dma_start3A] : memref<10128x128xf32, #tpu.memory_space<vmem_shared>> -> memref<624x128xf32, #tpu.memory_space<vmem_shared>>
      %dma_start3A_33 = arith.constant 0 : i32
      %dma_start3A_34 = tpu.memref_slice %arg6[%mul3A_2, %dma_start3A_33] : memref<10000x128xf32, #tpu.memory_space<hbm>> -> memref<624x128xf32, #tpu.memory_space<hbm>>
      tpu.enqueue_dma source(%dma_start3A_34 : memref<624x128xf32, #tpu.memory_space<hbm>>) target(%dma_start3A_32 : memref<624x128xf32, #tpu.memory_space<vmem_shared>>) target_semaphore(%run_scoped3A : memref<!tpu.dma_semaphore, #tpu.memory_space<semaphore_mem>>)
      %dma_wait3A = arith.constant 0 : i32
      %dma_wait3A_35 = tpu.memref_slice %arg14[%mul3A_4, %dma_wait3A] : memref<10128x128xf32, #tpu.memory_space<vmem_shared>> -> memref<624x128xf32, #tpu.memory_space<vmem_shared>>
      %dma_wait3A_36 = arith.constant 0 : i32
      %dma_wait3A_37 = tpu.memref_slice %arg6[%mul3A_2, %dma_wait3A_36] : memref<10000x128xf32, #tpu.memory_space<hbm>> -> memref<624x128xf32, #tpu.memory_space<hbm>>
      tpu.wait_dma2 semaphore(%run_scoped3A : memref<!tpu.dma_semaphore, #tpu.memory_space<semaphore_mem>>) src(%dma_wait3A_37 : memref<624x128xf32, #tpu.memory_space<hbm>>) dst(%dma_wait3A_35 : memref<624x128xf32, #tpu.memory_space<vmem_shared>>)
      tpu.yield
    }) : () -> ()
    %eq3A = arith.constant 15 : i32
    %eq3A_5 = arith.cmpi eq, %arg1, %eq3A : i32
    %convert_element_type3A = arith.extui %eq3A_5 : i1 to i32
    %cond3A = arith.constant 0 : i32
    %cond3A_6 = arith.cmpi ne, %convert_element_type3A, %cond3A : i32
    scf.if %cond3A_6 {
      "tpu.region"() ({
        %run_scoped3A = tpu.sem_alloc : memref<!tpu.dma_semaphore, #tpu.memory_space<semaphore_mem>>
        %dma_start3A = arith.constant 9984 : i32
        %dma_start3A_32 = arith.constant 0 : i32
        %dma_start3A_33 = tpu.memref_slice %arg14[%dma_start3A, %dma_start3A_32] : memref<10128x128xf32, #tpu.memory_space<vmem_shared>> -> memref<16x128xf32, #tpu.memory_space<vmem_shared>>
        %dma_start3A_34 = arith.constant 9984 : i32
        %dma_start3A_35 = arith.constant 0 : i32
        %dma_start3A_36 = tpu.memref_slice %arg6[%dma_start3A_34, %dma_start3A_35] : memref<10000x128xf32, #tpu.memory_space<hbm>> -> memref<16x128xf32, #tpu.memory_space<hbm>>
        tpu.enqueue_dma source(%dma_start3A_36 : memref<16x128xf32, #tpu.memory_space<hbm>>) target(%dma_start3A_33 : memref<16x128xf32, #tpu.memory_space<vmem_shared>>) target_semaphore(%run_scoped3A : memref<!tpu.dma_semaphore, #tpu.memory_space<semaphore_mem>>)
        %dma_wait3A = arith.constant 9984 : i32
        %dma_wait3A_37 = arith.constant 0 : i32
        %dma_wait3A_38 = tpu.memref_slice %arg14[%dma_wait3A, %dma_wait3A_37] : memref<10128x128xf32, #tpu.memory_space<vmem_shared>> -> memref<16x128xf32, #tpu.memory_space<vmem_shared>>
        %dma_wait3A_39 = arith.constant 9984 : i32
        %dma_wait3A_40 = arith.constant 0 : i32
        %dma_wait3A_41 = tpu.memref_slice %arg6[%dma_wait3A_39, %dma_wait3A_40] : memref<10000x128xf32, #tpu.memory_space<hbm>> -> memref<16x128xf32, #tpu.memory_space<hbm>>
        tpu.wait_dma2 semaphore(%run_scoped3A : memref<!tpu.dma_semaphore, #tpu.memory_space<semaphore_mem>>) src(%dma_wait3A_41 : memref<16x128xf32, #tpu.memory_space<hbm>>) dst(%dma_wait3A_38 : memref<16x128xf32, #tpu.memory_space<vmem_shared>>)
        tpu.yield
      }) : () -> ()
    } else {
    }
    %eq3A_7 = arith.constant 0 : i32
    %eq3A_8 = arith.cmpi eq, %arg1, %eq3A_7 : i32
    %convert_element_type3A_9 = arith.extui %eq3A_8 : i1 to i32
    %cond3A_10 = arith.constant 0 : i32
    %cond3A_11 = arith.cmpi ne, %convert_element_type3A_9, %cond3A_10 : i32
    scf.if %cond3A_11 {
      "tpu.region"() ({
        %run_scoped3A = tpu.sem_alloc : memref<!tpu.dma_semaphore, #tpu.memory_space<semaphore_mem>>
        tpu.enqueue_dma source(%arg7 : memref<10240xf32, #tpu.memory_space<hbm>>) target(%arg15 : memref<10240xf32, #tpu.memory_space<vmem_shared>>) target_semaphore(%run_scoped3A : memref<!tpu.dma_semaphore, #tpu.memory_space<semaphore_mem>>)
        tpu.wait_dma2 semaphore(%run_scoped3A : memref<!tpu.dma_semaphore, #tpu.memory_space<semaphore_mem>>) src(%arg7 : memref<10240xf32, #tpu.memory_space<hbm>>) dst(%arg15 : memref<10240xf32, #tpu.memory_space<vmem_shared>>)
        tpu.yield
      }) : () -> ()
    } else {
    }
    "tpu.region"() ({
      %run_scoped3A = tpu.sem_alloc : memref<!tpu.dma_semaphore, #tpu.memory_space<semaphore_mem>>
      tpu.enqueue_dma source(%arg5 : memref<128xf32, #tpu.memory_space<hbm>>) target(%arg13 : memref<128xf32, #tpu.memory_space<vmem>>) target_semaphore(%run_scoped3A : memref<!tpu.dma_semaphore, #tpu.memory_space<semaphore_mem>>)
      tpu.wait_dma2 semaphore(%run_scoped3A : memref<!tpu.dma_semaphore, #tpu.memory_space<semaphore_mem>>) src(%arg5 : memref<128xf32, #tpu.memory_space<hbm>>) dst(%arg13 : memref<128xf32, #tpu.memory_space<vmem>>)
      tpu.yield
    }) : () -> ()
    %barrier3A = arith.constant 0 : index
    tpu.barrier barrier_id(%barrier3A)
    %scan3A = arith.constant 0 : i32
    %scan3A_12 = arith.constant 0 : i32
    %scan3A_13 = arith.constant 10 : i32
    %scan3A_14 = arith.addi %scan3A_12, %scan3A_13 : i32
    %scan3A_15 = arith.constant 1 : i32
    scf.for %scan3A_32 = %scan3A_12 to %scan3A_14 step %scan3A_15  : i32 {
      %mul3A_33 = arith.constant 8 : i32
      %mul3A_34 = arith.muli %scan3A_32, %mul3A_33 : i32
      %multiple_of3A = tpu.assume_multiple %mul3A_34, 8 : i32
      "tpu.region"() ({
        %run_scoped3A_248 = tpu.sem_alloc : memref<!tpu.dma_semaphore, #tpu.memory_space<semaphore_mem>>
        %dma_start3A_249 = arith.constant 0 : i32
        %dma_start3A_250 = tpu.memref_slice %arg3[%add3A, %multiple_of3A, %dma_start3A_249] : memref<32x80x128xi32, #tpu.memory_space<hbm>> -> memref<1x8x128xi32, #tpu.memory_space<hbm>>
        %dma_start3A_251 = tpu.memref_squeeze %dma_start3A_250 : memref<1x8x128xi32, #tpu.memory_space<hbm>> -> memref<8x128xi32, #tpu.memory_space<hbm>>
        %dma_start3A_252 = arith.constant 0 : i32
        %dma_start3A_253 = tpu.memref_slice %arg3[%add3A, %multiple_of3A, %dma_start3A_252] : memref<32x80x128xi32, #tpu.memory_space<hbm>> -> memref<1x8x128xi32, #tpu.memory_space<hbm>>
        %dma_start3A_254 = tpu.memref_squeeze %dma_start3A_253 : memref<1x8x128xi32, #tpu.memory_space<hbm>> -> memref<8x128xi32, #tpu.memory_space<hbm>>
        tpu.enqueue_dma source(%dma_start3A_254 : memref<8x128xi32, #tpu.memory_space<hbm>>) target(%arg10 : memref<8x128xi32, #tpu.memory_space<vmem>>) target_semaphore(%run_scoped3A_248 : memref<!tpu.dma_semaphore, #tpu.memory_space<semaphore_mem>>)
        %dma_wait3A_255 = arith.constant 0 : i32
        %dma_wait3A_256 = tpu.memref_slice %arg3[%add3A, %multiple_of3A, %dma_wait3A_255] : memref<32x80x128xi32, #tpu.memory_space<hbm>> -> memref<1x8x128xi32, #tpu.memory_space<hbm>>
        %dma_wait3A_257 = tpu.memref_squeeze %dma_wait3A_256 : memref<1x8x128xi32, #tpu.memory_space<hbm>> -> memref<8x128xi32, #tpu.memory_space<hbm>>
        %dma_wait3A_258 = arith.constant 0 : i32
        %dma_wait3A_259 = tpu.memref_slice %arg3[%add3A, %multiple_of3A, %dma_wait3A_258] : memref<32x80x128xi32, #tpu.memory_space<hbm>> -> memref<1x8x128xi32, #tpu.memory_space<hbm>>
        %dma_wait3A_260 = tpu.memref_squeeze %dma_wait3A_259 : memref<1x8x128xi32, #tpu.memory_space<hbm>> -> memref<8x128xi32, #tpu.memory_space<hbm>>
        tpu.wait_dma2 semaphore(%run_scoped3A_248 : memref<!tpu.dma_semaphore, #tpu.memory_space<semaphore_mem>>) src(%dma_wait3A_260 : memref<8x128xi32, #tpu.memory_space<hbm>>) dst(%arg10 : memref<8x128xi32, #tpu.memory_space<vmem>>)
        tpu.yield
      }) : () -> ()
      "tpu.region"() ({
        %run_scoped3A_248 = tpu.sem_alloc : memref<!tpu.dma_semaphore, #tpu.memory_space<semaphore_mem>>
        %dma_start3A_249 = arith.constant 0 : i32
        %dma_start3A_250 = tpu.memref_slice %arg4[%add3A, %multiple_of3A, %dma_start3A_249] : memref<32x80x128xi32, #tpu.memory_space<hbm>> -> memref<1x8x128xi32, #tpu.memory_space<hbm>>
        %dma_start3A_251 = tpu.memref_squeeze %dma_start3A_250 : memref<1x8x128xi32, #tpu.memory_space<hbm>> -> memref<8x128xi32, #tpu.memory_space<hbm>>
        %dma_start3A_252 = arith.constant 0 : i32
        %dma_start3A_253 = tpu.memref_slice %arg4[%add3A, %multiple_of3A, %dma_start3A_252] : memref<32x80x128xi32, #tpu.memory_space<hbm>> -> memref<1x8x128xi32, #tpu.memory_space<hbm>>
        %dma_start3A_254 = tpu.memref_squeeze %dma_start3A_253 : memref<1x8x128xi32, #tpu.memory_space<hbm>> -> memref<8x128xi32, #tpu.memory_space<hbm>>
        tpu.enqueue_dma source(%dma_start3A_254 : memref<8x128xi32, #tpu.memory_space<hbm>>) target(%arg11 : memref<8x128xi32, #tpu.memory_space<vmem>>) target_semaphore(%run_scoped3A_248 : memref<!tpu.dma_semaphore, #tpu.memory_space<semaphore_mem>>)
        %dma_wait3A_255 = arith.constant 0 : i32
        %dma_wait3A_256 = tpu.memref_slice %arg4[%add3A, %multiple_of3A, %dma_wait3A_255] : memref<32x80x128xi32, #tpu.memory_space<hbm>> -> memref<1x8x128xi32, #tpu.memory_space<hbm>>
        %dma_wait3A_257 = tpu.memref_squeeze %dma_wait3A_256 : memref<1x8x128xi32, #tpu.memory_space<hbm>> -> memref<8x128xi32, #tpu.memory_space<hbm>>
        %dma_wait3A_258 = arith.constant 0 : i32
        %dma_wait3A_259 = tpu.memref_slice %arg4[%add3A, %multiple_of3A, %dma_wait3A_258] : memref<32x80x128xi32, #tpu.memory_space<hbm>> -> memref<1x8x128xi32, #tpu.memory_space<hbm>>
        %dma_wait3A_260 = tpu.memref_squeeze %dma_wait3A_259 : memref<1x8x128xi32, #tpu.memory_space<hbm>> -> memref<8x128xi32, #tpu.memory_space<hbm>>
        tpu.wait_dma2 semaphore(%run_scoped3A_248 : memref<!tpu.dma_semaphore, #tpu.memory_space<semaphore_mem>>) src(%dma_wait3A_260 : memref<8x128xi32, #tpu.memory_space<hbm>>) dst(%arg11 : memref<8x128xi32, #tpu.memory_space<vmem>>)
        tpu.yield
      }) : () -> ()
      %dma_start3A = arith.constant 0 : i32
      %dma_start3A_35 = arith.constant 0 : i32
      %dma_start3A_36 = arith.constant 0 : i32
      %dma_start3A_37 = arith.constant 0 : i32
      %dma_start3A_38 = tpu.memref_slice %arg12[%dma_start3A_35, %dma_start3A_36, %dma_start3A_37] : memref<2x128x128xf32, #tpu.memory_space<vmem>> -> memref<1x128x128xf32, #tpu.memory_space<vmem>>
      %dma_start3A_39 = tpu.memref_squeeze %dma_start3A_38 : memref<1x128x128xf32, #tpu.memory_space<vmem>> -> memref<128x128xf32, #tpu.memory_space<vmem>>
      %dma_start3A_40 = arith.constant 0 : i32
      %dma_start3A_41 = tpu.memref_slice %arg10[%dma_start3A, %dma_start3A_40] : memref<8x128xi32, #tpu.memory_space<vmem>> -> memref<1x128xi32, #tpu.memory_space<vmem>>
      %dma_start3A_42 = tpu.memref_squeeze %dma_start3A_41 : memref<1x128xi32, #tpu.memory_space<vmem>> -> memref<128xi32, #tpu.memory_space<vmem>>
      %dma_start3A_43 = arith.constant 0 : i32
      %dma_start3A_44 = arith.constant 0 : i32
      %dma_start3A_45 = tpu.memref_slice %arg2[%dma_start3A_43, %dma_start3A_44] : memref<10000x128xf32, #tpu.memory_space<hbm>> -> memref<10000x128xf32, #tpu.memory_space<hbm>>
      tpu.enqueue_indirect_dma source(%dma_start3A_45 : memref<10000x128xf32, #tpu.memory_space<hbm>>) target(%dma_start3A_39 : memref<128x128xf32, #tpu.memory_space<vmem>>) offsets(%dma_start3A_42 : memref<128xi32, #tpu.memory_space<vmem>>) semaphore(%arg16 : memref<!tpu.dma_semaphore, #tpu.memory_space<semaphore_mem>>)
      %dma_start3A_46 = arith.constant 1 : i32
      %dma_start3A_47 = arith.constant 1 : i32
      %dma_start3A_48 = arith.constant 0 : i32
      %dma_start3A_49 = arith.constant 0 : i32
      %dma_start3A_50 = tpu.memref_slice %arg12[%dma_start3A_47, %dma_start3A_48, %dma_start3A_49] : memref<2x128x128xf32, #tpu.memory_space<vmem>> -> memref<1x128x128xf32, #tpu.memory_space<vmem>>
      %dma_start3A_51 = tpu.memref_squeeze %dma_start3A_50 : memref<1x128x128xf32, #tpu.memory_space<vmem>> -> memref<128x128xf32, #tpu.memory_space<vmem>>
      %dma_start3A_52 = arith.constant 0 : i32
      %dma_start3A_53 = tpu.memref_slice %arg10[%dma_start3A_46, %dma_start3A_52] : memref<8x128xi32, #tpu.memory_space<vmem>> -> memref<1x128xi32, #tpu.memory_space<vmem>>
      %dma_start3A_54 = tpu.memref_squeeze %dma_start3A_53 : memref<1x128xi32, #tpu.memory_space<vmem>> -> memref<128xi32, #tpu.memory_space<vmem>>
      %dma_start3A_55 = arith.constant 0 : i32
      %dma_start3A_56 = arith.constant 0 : i32
      %dma_start3A_57 = tpu.memref_slice %arg2[%dma_start3A_55, %dma_start3A_56] : memref<10000x128xf32, #tpu.memory_space<hbm>> -> memref<10000x128xf32, #tpu.memory_space<hbm>>
      tpu.enqueue_indirect_dma source(%dma_start3A_57 : memref<10000x128xf32, #tpu.memory_space<hbm>>) target(%dma_start3A_51 : memref<128x128xf32, #tpu.memory_space<vmem>>) offsets(%dma_start3A_54 : memref<128xi32, #tpu.memory_space<vmem>>) semaphore(%arg17 : memref<!tpu.dma_semaphore, #tpu.memory_space<semaphore_mem>>)
      %dma_wait3A = arith.constant 0 : i32
      %dma_wait3A_58 = arith.constant 0 : i32
      %dma_wait3A_59 = arith.constant 0 : i32
      %dma_wait3A_60 = arith.constant 0 : i32
      %dma_wait3A_61 = tpu.memref_slice %arg12[%dma_wait3A_58, %dma_wait3A_59, %dma_wait3A_60] : memref<2x128x128xf32, #tpu.memory_space<vmem>> -> memref<1x128x128xf32, #tpu.memory_space<vmem>>
      %dma_wait3A_62 = tpu.memref_squeeze %dma_wait3A_61 : memref<1x128x128xf32, #tpu.memory_space<vmem>> -> memref<128x128xf32, #tpu.memory_space<vmem>>
      %dma_wait3A_63 = arith.constant 0 : i32
      %dma_wait3A_64 = tpu.memref_slice %arg10[%dma_wait3A, %dma_wait3A_63] : memref<8x128xi32, #tpu.memory_space<vmem>> -> memref<1x128xi32, #tpu.memory_space<vmem>>
      %dma_wait3A_65 = tpu.memref_squeeze %dma_wait3A_64 : memref<1x128xi32, #tpu.memory_space<vmem>> -> memref<128xi32, #tpu.memory_space<vmem>>
      %dma_wait3A_66 = arith.constant 0 : i32
      %dma_wait3A_67 = arith.constant 0 : i32
      %dma_wait3A_68 = tpu.memref_slice %arg2[%dma_wait3A_66, %dma_wait3A_67] : memref<10000x128xf32, #tpu.memory_space<hbm>> -> memref<10000x128xf32, #tpu.memory_space<hbm>>
      tpu.wait_indirect_dma semaphore(%arg16 : memref<!tpu.dma_semaphore, #tpu.memory_space<semaphore_mem>>) src(%dma_wait3A_68 : memref<10000x128xf32, #tpu.memory_space<hbm>>) dst(%dma_wait3A_62 : memref<128x128xf32, #tpu.memory_space<vmem>>)
      %run_scoped3A = arith.constant 0 : i32
      %run_scoped3A_69 = arith.constant 0 : i32
      "tpu.region"() ({
        %run_scoped3A_248 = tpu.sem_alloc : memref<!tpu.dma_semaphore, #tpu.memory_space<semaphore_mem>>
        %dma_start3A_249 = arith.constant 0 : i32
        %dma_start3A_250 = arith.constant 0 : i32
        %dma_start3A_251 = tpu.memref_slice %arg12[%run_scoped3A, %dma_start3A_249, %dma_start3A_250] : memref<2x128x128xf32, #tpu.memory_space<vmem>> -> memref<1x128x128xf32, #tpu.memory_space<vmem>>
        %dma_start3A_252 = tpu.memref_squeeze %dma_start3A_251 : memref<1x128x128xf32, #tpu.memory_space<vmem>> -> memref<128x128xf32, #tpu.memory_space<vmem>>
        %dma_start3A_253 = arith.constant 0 : i32
        %dma_start3A_254 = tpu.memref_slice %arg11[%run_scoped3A_69, %dma_start3A_253] : memref<8x128xi32, #tpu.memory_space<vmem>> -> memref<1x128xi32, #tpu.memory_space<vmem>>
        %dma_start3A_255 = tpu.memref_squeeze %dma_start3A_254 : memref<1x128xi32, #tpu.memory_space<vmem>> -> memref<128xi32, #tpu.memory_space<vmem>>
        %dma_start3A_256 = arith.constant 0 : i32
        %dma_start3A_257 = arith.constant 0 : i32
        %dma_start3A_258 = tpu.memref_slice %arg14[%dma_start3A_256, %dma_start3A_257] : memref<10128x128xf32, #tpu.memory_space<vmem_shared>> -> memref<10128x128xf32, #tpu.memory_space<vmem_shared>>
        tpu.enqueue_indirect_dma source(%dma_start3A_252 : memref<128x128xf32, #tpu.memory_space<vmem>>) target(%dma_start3A_258 : memref<10128x128xf32, #tpu.memory_space<vmem_shared>>) offsets(%dma_start3A_255 : memref<128xi32, #tpu.memory_space<vmem>>) semaphore(%run_scoped3A_248 : memref<!tpu.dma_semaphore, #tpu.memory_space<semaphore_mem>>) {add = true}
        %dma_wait3A_259 = arith.constant 0 : i32
        %dma_wait3A_260 = arith.constant 0 : i32
        %dma_wait3A_261 = tpu.memref_slice %arg12[%run_scoped3A, %dma_wait3A_259, %dma_wait3A_260] : memref<2x128x128xf32, #tpu.memory_space<vmem>> -> memref<1x128x128xf32, #tpu.memory_space<vmem>>
        %dma_wait3A_262 = tpu.memref_squeeze %dma_wait3A_261 : memref<1x128x128xf32, #tpu.memory_space<vmem>> -> memref<128x128xf32, #tpu.memory_space<vmem>>
        %dma_wait3A_263 = arith.constant 0 : i32
        %dma_wait3A_264 = tpu.memref_slice %arg11[%run_scoped3A_69, %dma_wait3A_263] : memref<8x128xi32, #tpu.memory_space<vmem>> -> memref<1x128xi32, #tpu.memory_space<vmem>>
        %dma_wait3A_265 = tpu.memref_squeeze %dma_wait3A_264 : memref<1x128xi32, #tpu.memory_space<vmem>> -> memref<128xi32, #tpu.memory_space<vmem>>
        %dma_wait3A_266 = arith.constant 0 : i32
        %dma_wait3A_267 = arith.constant 0 : i32
        %dma_wait3A_268 = tpu.memref_slice %arg14[%dma_wait3A_266, %dma_wait3A_267] : memref<10128x128xf32, #tpu.memory_space<vmem_shared>> -> memref<10128x128xf32, #tpu.memory_space<vmem_shared>>
        tpu.wait_indirect_dma semaphore(%run_scoped3A_248 : memref<!tpu.dma_semaphore, #tpu.memory_space<semaphore_mem>>) src(%dma_wait3A_262 : memref<128x128xf32, #tpu.memory_space<vmem>>) dst(%dma_wait3A_268 : memref<10128x128xf32, #tpu.memory_space<vmem_shared>>)
        tpu.yield
      }) : () -> ()
      %run_scoped3A_70 = arith.constant 0 : i32
      "tpu.region"() ({
        %run_scoped3A_248 = tpu.sem_alloc : memref<!tpu.dma_semaphore, #tpu.memory_space<semaphore_mem>>
        %dma_start3A_249 = arith.constant 0 : i32
        %dma_start3A_250 = tpu.memref_slice %arg11[%run_scoped3A_70, %dma_start3A_249] : memref<8x128xi32, #tpu.memory_space<vmem>> -> memref<1x128xi32, #tpu.memory_space<vmem>>
        %dma_start3A_251 = tpu.memref_squeeze %dma_start3A_250 : memref<1x128xi32, #tpu.memory_space<vmem>> -> memref<128xi32, #tpu.memory_space<vmem>>
        %dma_start3A_252 = arith.constant 0 : i32
        %dma_start3A_253 = tpu.memref_slice %arg15[%dma_start3A_252] : memref<10240xf32, #tpu.memory_space<vmem_shared>> -> memref<10240xf32, #tpu.memory_space<vmem_shared>>
        tpu.enqueue_indirect_dma source(%arg13 : memref<128xf32, #tpu.memory_space<vmem>>) target(%dma_start3A_253 : memref<10240xf32, #tpu.memory_space<vmem_shared>>) offsets(%dma_start3A_251 : memref<128xi32, #tpu.memory_space<vmem>>) semaphore(%run_scoped3A_248 : memref<!tpu.dma_semaphore, #tpu.memory_space<semaphore_mem>>) {add = true}
        %dma_wait3A_254 = arith.constant 0 : i32
        %dma_wait3A_255 = tpu.memref_slice %arg11[%run_scoped3A_70, %dma_wait3A_254] : memref<8x128xi32, #tpu.memory_space<vmem>> -> memref<1x128xi32, #tpu.memory_space<vmem>>
        %dma_wait3A_256 = tpu.memref_squeeze %dma_wait3A_255 : memref<1x128xi32, #tpu.memory_space<vmem>> -> memref<128xi32, #tpu.memory_space<vmem>>
        %dma_wait3A_257 = arith.constant 0 : i32
        %dma_wait3A_258 = tpu.memref_slice %arg15[%dma_wait3A_257] : memref<10240xf32, #tpu.memory_space<vmem_shared>> -> memref<10240xf32, #tpu.memory_space<vmem_shared>>
        tpu.wait_indirect_dma semaphore(%run_scoped3A_248 : memref<!tpu.dma_semaphore, #tpu.memory_space<semaphore_mem>>) src(%arg13 : memref<128xf32, #tpu.memory_space<vmem>>) dst(%dma_wait3A_258 : memref<10240xf32, #tpu.memory_space<vmem_shared>>)
        tpu.yield
      }) : () -> ()
      %dma_wait3A_71 = arith.constant 1 : i32
      %dma_wait3A_72 = arith.constant 1 : i32
      %dma_wait3A_73 = arith.constant 0 : i32
      %dma_wait3A_74 = arith.constant 0 : i32
      %dma_wait3A_75 = tpu.memref_slice %arg12[%dma_wait3A_72, %dma_wait3A_73, %dma_wait3A_74] : memref<2x128x128xf32, #tpu.memory_space<vmem>> -> memref<1x128x128xf32, #tpu.memory_space<vmem>>
      %dma_wait3A_76 = tpu.memref_squeeze %dma_wait3A_75 : memref<1x128x128xf32, #tpu.memory_space<vmem>> -> memref<128x128xf32, #tpu.memory_space<vmem>>
      %dma_wait3A_77 = arith.constant 0 : i32
      %dma_wait3A_78 = tpu.memref_slice %arg10[%dma_wait3A_71, %dma_wait3A_77] : memref<8x128xi32, #tpu.memory_space<vmem>> -> memref<1x128xi32, #tpu.memory_space<vmem>>
      %dma_wait3A_79 = tpu.memref_squeeze %dma_wait3A_78 : memref<1x128xi32, #tpu.memory_space<vmem>> -> memref<128xi32, #tpu.memory_space<vmem>>
      %dma_wait3A_80 = arith.constant 0 : i32
      %dma_wait3A_81 = arith.constant 0 : i32
      %dma_wait3A_82 = tpu.memref_slice %arg2[%dma_wait3A_80, %dma_wait3A_81] : memref<10000x128xf32, #tpu.memory_space<hbm>> -> memref<10000x128xf32, #tpu.memory_space<hbm>>
      tpu.wait_indirect_dma semaphore(%arg17 : memref<!tpu.dma_semaphore, #tpu.memory_space<semaphore_mem>>) src(%dma_wait3A_82 : memref<10000x128xf32, #tpu.memory_space<hbm>>) dst(%dma_wait3A_76 : memref<128x128xf32, #tpu.memory_space<vmem>>)
      %run_scoped3A_83 = arith.constant 1 : i32
      %run_scoped3A_84 = arith.constant 1 : i32
      "tpu.region"() ({
        %run_scoped3A_248 = tpu.sem_alloc : memref<!tpu.dma_semaphore, #tpu.memory_space<semaphore_mem>>
        %dma_start3A_249 = arith.constant 0 : i32
        %dma_start3A_250 = arith.constant 0 : i32
        %dma_start3A_251 = tpu.memref_slice %arg12[%run_scoped3A_83, %dma_start3A_249, %dma_start3A_250] : memref<2x128x128xf32, #tpu.memory_space<vmem>> -> memref<1x128x128xf32, #tpu.memory_space<vmem>>
        %dma_start3A_252 = tpu.memref_squeeze %dma_start3A_251 : memref<1x128x128xf32, #tpu.memory_space<vmem>> -> memref<128x128xf32, #tpu.memory_space<vmem>>
        %dma_start3A_253 = arith.constant 0 : i32
        %dma_start3A_254 = tpu.memref_slice %arg11[%run_scoped3A_84, %dma_start3A_253] : memref<8x128xi32, #tpu.memory_space<vmem>> -> memref<1x128xi32, #tpu.memory_space<vmem>>
        %dma_start3A_255 = tpu.memref_squeeze %dma_start3A_254 : memref<1x128xi32, #tpu.memory_space<vmem>> -> memref<128xi32, #tpu.memory_space<vmem>>
        %dma_start3A_256 = arith.constant 0 : i32
        %dma_start3A_257 = arith.constant 0 : i32
        %dma_start3A_258 = tpu.memref_slice %arg14[%dma_start3A_256, %dma_start3A_257] : memref<10128x128xf32, #tpu.memory_space<vmem_shared>> -> memref<10128x128xf32, #tpu.memory_space<vmem_shared>>
        tpu.enqueue_indirect_dma source(%dma_start3A_252 : memref<128x128xf32, #tpu.memory_space<vmem>>) target(%dma_start3A_258 : memref<10128x128xf32, #tpu.memory_space<vmem_shared>>) offsets(%dma_start3A_255 : memref<128xi32, #tpu.memory_space<vmem>>) semaphore(%run_scoped3A_248 : memref<!tpu.dma_semaphore, #tpu.memory_space<semaphore_mem>>) {add = true}
        %dma_wait3A_259 = arith.constant 0 : i32
        %dma_wait3A_260 = arith.constant 0 : i32
        %dma_wait3A_261 = tpu.memref_slice %arg12[%run_scoped3A_83, %dma_wait3A_259, %dma_wait3A_260] : memref<2x128x128xf32, #tpu.memory_space<vmem>> -> memref<1x128x128xf32, #tpu.memory_space<vmem>>
        %dma_wait3A_262 = tpu.memref_squeeze %dma_wait3A_261 : memref<1x128x128xf32, #tpu.memory_space<vmem>> -> memref<128x128xf32, #tpu.memory_space<vmem>>
        %dma_wait3A_263 = arith.constant 0 : i32
        %dma_wait3A_264 = tpu.memref_slice %arg11[%run_scoped3A_84, %dma_wait3A_263] : memref<8x128xi32, #tpu.memory_space<vmem>> -> memref<1x128xi32, #tpu.memory_space<vmem>>
        %dma_wait3A_265 = tpu.memref_squeeze %dma_wait3A_264 : memref<1x128xi32, #tpu.memory_space<vmem>> -> memref<128xi32, #tpu.memory_space<vmem>>
        %dma_wait3A_266 = arith.constant 0 : i32
        %dma_wait3A_267 = arith.constant 0 : i32
        %dma_wait3A_268 = tpu.memref_slice %arg14[%dma_wait3A_266, %dma_wait3A_267] : memref<10128x128xf32, #tpu.memory_space<vmem_shared>> -> memref<10128x128xf32, #tpu.memory_space<vmem_shared>>
        tpu.wait_indirect_dma semaphore(%run_scoped3A_248 : memref<!tpu.dma_semaphore, #tpu.memory_space<semaphore_mem>>) src(%dma_wait3A_262 : memref<128x128xf32, #tpu.memory_space<vmem>>) dst(%dma_wait3A_268 : memref<10128x128xf32, #tpu.memory_space<vmem_shared>>)
        tpu.yield
      }) : () -> ()
      %run_scoped3A_85 = arith.constant 1 : i32
      "tpu.region"() ({
        %run_scoped3A_248 = tpu.sem_alloc : memref<!tpu.dma_semaphore, #tpu.memory_space<semaphore_mem>>
        %dma_start3A_249 = arith.constant 0 : i32
        %dma_start3A_250 = tpu.memref_slice %arg11[%run_scoped3A_85, %dma_start3A_249] : memref<8x128xi32, #tpu.memory_space<vmem>> -> memref<1x128xi32, #tpu.memory_space<vmem>>
        %dma_start3A_251 = tpu.memref_squeeze %dma_start3A_250 : memref<1x128xi32, #tpu.memory_space<vmem>> -> memref<128xi32, #tpu.memory_space<vmem>>
        %dma_start3A_252 = arith.constant 0 : i32
        %dma_start3A_253 = tpu.memref_slice %arg15[%dma_start3A_252] : memref<10240xf32, #tpu.memory_space<vmem_shared>> -> memref<10240xf32, #tpu.memory_space<vmem_shared>>
        tpu.enqueue_indirect_dma source(%arg13 : memref<128xf32, #tpu.memory_space<vmem>>) target(%dma_start3A_253 : memref<10240xf32, #tpu.memory_space<vmem_shared>>) offsets(%dma_start3A_251 : memref<128xi32, #tpu.memory_space<vmem>>) semaphore(%run_scoped3A_248 : memref<!tpu.dma_semaphore, #tpu.memory_space<semaphore_mem>>) {add = true}
        %dma_wait3A_254 = arith.constant 0 : i32
        %dma_wait3A_255 = tpu.memref_slice %arg11[%run_scoped3A_85, %dma_wait3A_254] : memref<8x128xi32, #tpu.memory_space<vmem>> -> memref<1x128xi32, #tpu.memory_space<vmem>>
        %dma_wait3A_256 = tpu.memref_squeeze %dma_wait3A_255 : memref<1x128xi32, #tpu.memory_space<vmem>> -> memref<128xi32, #tpu.memory_space<vmem>>
        %dma_wait3A_257 = arith.constant 0 : i32
        %dma_wait3A_258 = tpu.memref_slice %arg15[%dma_wait3A_257] : memref<10240xf32, #tpu.memory_space<vmem_shared>> -> memref<10240xf32, #tpu.memory_space<vmem_shared>>
        tpu.wait_indirect_dma semaphore(%run_scoped3A_248 : memref<!tpu.dma_semaphore, #tpu.memory_space<semaphore_mem>>) src(%arg13 : memref<128xf32, #tpu.memory_space<vmem>>) dst(%dma_wait3A_258 : memref<10240xf32, #tpu.memory_space<vmem_shared>>)
        tpu.yield
      }) : () -> ()
      %dma_start3A_86 = arith.constant 2 : i32
      %dma_start3A_87 = arith.constant 0 : i32
      %dma_start3A_88 = arith.constant 0 : i32
      %dma_start3A_89 = arith.constant 0 : i32
      %dma_start3A_90 = tpu.memref_slice %arg12[%dma_start3A_87, %dma_start3A_88, %dma_start3A_89] : memref<2x128x128xf32, #tpu.memory_space<vmem>> -> memref<1x128x128xf32, #tpu.memory_space<vmem>>
      %dma_start3A_91 = tpu.memref_squeeze %dma_start3A_90 : memref<1x128x128xf32, #tpu.memory_space<vmem>> -> memref<128x128xf32, #tpu.memory_space<vmem>>
      %dma_start3A_92 = arith.constant 0 : i32
      %dma_start3A_93 = tpu.memref_slice %arg10[%dma_start3A_86, %dma_start3A_92] : memref<8x128xi32, #tpu.memory_space<vmem>> -> memref<1x128xi32, #tpu.memory_space<vmem>>
      %dma_start3A_94 = tpu.memref_squeeze %dma_start3A_93 : memref<1x128xi32, #tpu.memory_space<vmem>> -> memref<128xi32, #tpu.memory_space<vmem>>
      %dma_start3A_95 = arith.constant 0 : i32
      %dma_start3A_96 = arith.constant 0 : i32
      %dma_start3A_97 = tpu.memref_slice %arg2[%dma_start3A_95, %dma_start3A_96] : memref<10000x128xf32, #tpu.memory_space<hbm>> -> memref<10000x128xf32, #tpu.memory_space<hbm>>
      tpu.enqueue_indirect_dma source(%dma_start3A_97 : memref<10000x128xf32, #tpu.memory_space<hbm>>) target(%dma_start3A_91 : memref<128x128xf32, #tpu.memory_space<vmem>>) offsets(%dma_start3A_94 : memref<128xi32, #tpu.memory_space<vmem>>) semaphore(%arg16 : memref<!tpu.dma_semaphore, #tpu.memory_space<semaphore_mem>>)
      %dma_start3A_98 = arith.constant 3 : i32
      %dma_start3A_99 = arith.constant 1 : i32
      %dma_start3A_100 = arith.constant 0 : i32
      %dma_start3A_101 = arith.constant 0 : i32
      %dma_start3A_102 = tpu.memref_slice %arg12[%dma_start3A_99, %dma_start3A_100, %dma_start3A_101] : memref<2x128x128xf32, #tpu.memory_space<vmem>> -> memref<1x128x128xf32, #tpu.memory_space<vmem>>
      %dma_start3A_103 = tpu.memref_squeeze %dma_start3A_102 : memref<1x128x128xf32, #tpu.memory_space<vmem>> -> memref<128x128xf32, #tpu.memory_space<vmem>>
      %dma_start3A_104 = arith.constant 0 : i32
      %dma_start3A_105 = tpu.memref_slice %arg10[%dma_start3A_98, %dma_start3A_104] : memref<8x128xi32, #tpu.memory_space<vmem>> -> memref<1x128xi32, #tpu.memory_space<vmem>>
      %dma_start3A_106 = tpu.memref_squeeze %dma_start3A_105 : memref<1x128xi32, #tpu.memory_space<vmem>> -> memref<128xi32, #tpu.memory_space<vmem>>
      %dma_start3A_107 = arith.constant 0 : i32
      %dma_start3A_108 = arith.constant 0 : i32
      %dma_start3A_109 = tpu.memref_slice %arg2[%dma_start3A_107, %dma_start3A_108] : memref<10000x128xf32, #tpu.memory_space<hbm>> -> memref<10000x128xf32, #tpu.memory_space<hbm>>
      tpu.enqueue_indirect_dma source(%dma_start3A_109 : memref<10000x128xf32, #tpu.memory_space<hbm>>) target(%dma_start3A_103 : memref<128x128xf32, #tpu.memory_space<vmem>>) offsets(%dma_start3A_106 : memref<128xi32, #tpu.memory_space<vmem>>) semaphore(%arg17 : memref<!tpu.dma_semaphore, #tpu.memory_space<semaphore_mem>>)
      %dma_wait3A_110 = arith.constant 2 : i32
      %dma_wait3A_111 = arith.constant 0 : i32
      %dma_wait3A_112 = arith.constant 0 : i32
      %dma_wait3A_113 = arith.constant 0 : i32
      %dma_wait3A_114 = tpu.memref_slice %arg12[%dma_wait3A_111, %dma_wait3A_112, %dma_wait3A_113] : memref<2x128x128xf32, #tpu.memory_space<vmem>> -> memref<1x128x128xf32, #tpu.memory_space<vmem>>
      %dma_wait3A_115 = tpu.memref_squeeze %dma_wait3A_114 : memref<1x128x128xf32, #tpu.memory_space<vmem>> -> memref<128x128xf32, #tpu.memory_space<vmem>>
      %dma_wait3A_116 = arith.constant 0 : i32
      %dma_wait3A_117 = tpu.memref_slice %arg10[%dma_wait3A_110, %dma_wait3A_116] : memref<8x128xi32, #tpu.memory_space<vmem>> -> memref<1x128xi32, #tpu.memory_space<vmem>>
      %dma_wait3A_118 = tpu.memref_squeeze %dma_wait3A_117 : memref<1x128xi32, #tpu.memory_space<vmem>> -> memref<128xi32, #tpu.memory_space<vmem>>
      %dma_wait3A_119 = arith.constant 0 : i32
      %dma_wait3A_120 = arith.constant 0 : i32
      %dma_wait3A_121 = tpu.memref_slice %arg2[%dma_wait3A_119, %dma_wait3A_120] : memref<10000x128xf32, #tpu.memory_space<hbm>> -> memref<10000x128xf32, #tpu.memory_space<hbm>>
      tpu.wait_indirect_dma semaphore(%arg16 : memref<!tpu.dma_semaphore, #tpu.memory_space<semaphore_mem>>) src(%dma_wait3A_121 : memref<10000x128xf32, #tpu.memory_space<hbm>>) dst(%dma_wait3A_115 : memref<128x128xf32, #tpu.memory_space<vmem>>)
      %run_scoped3A_122 = arith.constant 0 : i32
      %run_scoped3A_123 = arith.constant 2 : i32
      "tpu.region"() ({
        %run_scoped3A_248 = tpu.sem_alloc : memref<!tpu.dma_semaphore, #tpu.memory_space<semaphore_mem>>
        %dma_start3A_249 = arith.constant 0 : i32
        %dma_start3A_250 = arith.constant 0 : i32
        %dma_start3A_251 = tpu.memref_slice %arg12[%run_scoped3A_122, %dma_start3A_249, %dma_start3A_250] : memref<2x128x128xf32, #tpu.memory_space<vmem>> -> memref<1x128x128xf32, #tpu.memory_space<vmem>>
        %dma_start3A_252 = tpu.memref_squeeze %dma_start3A_251 : memref<1x128x128xf32, #tpu.memory_space<vmem>> -> memref<128x128xf32, #tpu.memory_space<vmem>>
        %dma_start3A_253 = arith.constant 0 : i32
        %dma_start3A_254 = tpu.memref_slice %arg11[%run_scoped3A_123, %dma_start3A_253] : memref<8x128xi32, #tpu.memory_space<vmem>> -> memref<1x128xi32, #tpu.memory_space<vmem>>
        %dma_start3A_255 = tpu.memref_squeeze %dma_start3A_254 : memref<1x128xi32, #tpu.memory_space<vmem>> -> memref<128xi32, #tpu.memory_space<vmem>>
        %dma_start3A_256 = arith.constant 0 : i32
        %dma_start3A_257 = arith.constant 0 : i32
        %dma_start3A_258 = tpu.memref_slice %arg14[%dma_start3A_256, %dma_start3A_257] : memref<10128x128xf32, #tpu.memory_space<vmem_shared>> -> memref<10128x128xf32, #tpu.memory_space<vmem_shared>>
        tpu.enqueue_indirect_dma source(%dma_start3A_252 : memref<128x128xf32, #tpu.memory_space<vmem>>) target(%dma_start3A_258 : memref<10128x128xf32, #tpu.memory_space<vmem_shared>>) offsets(%dma_start3A_255 : memref<128xi32, #tpu.memory_space<vmem>>) semaphore(%run_scoped3A_248 : memref<!tpu.dma_semaphore, #tpu.memory_space<semaphore_mem>>) {add = true}
        %dma_wait3A_259 = arith.constant 0 : i32
        %dma_wait3A_260 = arith.constant 0 : i32
        %dma_wait3A_261 = tpu.memref_slice %arg12[%run_scoped3A_122, %dma_wait3A_259, %dma_wait3A_260] : memref<2x128x128xf32, #tpu.memory_space<vmem>> -> memref<1x128x128xf32, #tpu.memory_space<vmem>>
        %dma_wait3A_262 = tpu.memref_squeeze %dma_wait3A_261 : memref<1x128x128xf32, #tpu.memory_space<vmem>> -> memref<128x128xf32, #tpu.memory_space<vmem>>
        %dma_wait3A_263 = arith.constant 0 : i32
        %dma_wait3A_264 = tpu.memref_slice %arg11[%run_scoped3A_123, %dma_wait3A_263] : memref<8x128xi32, #tpu.memory_space<vmem>> -> memref<1x128xi32, #tpu.memory_space<vmem>>
        %dma_wait3A_265 = tpu.memref_squeeze %dma_wait3A_264 : memref<1x128xi32, #tpu.memory_space<vmem>> -> memref<128xi32, #tpu.memory_space<vmem>>
        %dma_wait3A_266 = arith.constant 0 : i32
        %dma_wait3A_267 = arith.constant 0 : i32
        %dma_wait3A_268 = tpu.memref_slice %arg14[%dma_wait3A_266, %dma_wait3A_267] : memref<10128x128xf32, #tpu.memory_space<vmem_shared>> -> memref<10128x128xf32, #tpu.memory_space<vmem_shared>>
        tpu.wait_indirect_dma semaphore(%run_scoped3A_248 : memref<!tpu.dma_semaphore, #tpu.memory_space<semaphore_mem>>) src(%dma_wait3A_262 : memref<128x128xf32, #tpu.memory_space<vmem>>) dst(%dma_wait3A_268 : memref<10128x128xf32, #tpu.memory_space<vmem_shared>>)
        tpu.yield
      }) : () -> ()
      %run_scoped3A_124 = arith.constant 2 : i32
      "tpu.region"() ({
        %run_scoped3A_248 = tpu.sem_alloc : memref<!tpu.dma_semaphore, #tpu.memory_space<semaphore_mem>>
        %dma_start3A_249 = arith.constant 0 : i32
        %dma_start3A_250 = tpu.memref_slice %arg11[%run_scoped3A_124, %dma_start3A_249] : memref<8x128xi32, #tpu.memory_space<vmem>> -> memref<1x128xi32, #tpu.memory_space<vmem>>
        %dma_start3A_251 = tpu.memref_squeeze %dma_start3A_250 : memref<1x128xi32, #tpu.memory_space<vmem>> -> memref<128xi32, #tpu.memory_space<vmem>>
        %dma_start3A_252 = arith.constant 0 : i32
        %dma_start3A_253 = tpu.memref_slice %arg15[%dma_start3A_252] : memref<10240xf32, #tpu.memory_space<vmem_shared>> -> memref<10240xf32, #tpu.memory_space<vmem_shared>>
        tpu.enqueue_indirect_dma source(%arg13 : memref<128xf32, #tpu.memory_space<vmem>>) target(%dma_start3A_253 : memref<10240xf32, #tpu.memory_space<vmem_shared>>) offsets(%dma_start3A_251 : memref<128xi32, #tpu.memory_space<vmem>>) semaphore(%run_scoped3A_248 : memref<!tpu.dma_semaphore, #tpu.memory_space<semaphore_mem>>) {add = true}
        %dma_wait3A_254 = arith.constant 0 : i32
        %dma_wait3A_255 = tpu.memref_slice %arg11[%run_scoped3A_124, %dma_wait3A_254] : memref<8x128xi32, #tpu.memory_space<vmem>> -> memref<1x128xi32, #tpu.memory_space<vmem>>
        %dma_wait3A_256 = tpu.memref_squeeze %dma_wait3A_255 : memref<1x128xi32, #tpu.memory_space<vmem>> -> memref<128xi32, #tpu.memory_space<vmem>>
        %dma_wait3A_257 = arith.constant 0 : i32
        %dma_wait3A_258 = tpu.memref_slice %arg15[%dma_wait3A_257] : memref<10240xf32, #tpu.memory_space<vmem_shared>> -> memref<10240xf32, #tpu.memory_space<vmem_shared>>
        tpu.wait_indirect_dma semaphore(%run_scoped3A_248 : memref<!tpu.dma_semaphore, #tpu.memory_space<semaphore_mem>>) src(%arg13 : memref<128xf32, #tpu.memory_space<vmem>>) dst(%dma_wait3A_258 : memref<10240xf32, #tpu.memory_space<vmem_shared>>)
        tpu.yield
      }) : () -> ()
      %dma_wait3A_125 = arith.constant 3 : i32
      %dma_wait3A_126 = arith.constant 1 : i32
      %dma_wait3A_127 = arith.constant 0 : i32
      %dma_wait3A_128 = arith.constant 0 : i32
      %dma_wait3A_129 = tpu.memref_slice %arg12[%dma_wait3A_126, %dma_wait3A_127, %dma_wait3A_128] : memref<2x128x128xf32, #tpu.memory_space<vmem>> -> memref<1x128x128xf32, #tpu.memory_space<vmem>>
      %dma_wait3A_130 = tpu.memref_squeeze %dma_wait3A_129 : memref<1x128x128xf32, #tpu.memory_space<vmem>> -> memref<128x128xf32, #tpu.memory_space<vmem>>
      %dma_wait3A_131 = arith.constant 0 : i32
      %dma_wait3A_132 = tpu.memref_slice %arg10[%dma_wait3A_125, %dma_wait3A_131] : memref<8x128xi32, #tpu.memory_space<vmem>> -> memref<1x128xi32, #tpu.memory_space<vmem>>
      %dma_wait3A_133 = tpu.memref_squeeze %dma_wait3A_132 : memref<1x128xi32, #tpu.memory_space<vmem>> -> memref<128xi32, #tpu.memory_space<vmem>>
      %dma_wait3A_134 = arith.constant 0 : i32
      %dma_wait3A_135 = arith.constant 0 : i32
      %dma_wait3A_136 = tpu.memref_slice %arg2[%dma_wait3A_134, %dma_wait3A_135] : memref<10000x128xf32, #tpu.memory_space<hbm>> -> memref<10000x128xf32, #tpu.memory_space<hbm>>
      tpu.wait_indirect_dma semaphore(%arg17 : memref<!tpu.dma_semaphore, #tpu.memory_space<semaphore_mem>>) src(%dma_wait3A_136 : memref<10000x128xf32, #tpu.memory_space<hbm>>) dst(%dma_wait3A_130 : memref<128x128xf32, #tpu.memory_space<vmem>>)
      %run_scoped3A_137 = arith.constant 1 : i32
      %run_scoped3A_138 = arith.constant 3 : i32
      "tpu.region"() ({
        %run_scoped3A_248 = tpu.sem_alloc : memref<!tpu.dma_semaphore, #tpu.memory_space<semaphore_mem>>
        %dma_start3A_249 = arith.constant 0 : i32
        %dma_start3A_250 = arith.constant 0 : i32
        %dma_start3A_251 = tpu.memref_slice %arg12[%run_scoped3A_137, %dma_start3A_249, %dma_start3A_250] : memref<2x128x128xf32, #tpu.memory_space<vmem>> -> memref<1x128x128xf32, #tpu.memory_space<vmem>>
        %dma_start3A_252 = tpu.memref_squeeze %dma_start3A_251 : memref<1x128x128xf32, #tpu.memory_space<vmem>> -> memref<128x128xf32, #tpu.memory_space<vmem>>
        %dma_start3A_253 = arith.constant 0 : i32
        %dma_start3A_254 = tpu.memref_slice %arg11[%run_scoped3A_138, %dma_start3A_253] : memref<8x128xi32, #tpu.memory_space<vmem>> -> memref<1x128xi32, #tpu.memory_space<vmem>>
        %dma_start3A_255 = tpu.memref_squeeze %dma_start3A_254 : memref<1x128xi32, #tpu.memory_space<vmem>> -> memref<128xi32, #tpu.memory_space<vmem>>
        %dma_start3A_256 = arith.constant 0 : i32
        %dma_start3A_257 = arith.constant 0 : i32
        %dma_start3A_258 = tpu.memref_slice %arg14[%dma_start3A_256, %dma_start3A_257] : memref<10128x128xf32, #tpu.memory_space<vmem_shared>> -> memref<10128x128xf32, #tpu.memory_space<vmem_shared>>
        tpu.enqueue_indirect_dma source(%dma_start3A_252 : memref<128x128xf32, #tpu.memory_space<vmem>>) target(%dma_start3A_258 : memref<10128x128xf32, #tpu.memory_space<vmem_shared>>) offsets(%dma_start3A_255 : memref<128xi32, #tpu.memory_space<vmem>>) semaphore(%run_scoped3A_248 : memref<!tpu.dma_semaphore, #tpu.memory_space<semaphore_mem>>) {add = true}
        %dma_wait3A_259 = arith.constant 0 : i32
        %dma_wait3A_260 = arith.constant 0 : i32
        %dma_wait3A_261 = tpu.memref_slice %arg12[%run_scoped3A_137, %dma_wait3A_259, %dma_wait3A_260] : memref<2x128x128xf32, #tpu.memory_space<vmem>> -> memref<1x128x128xf32, #tpu.memory_space<vmem>>
        %dma_wait3A_262 = tpu.memref_squeeze %dma_wait3A_261 : memref<1x128x128xf32, #tpu.memory_space<vmem>> -> memref<128x128xf32, #tpu.memory_space<vmem>>
        %dma_wait3A_263 = arith.constant 0 : i32
        %dma_wait3A_264 = tpu.memref_slice %arg11[%run_scoped3A_138, %dma_wait3A_263] : memref<8x128xi32, #tpu.memory_space<vmem>> -> memref<1x128xi32, #tpu.memory_space<vmem>>
        %dma_wait3A_265 = tpu.memref_squeeze %dma_wait3A_264 : memref<1x128xi32, #tpu.memory_space<vmem>> -> memref<128xi32, #tpu.memory_space<vmem>>
        %dma_wait3A_266 = arith.constant 0 : i32
        %dma_wait3A_267 = arith.constant 0 : i32
        %dma_wait3A_268 = tpu.memref_slice %arg14[%dma_wait3A_266, %dma_wait3A_267] : memref<10128x128xf32, #tpu.memory_space<vmem_shared>> -> memref<10128x128xf32, #tpu.memory_space<vmem_shared>>
        tpu.wait_indirect_dma semaphore(%run_scoped3A_248 : memref<!tpu.dma_semaphore, #tpu.memory_space<semaphore_mem>>) src(%dma_wait3A_262 : memref<128x128xf32, #tpu.memory_space<vmem>>) dst(%dma_wait3A_268 : memref<10128x128xf32, #tpu.memory_space<vmem_shared>>)
        tpu.yield
      }) : () -> ()
      %run_scoped3A_139 = arith.constant 3 : i32
      "tpu.region"() ({
        %run_scoped3A_248 = tpu.sem_alloc : memref<!tpu.dma_semaphore, #tpu.memory_space<semaphore_mem>>
        %dma_start3A_249 = arith.constant 0 : i32
        %dma_start3A_250 = tpu.memref_slice %arg11[%run_scoped3A_139, %dma_start3A_249] : memref<8x128xi32, #tpu.memory_space<vmem>> -> memref<1x128xi32, #tpu.memory_space<vmem>>
        %dma_start3A_251 = tpu.memref_squeeze %dma_start3A_250 : memref<1x128xi32, #tpu.memory_space<vmem>> -> memref<128xi32, #tpu.memory_space<vmem>>
        %dma_start3A_252 = arith.constant 0 : i32
        %dma_start3A_253 = tpu.memref_slice %arg15[%dma_start3A_252] : memref<10240xf32, #tpu.memory_space<vmem_shared>> -> memref<10240xf32, #tpu.memory_space<vmem_shared>>
        tpu.enqueue_indirect_dma source(%arg13 : memref<128xf32, #tpu.memory_space<vmem>>) target(%dma_start3A_253 : memref<10240xf32, #tpu.memory_space<vmem_shared>>) offsets(%dma_start3A_251 : memref<128xi32, #tpu.memory_space<vmem>>) semaphore(%run_scoped3A_248 : memref<!tpu.dma_semaphore, #tpu.memory_space<semaphore_mem>>) {add = true}
        %dma_wait3A_254 = arith.constant 0 : i32
        %dma_wait3A_255 = tpu.memref_slice %arg11[%run_scoped3A_139, %dma_wait3A_254] : memref<8x128xi32, #tpu.memory_space<vmem>> -> memref<1x128xi32, #tpu.memory_space<vmem>>
        %dma_wait3A_256 = tpu.memref_squeeze %dma_wait3A_255 : memref<1x128xi32, #tpu.memory_space<vmem>> -> memref<128xi32, #tpu.memory_space<vmem>>
        %dma_wait3A_257 = arith.constant 0 : i32
        %dma_wait3A_258 = tpu.memref_slice %arg15[%dma_wait3A_257] : memref<10240xf32, #tpu.memory_space<vmem_shared>> -> memref<10240xf32, #tpu.memory_space<vmem_shared>>
        tpu.wait_indirect_dma semaphore(%run_scoped3A_248 : memref<!tpu.dma_semaphore, #tpu.memory_space<semaphore_mem>>) src(%arg13 : memref<128xf32, #tpu.memory_space<vmem>>) dst(%dma_wait3A_258 : memref<10240xf32, #tpu.memory_space<vmem_shared>>)
        tpu.yield
      }) : () -> ()
      %dma_start3A_140 = arith.constant 4 : i32
      %dma_start3A_141 = arith.constant 0 : i32
      %dma_start3A_142 = arith.constant 0 : i32
      %dma_start3A_143 = arith.constant 0 : i32
      %dma_start3A_144 = tpu.memref_slice %arg12[%dma_start3A_141, %dma_start3A_142, %dma_start3A_143] : memref<2x128x128xf32, #tpu.memory_space<vmem>> -> memref<1x128x128xf32, #tpu.memory_space<vmem>>
      %dma_start3A_145 = tpu.memref_squeeze %dma_start3A_144 : memref<1x128x128xf32, #tpu.memory_space<vmem>> -> memref<128x128xf32, #tpu.memory_space<vmem>>
      %dma_start3A_146 = arith.constant 0 : i32
      %dma_start3A_147 = tpu.memref_slice %arg10[%dma_start3A_140, %dma_start3A_146] : memref<8x128xi32, #tpu.memory_space<vmem>> -> memref<1x128xi32, #tpu.memory_space<vmem>>
      %dma_start3A_148 = tpu.memref_squeeze %dma_start3A_147 : memref<1x128xi32, #tpu.memory_space<vmem>> -> memref<128xi32, #tpu.memory_space<vmem>>
      %dma_start3A_149 = arith.constant 0 : i32
      %dma_start3A_150 = arith.constant 0 : i32
      %dma_start3A_151 = tpu.memref_slice %arg2[%dma_start3A_149, %dma_start3A_150] : memref<10000x128xf32, #tpu.memory_space<hbm>> -> memref<10000x128xf32, #tpu.memory_space<hbm>>
      tpu.enqueue_indirect_dma source(%dma_start3A_151 : memref<10000x128xf32, #tpu.memory_space<hbm>>) target(%dma_start3A_145 : memref<128x128xf32, #tpu.memory_space<vmem>>) offsets(%dma_start3A_148 : memref<128xi32, #tpu.memory_space<vmem>>) semaphore(%arg16 : memref<!tpu.dma_semaphore, #tpu.memory_space<semaphore_mem>>)
      %dma_start3A_152 = arith.constant 5 : i32
      %dma_start3A_153 = arith.constant 1 : i32
      %dma_start3A_154 = arith.constant 0 : i32
      %dma_start3A_155 = arith.constant 0 : i32
      %dma_start3A_156 = tpu.memref_slice %arg12[%dma_start3A_153, %dma_start3A_154, %dma_start3A_155] : memref<2x128x128xf32, #tpu.memory_space<vmem>> -> memref<1x128x128xf32, #tpu.memory_space<vmem>>
      %dma_start3A_157 = tpu.memref_squeeze %dma_start3A_156 : memref<1x128x128xf32, #tpu.memory_space<vmem>> -> memref<128x128xf32, #tpu.memory_space<vmem>>
      %dma_start3A_158 = arith.constant 0 : i32
      %dma_start3A_159 = tpu.memref_slice %arg10[%dma_start3A_152, %dma_start3A_158] : memref<8x128xi32, #tpu.memory_space<vmem>> -> memref<1x128xi32, #tpu.memory_space<vmem>>
      %dma_start3A_160 = tpu.memref_squeeze %dma_start3A_159 : memref<1x128xi32, #tpu.memory_space<vmem>> -> memref<128xi32, #tpu.memory_space<vmem>>
      %dma_start3A_161 = arith.constant 0 : i32
      %dma_start3A_162 = arith.constant 0 : i32
      %dma_start3A_163 = tpu.memref_slice %arg2[%dma_start3A_161, %dma_start3A_162] : memref<10000x128xf32, #tpu.memory_space<hbm>> -> memref<10000x128xf32, #tpu.memory_space<hbm>>
      tpu.enqueue_indirect_dma source(%dma_start3A_163 : memref<10000x128xf32, #tpu.memory_space<hbm>>) target(%dma_start3A_157 : memref<128x128xf32, #tpu.memory_space<vmem>>) offsets(%dma_start3A_160 : memref<128xi32, #tpu.memory_space<vmem>>) semaphore(%arg17 : memref<!tpu.dma_semaphore, #tpu.memory_space<semaphore_mem>>)
      %dma_wait3A_164 = arith.constant 4 : i32
      %dma_wait3A_165 = arith.constant 0 : i32
      %dma_wait3A_166 = arith.constant 0 : i32
      %dma_wait3A_167 = arith.constant 0 : i32
      %dma_wait3A_168 = tpu.memref_slice %arg12[%dma_wait3A_165, %dma_wait3A_166, %dma_wait3A_167] : memref<2x128x128xf32, #tpu.memory_space<vmem>> -> memref<1x128x128xf32, #tpu.memory_space<vmem>>
      %dma_wait3A_169 = tpu.memref_squeeze %dma_wait3A_168 : memref<1x128x128xf32, #tpu.memory_space<vmem>> -> memref<128x128xf32, #tpu.memory_space<vmem>>
      %dma_wait3A_170 = arith.constant 0 : i32
      %dma_wait3A_171 = tpu.memref_slice %arg10[%dma_wait3A_164, %dma_wait3A_170] : memref<8x128xi32, #tpu.memory_space<vmem>> -> memref<1x128xi32, #tpu.memory_space<vmem>>
      %dma_wait3A_172 = tpu.memref_squeeze %dma_wait3A_171 : memref<1x128xi32, #tpu.memory_space<vmem>> -> memref<128xi32, #tpu.memory_space<vmem>>
      %dma_wait3A_173 = arith.constant 0 : i32
      %dma_wait3A_174 = arith.constant 0 : i32
      %dma_wait3A_175 = tpu.memref_slice %arg2[%dma_wait3A_173, %dma_wait3A_174] : memref<10000x128xf32, #tpu.memory_space<hbm>> -> memref<10000x128xf32, #tpu.memory_space<hbm>>
      tpu.wait_indirect_dma semaphore(%arg16 : memref<!tpu.dma_semaphore, #tpu.memory_space<semaphore_mem>>) src(%dma_wait3A_175 : memref<10000x128xf32, #tpu.memory_space<hbm>>) dst(%dma_wait3A_169 : memref<128x128xf32, #tpu.memory_space<vmem>>)
      %run_scoped3A_176 = arith.constant 0 : i32
      %run_scoped3A_177 = arith.constant 4 : i32
      "tpu.region"() ({
        %run_scoped3A_248 = tpu.sem_alloc : memref<!tpu.dma_semaphore, #tpu.memory_space<semaphore_mem>>
        %dma_start3A_249 = arith.constant 0 : i32
        %dma_start3A_250 = arith.constant 0 : i32
        %dma_start3A_251 = tpu.memref_slice %arg12[%run_scoped3A_176, %dma_start3A_249, %dma_start3A_250] : memref<2x128x128xf32, #tpu.memory_space<vmem>> -> memref<1x128x128xf32, #tpu.memory_space<vmem>>
        %dma_start3A_252 = tpu.memref_squeeze %dma_start3A_251 : memref<1x128x128xf32, #tpu.memory_space<vmem>> -> memref<128x128xf32, #tpu.memory_space<vmem>>
        %dma_start3A_253 = arith.constant 0 : i32
        %dma_start3A_254 = tpu.memref_slice %arg11[%run_scoped3A_177, %dma_start3A_253] : memref<8x128xi32, #tpu.memory_space<vmem>> -> memref<1x128xi32, #tpu.memory_space<vmem>>
        %dma_start3A_255 = tpu.memref_squeeze %dma_start3A_254 : memref<1x128xi32, #tpu.memory_space<vmem>> -> memref<128xi32, #tpu.memory_space<vmem>>
        %dma_start3A_256 = arith.constant 0 : i32
        %dma_start3A_257 = arith.constant 0 : i32
        %dma_start3A_258 = tpu.memref_slice %arg14[%dma_start3A_256, %dma_start3A_257] : memref<10128x128xf32, #tpu.memory_space<vmem_shared>> -> memref<10128x128xf32, #tpu.memory_space<vmem_shared>>
        tpu.enqueue_indirect_dma source(%dma_start3A_252 : memref<128x128xf32, #tpu.memory_space<vmem>>) target(%dma_start3A_258 : memref<10128x128xf32, #tpu.memory_space<vmem_shared>>) offsets(%dma_start3A_255 : memref<128xi32, #tpu.memory_space<vmem>>) semaphore(%run_scoped3A_248 : memref<!tpu.dma_semaphore, #tpu.memory_space<semaphore_mem>>) {add = true}
        %dma_wait3A_259 = arith.constant 0 : i32
        %dma_wait3A_260 = arith.constant 0 : i32
        %dma_wait3A_261 = tpu.memref_slice %arg12[%run_scoped3A_176, %dma_wait3A_259, %dma_wait3A_260] : memref<2x128x128xf32, #tpu.memory_space<vmem>> -> memref<1x128x128xf32, #tpu.memory_space<vmem>>
        %dma_wait3A_262 = tpu.memref_squeeze %dma_wait3A_261 : memref<1x128x128xf32, #tpu.memory_space<vmem>> -> memref<128x128xf32, #tpu.memory_space<vmem>>
        %dma_wait3A_263 = arith.constant 0 : i32
        %dma_wait3A_264 = tpu.memref_slice %arg11[%run_scoped3A_177, %dma_wait3A_263] : memref<8x128xi32, #tpu.memory_space<vmem>> -> memref<1x128xi32, #tpu.memory_space<vmem>>
        %dma_wait3A_265 = tpu.memref_squeeze %dma_wait3A_264 : memref<1x128xi32, #tpu.memory_space<vmem>> -> memref<128xi32, #tpu.memory_space<vmem>>
        %dma_wait3A_266 = arith.constant 0 : i32
        %dma_wait3A_267 = arith.constant 0 : i32
        %dma_wait3A_268 = tpu.memref_slice %arg14[%dma_wait3A_266, %dma_wait3A_267] : memref<10128x128xf32, #tpu.memory_space<vmem_shared>> -> memref<10128x128xf32, #tpu.memory_space<vmem_shared>>
        tpu.wait_indirect_dma semaphore(%run_scoped3A_248 : memref<!tpu.dma_semaphore, #tpu.memory_space<semaphore_mem>>) src(%dma_wait3A_262 : memref<128x128xf32, #tpu.memory_space<vmem>>) dst(%dma_wait3A_268 : memref<10128x128xf32, #tpu.memory_space<vmem_shared>>)
        tpu.yield
      }) : () -> ()
      %run_scoped3A_178 = arith.constant 4 : i32
      "tpu.region"() ({
        %run_scoped3A_248 = tpu.sem_alloc : memref<!tpu.dma_semaphore, #tpu.memory_space<semaphore_mem>>
        %dma_start3A_249 = arith.constant 0 : i32
        %dma_start3A_250 = tpu.memref_slice %arg11[%run_scoped3A_178, %dma_start3A_249] : memref<8x128xi32, #tpu.memory_space<vmem>> -> memref<1x128xi32, #tpu.memory_space<vmem>>
        %dma_start3A_251 = tpu.memref_squeeze %dma_start3A_250 : memref<1x128xi32, #tpu.memory_space<vmem>> -> memref<128xi32, #tpu.memory_space<vmem>>
        %dma_start3A_252 = arith.constant 0 : i32
        %dma_start3A_253 = tpu.memref_slice %arg15[%dma_start3A_252] : memref<10240xf32, #tpu.memory_space<vmem_shared>> -> memref<10240xf32, #tpu.memory_space<vmem_shared>>
        tpu.enqueue_indirect_dma source(%arg13 : memref<128xf32, #tpu.memory_space<vmem>>) target(%dma_start3A_253 : memref<10240xf32, #tpu.memory_space<vmem_shared>>) offsets(%dma_start3A_251 : memref<128xi32, #tpu.memory_space<vmem>>) semaphore(%run_scoped3A_248 : memref<!tpu.dma_semaphore, #tpu.memory_space<semaphore_mem>>) {add = true}
        %dma_wait3A_254 = arith.constant 0 : i32
        %dma_wait3A_255 = tpu.memref_slice %arg11[%run_scoped3A_178, %dma_wait3A_254] : memref<8x128xi32, #tpu.memory_space<vmem>> -> memref<1x128xi32, #tpu.memory_space<vmem>>
        %dma_wait3A_256 = tpu.memref_squeeze %dma_wait3A_255 : memref<1x128xi32, #tpu.memory_space<vmem>> -> memref<128xi32, #tpu.memory_space<vmem>>
        %dma_wait3A_257 = arith.constant 0 : i32
        %dma_wait3A_258 = tpu.memref_slice %arg15[%dma_wait3A_257] : memref<10240xf32, #tpu.memory_space<vmem_shared>> -> memref<10240xf32, #tpu.memory_space<vmem_shared>>
        tpu.wait_indirect_dma semaphore(%run_scoped3A_248 : memref<!tpu.dma_semaphore, #tpu.memory_space<semaphore_mem>>) src(%arg13 : memref<128xf32, #tpu.memory_space<vmem>>) dst(%dma_wait3A_258 : memref<10240xf32, #tpu.memory_space<vmem_shared>>)
        tpu.yield
      }) : () -> ()
      %dma_wait3A_179 = arith.constant 5 : i32
      %dma_wait3A_180 = arith.constant 1 : i32
      %dma_wait3A_181 = arith.constant 0 : i32
      %dma_wait3A_182 = arith.constant 0 : i32
      %dma_wait3A_183 = tpu.memref_slice %arg12[%dma_wait3A_180, %dma_wait3A_181, %dma_wait3A_182] : memref<2x128x128xf32, #tpu.memory_space<vmem>> -> memref<1x128x128xf32, #tpu.memory_space<vmem>>
      %dma_wait3A_184 = tpu.memref_squeeze %dma_wait3A_183 : memref<1x128x128xf32, #tpu.memory_space<vmem>> -> memref<128x128xf32, #tpu.memory_space<vmem>>
      %dma_wait3A_185 = arith.constant 0 : i32
      %dma_wait3A_186 = tpu.memref_slice %arg10[%dma_wait3A_179, %dma_wait3A_185] : memref<8x128xi32, #tpu.memory_space<vmem>> -> memref<1x128xi32, #tpu.memory_space<vmem>>
      %dma_wait3A_187 = tpu.memref_squeeze %dma_wait3A_186 : memref<1x128xi32, #tpu.memory_space<vmem>> -> memref<128xi32, #tpu.memory_space<vmem>>
      %dma_wait3A_188 = arith.constant 0 : i32
      %dma_wait3A_189 = arith.constant 0 : i32
      %dma_wait3A_190 = tpu.memref_slice %arg2[%dma_wait3A_188, %dma_wait3A_189] : memref<10000x128xf32, #tpu.memory_space<hbm>> -> memref<10000x128xf32, #tpu.memory_space<hbm>>
      tpu.wait_indirect_dma semaphore(%arg17 : memref<!tpu.dma_semaphore, #tpu.memory_space<semaphore_mem>>) src(%dma_wait3A_190 : memref<10000x128xf32, #tpu.memory_space<hbm>>) dst(%dma_wait3A_184 : memref<128x128xf32, #tpu.memory_space<vmem>>)
      %run_scoped3A_191 = arith.constant 1 : i32
      %run_scoped3A_192 = arith.constant 5 : i32
      "tpu.region"() ({
        %run_scoped3A_248 = tpu.sem_alloc : memref<!tpu.dma_semaphore, #tpu.memory_space<semaphore_mem>>
        %dma_start3A_249 = arith.constant 0 : i32
        %dma_start3A_250 = arith.constant 0 : i32
        %dma_start3A_251 = tpu.memref_slice %arg12[%run_scoped3A_191, %dma_start3A_249, %dma_start3A_250] : memref<2x128x128xf32, #tpu.memory_space<vmem>> -> memref<1x128x128xf32, #tpu.memory_space<vmem>>
        %dma_start3A_252 = tpu.memref_squeeze %dma_start3A_251 : memref<1x128x128xf32, #tpu.memory_space<vmem>> -> memref<128x128xf32, #tpu.memory_space<vmem>>
        %dma_start3A_253 = arith.constant 0 : i32
        %dma_start3A_254 = tpu.memref_slice %arg11[%run_scoped3A_192, %dma_start3A_253] : memref<8x128xi32, #tpu.memory_space<vmem>> -> memref<1x128xi32, #tpu.memory_space<vmem>>
        %dma_start3A_255 = tpu.memref_squeeze %dma_start3A_254 : memref<1x128xi32, #tpu.memory_space<vmem>> -> memref<128xi32, #tpu.memory_space<vmem>>
        %dma_start3A_256 = arith.constant 0 : i32
        %dma_start3A_257 = arith.constant 0 : i32
        %dma_start3A_258 = tpu.memref_slice %arg14[%dma_start3A_256, %dma_start3A_257] : memref<10128x128xf32, #tpu.memory_space<vmem_shared>> -> memref<10128x128xf32, #tpu.memory_space<vmem_shared>>
        tpu.enqueue_indirect_dma source(%dma_start3A_252 : memref<128x128xf32, #tpu.memory_space<vmem>>) target(%dma_start3A_258 : memref<10128x128xf32, #tpu.memory_space<vmem_shared>>) offsets(%dma_start3A_255 : memref<128xi32, #tpu.memory_space<vmem>>) semaphore(%run_scoped3A_248 : memref<!tpu.dma_semaphore, #tpu.memory_space<semaphore_mem>>) {add = true}
        %dma_wait3A_259 = arith.constant 0 : i32
        %dma_wait3A_260 = arith.constant 0 : i32
        %dma_wait3A_261 = tpu.memref_slice %arg12[%run_scoped3A_191, %dma_wait3A_259, %dma_wait3A_260] : memref<2x128x128xf32, #tpu.memory_space<vmem>> -> memref<1x128x128xf32, #tpu.memory_space<vmem>>
        %dma_wait3A_262 = tpu.memref_squeeze %dma_wait3A_261 : memref<1x128x128xf32, #tpu.memory_space<vmem>> -> memref<128x128xf32, #tpu.memory_space<vmem>>
        %dma_wait3A_263 = arith.constant 0 : i32
        %dma_wait3A_264 = tpu.memref_slice %arg11[%run_scoped3A_192, %dma_wait3A_263] : memref<8x128xi32, #tpu.memory_space<vmem>> -> memref<1x128xi32, #tpu.memory_space<vmem>>
        %dma_wait3A_265 = tpu.memref_squeeze %dma_wait3A_264 : memref<1x128xi32, #tpu.memory_space<vmem>> -> memref<128xi32, #tpu.memory_space<vmem>>
        %dma_wait3A_266 = arith.constant 0 : i32
        %dma_wait3A_267 = arith.constant 0 : i32
        %dma_wait3A_268 = tpu.memref_slice %arg14[%dma_wait3A_266, %dma_wait3A_267] : memref<10128x128xf32, #tpu.memory_space<vmem_shared>> -> memref<10128x128xf32, #tpu.memory_space<vmem_shared>>
        tpu.wait_indirect_dma semaphore(%run_scoped3A_248 : memref<!tpu.dma_semaphore, #tpu.memory_space<semaphore_mem>>) src(%dma_wait3A_262 : memref<128x128xf32, #tpu.memory_space<vmem>>) dst(%dma_wait3A_268 : memref<10128x128xf32, #tpu.memory_space<vmem_shared>>)
        tpu.yield
      }) : () -> ()
      %run_scoped3A_193 = arith.constant 5 : i32
      "tpu.region"() ({
        %run_scoped3A_248 = tpu.sem_alloc : memref<!tpu.dma_semaphore, #tpu.memory_space<semaphore_mem>>
        %dma_start3A_249 = arith.constant 0 : i32
        %dma_start3A_250 = tpu.memref_slice %arg11[%run_scoped3A_193, %dma_start3A_249] : memref<8x128xi32, #tpu.memory_space<vmem>> -> memref<1x128xi32, #tpu.memory_space<vmem>>
        %dma_start3A_251 = tpu.memref_squeeze %dma_start3A_250 : memref<1x128xi32, #tpu.memory_space<vmem>> -> memref<128xi32, #tpu.memory_space<vmem>>
        %dma_start3A_252 = arith.constant 0 : i32
        %dma_start3A_253 = tpu.memref_slice %arg15[%dma_start3A_252] : memref<10240xf32, #tpu.memory_space<vmem_shared>> -> memref<10240xf32, #tpu.memory_space<vmem_shared>>
        tpu.enqueue_indirect_dma source(%arg13 : memref<128xf32, #tpu.memory_space<vmem>>) target(%dma_start3A_253 : memref<10240xf32, #tpu.memory_space<vmem_shared>>) offsets(%dma_start3A_251 : memref<128xi32, #tpu.memory_space<vmem>>) semaphore(%run_scoped3A_248 : memref<!tpu.dma_semaphore, #tpu.memory_space<semaphore_mem>>) {add = true}
        %dma_wait3A_254 = arith.constant 0 : i32
        %dma_wait3A_255 = tpu.memref_slice %arg11[%run_scoped3A_193, %dma_wait3A_254] : memref<8x128xi32, #tpu.memory_space<vmem>> -> memref<1x128xi32, #tpu.memory_space<vmem>>
        %dma_wait3A_256 = tpu.memref_squeeze %dma_wait3A_255 : memref<1x128xi32, #tpu.memory_space<vmem>> -> memref<128xi32, #tpu.memory_space<vmem>>
        %dma_wait3A_257 = arith.constant 0 : i32
        %dma_wait3A_258 = tpu.memref_slice %arg15[%dma_wait3A_257] : memref<10240xf32, #tpu.memory_space<vmem_shared>> -> memref<10240xf32, #tpu.memory_space<vmem_shared>>
        tpu.wait_indirect_dma semaphore(%run_scoped3A_248 : memref<!tpu.dma_semaphore, #tpu.memory_space<semaphore_mem>>) src(%arg13 : memref<128xf32, #tpu.memory_space<vmem>>) dst(%dma_wait3A_258 : memref<10240xf32, #tpu.memory_space<vmem_shared>>)
        tpu.yield
      }) : () -> ()
      %dma_start3A_194 = arith.constant 6 : i32
      %dma_start3A_195 = arith.constant 0 : i32
      %dma_start3A_196 = arith.constant 0 : i32
      %dma_start3A_197 = arith.constant 0 : i32
      %dma_start3A_198 = tpu.memref_slice %arg12[%dma_start3A_195, %dma_start3A_196, %dma_start3A_197] : memref<2x128x128xf32, #tpu.memory_space<vmem>> -> memref<1x128x128xf32, #tpu.memory_space<vmem>>
      %dma_start3A_199 = tpu.memref_squeeze %dma_start3A_198 : memref<1x128x128xf32, #tpu.memory_space<vmem>> -> memref<128x128xf32, #tpu.memory_space<vmem>>
      %dma_start3A_200 = arith.constant 0 : i32
      %dma_start3A_201 = tpu.memref_slice %arg10[%dma_start3A_194, %dma_start3A_200] : memref<8x128xi32, #tpu.memory_space<vmem>> -> memref<1x128xi32, #tpu.memory_space<vmem>>
      %dma_start3A_202 = tpu.memref_squeeze %dma_start3A_201 : memref<1x128xi32, #tpu.memory_space<vmem>> -> memref<128xi32, #tpu.memory_space<vmem>>
      %dma_start3A_203 = arith.constant 0 : i32
      %dma_start3A_204 = arith.constant 0 : i32
      %dma_start3A_205 = tpu.memref_slice %arg2[%dma_start3A_203, %dma_start3A_204] : memref<10000x128xf32, #tpu.memory_space<hbm>> -> memref<10000x128xf32, #tpu.memory_space<hbm>>
      tpu.enqueue_indirect_dma source(%dma_start3A_205 : memref<10000x128xf32, #tpu.memory_space<hbm>>) target(%dma_start3A_199 : memref<128x128xf32, #tpu.memory_space<vmem>>) offsets(%dma_start3A_202 : memref<128xi32, #tpu.memory_space<vmem>>) semaphore(%arg16 : memref<!tpu.dma_semaphore, #tpu.memory_space<semaphore_mem>>)
      %dma_start3A_206 = arith.constant 7 : i32
      %dma_start3A_207 = arith.constant 1 : i32
      %dma_start3A_208 = arith.constant 0 : i32
      %dma_start3A_209 = arith.constant 0 : i32
      %dma_start3A_210 = tpu.memref_slice %arg12[%dma_start3A_207, %dma_start3A_208, %dma_start3A_209] : memref<2x128x128xf32, #tpu.memory_space<vmem>> -> memref<1x128x128xf32, #tpu.memory_space<vmem>>
      %dma_start3A_211 = tpu.memref_squeeze %dma_start3A_210 : memref<1x128x128xf32, #tpu.memory_space<vmem>> -> memref<128x128xf32, #tpu.memory_space<vmem>>
      %dma_start3A_212 = arith.constant 0 : i32
      %dma_start3A_213 = tpu.memref_slice %arg10[%dma_start3A_206, %dma_start3A_212] : memref<8x128xi32, #tpu.memory_space<vmem>> -> memref<1x128xi32, #tpu.memory_space<vmem>>
      %dma_start3A_214 = tpu.memref_squeeze %dma_start3A_213 : memref<1x128xi32, #tpu.memory_space<vmem>> -> memref<128xi32, #tpu.memory_space<vmem>>
      %dma_start3A_215 = arith.constant 0 : i32
      %dma_start3A_216 = arith.constant 0 : i32
      %dma_start3A_217 = tpu.memref_slice %arg2[%dma_start3A_215, %dma_start3A_216] : memref<10000x128xf32, #tpu.memory_space<hbm>> -> memref<10000x128xf32, #tpu.memory_space<hbm>>
      tpu.enqueue_indirect_dma source(%dma_start3A_217 : memref<10000x128xf32, #tpu.memory_space<hbm>>) target(%dma_start3A_211 : memref<128x128xf32, #tpu.memory_space<vmem>>) offsets(%dma_start3A_214 : memref<128xi32, #tpu.memory_space<vmem>>) semaphore(%arg17 : memref<!tpu.dma_semaphore, #tpu.memory_space<semaphore_mem>>)
      %dma_wait3A_218 = arith.constant 6 : i32
      %dma_wait3A_219 = arith.constant 0 : i32
      %dma_wait3A_220 = arith.constant 0 : i32
      %dma_wait3A_221 = arith.constant 0 : i32
      %dma_wait3A_222 = tpu.memref_slice %arg12[%dma_wait3A_219, %dma_wait3A_220, %dma_wait3A_221] : memref<2x128x128xf32, #tpu.memory_space<vmem>> -> memref<1x128x128xf32, #tpu.memory_space<vmem>>
      %dma_wait3A_223 = tpu.memref_squeeze %dma_wait3A_222 : memref<1x128x128xf32, #tpu.memory_space<vmem>> -> memref<128x128xf32, #tpu.memory_space<vmem>>
      %dma_wait3A_224 = arith.constant 0 : i32
      %dma_wait3A_225 = tpu.memref_slice %arg10[%dma_wait3A_218, %dma_wait3A_224] : memref<8x128xi32, #tpu.memory_space<vmem>> -> memref<1x128xi32, #tpu.memory_space<vmem>>
      %dma_wait3A_226 = tpu.memref_squeeze %dma_wait3A_225 : memref<1x128xi32, #tpu.memory_space<vmem>> -> memref<128xi32, #tpu.memory_space<vmem>>
      %dma_wait3A_227 = arith.constant 0 : i32
      %dma_wait3A_228 = arith.constant 0 : i32
      %dma_wait3A_229 = tpu.memref_slice %arg2[%dma_wait3A_227, %dma_wait3A_228] : memref<10000x128xf32, #tpu.memory_space<hbm>> -> memref<10000x128xf32, #tpu.memory_space<hbm>>
      tpu.wait_indirect_dma semaphore(%arg16 : memref<!tpu.dma_semaphore, #tpu.memory_space<semaphore_mem>>) src(%dma_wait3A_229 : memref<10000x128xf32, #tpu.memory_space<hbm>>) dst(%dma_wait3A_223 : memref<128x128xf32, #tpu.memory_space<vmem>>)
      %run_scoped3A_230 = arith.constant 0 : i32
      %run_scoped3A_231 = arith.constant 6 : i32
      "tpu.region"() ({
        %run_scoped3A_248 = tpu.sem_alloc : memref<!tpu.dma_semaphore, #tpu.memory_space<semaphore_mem>>
        %dma_start3A_249 = arith.constant 0 : i32
        %dma_start3A_250 = arith.constant 0 : i32
        %dma_start3A_251 = tpu.memref_slice %arg12[%run_scoped3A_230, %dma_start3A_249, %dma_start3A_250] : memref<2x128x128xf32, #tpu.memory_space<vmem>> -> memref<1x128x128xf32, #tpu.memory_space<vmem>>
        %dma_start3A_252 = tpu.memref_squeeze %dma_start3A_251 : memref<1x128x128xf32, #tpu.memory_space<vmem>> -> memref<128x128xf32, #tpu.memory_space<vmem>>
        %dma_start3A_253 = arith.constant 0 : i32
        %dma_start3A_254 = tpu.memref_slice %arg11[%run_scoped3A_231, %dma_start3A_253] : memref<8x128xi32, #tpu.memory_space<vmem>> -> memref<1x128xi32, #tpu.memory_space<vmem>>
        %dma_start3A_255 = tpu.memref_squeeze %dma_start3A_254 : memref<1x128xi32, #tpu.memory_space<vmem>> -> memref<128xi32, #tpu.memory_space<vmem>>
        %dma_start3A_256 = arith.constant 0 : i32
        %dma_start3A_257 = arith.constant 0 : i32
        %dma_start3A_258 = tpu.memref_slice %arg14[%dma_start3A_256, %dma_start3A_257] : memref<10128x128xf32, #tpu.memory_space<vmem_shared>> -> memref<10128x128xf32, #tpu.memory_space<vmem_shared>>
        tpu.enqueue_indirect_dma source(%dma_start3A_252 : memref<128x128xf32, #tpu.memory_space<vmem>>) target(%dma_start3A_258 : memref<10128x128xf32, #tpu.memory_space<vmem_shared>>) offsets(%dma_start3A_255 : memref<128xi32, #tpu.memory_space<vmem>>) semaphore(%run_scoped3A_248 : memref<!tpu.dma_semaphore, #tpu.memory_space<semaphore_mem>>) {add = true}
        %dma_wait3A_259 = arith.constant 0 : i32
        %dma_wait3A_260 = arith.constant 0 : i32
        %dma_wait3A_261 = tpu.memref_slice %arg12[%run_scoped3A_230, %dma_wait3A_259, %dma_wait3A_260] : memref<2x128x128xf32, #tpu.memory_space<vmem>> -> memref<1x128x128xf32, #tpu.memory_space<vmem>>
        %dma_wait3A_262 = tpu.memref_squeeze %dma_wait3A_261 : memref<1x128x128xf32, #tpu.memory_space<vmem>> -> memref<128x128xf32, #tpu.memory_space<vmem>>
        %dma_wait3A_263 = arith.constant 0 : i32
        %dma_wait3A_264 = tpu.memref_slice %arg11[%run_scoped3A_231, %dma_wait3A_263] : memref<8x128xi32, #tpu.memory_space<vmem>> -> memref<1x128xi32, #tpu.memory_space<vmem>>
        %dma_wait3A_265 = tpu.memref_squeeze %dma_wait3A_264 : memref<1x128xi32, #tpu.memory_space<vmem>> -> memref<128xi32, #tpu.memory_space<vmem>>
        %dma_wait3A_266 = arith.constant 0 : i32
        %dma_wait3A_267 = arith.constant 0 : i32
        %dma_wait3A_268 = tpu.memref_slice %arg14[%dma_wait3A_266, %dma_wait3A_267] : memref<10128x128xf32, #tpu.memory_space<vmem_shared>> -> memref<10128x128xf32, #tpu.memory_space<vmem_shared>>
        tpu.wait_indirect_dma semaphore(%run_scoped3A_248 : memref<!tpu.dma_semaphore, #tpu.memory_space<semaphore_mem>>) src(%dma_wait3A_262 : memref<128x128xf32, #tpu.memory_space<vmem>>) dst(%dma_wait3A_268 : memref<10128x128xf32, #tpu.memory_space<vmem_shared>>)
        tpu.yield
      }) : () -> ()
      %run_scoped3A_232 = arith.constant 6 : i32
      "tpu.region"() ({
        %run_scoped3A_248 = tpu.sem_alloc : memref<!tpu.dma_semaphore, #tpu.memory_space<semaphore_mem>>
        %dma_start3A_249 = arith.constant 0 : i32
        %dma_start3A_250 = tpu.memref_slice %arg11[%run_scoped3A_232, %dma_start3A_249] : memref<8x128xi32, #tpu.memory_space<vmem>> -> memref<1x128xi32, #tpu.memory_space<vmem>>
        %dma_start3A_251 = tpu.memref_squeeze %dma_start3A_250 : memref<1x128xi32, #tpu.memory_space<vmem>> -> memref<128xi32, #tpu.memory_space<vmem>>
        %dma_start3A_252 = arith.constant 0 : i32
        %dma_start3A_253 = tpu.memref_slice %arg15[%dma_start3A_252] : memref<10240xf32, #tpu.memory_space<vmem_shared>> -> memref<10240xf32, #tpu.memory_space<vmem_shared>>
        tpu.enqueue_indirect_dma source(%arg13 : memref<128xf32, #tpu.memory_space<vmem>>) target(%dma_start3A_253 : memref<10240xf32, #tpu.memory_space<vmem_shared>>) offsets(%dma_start3A_251 : memref<128xi32, #tpu.memory_space<vmem>>) semaphore(%run_scoped3A_248 : memref<!tpu.dma_semaphore, #tpu.memory_space<semaphore_mem>>) {add = true}
        %dma_wait3A_254 = arith.constant 0 : i32
        %dma_wait3A_255 = tpu.memref_slice %arg11[%run_scoped3A_232, %dma_wait3A_254] : memref<8x128xi32, #tpu.memory_space<vmem>> -> memref<1x128xi32, #tpu.memory_space<vmem>>
        %dma_wait3A_256 = tpu.memref_squeeze %dma_wait3A_255 : memref<1x128xi32, #tpu.memory_space<vmem>> -> memref<128xi32, #tpu.memory_space<vmem>>
        %dma_wait3A_257 = arith.constant 0 : i32
        %dma_wait3A_258 = tpu.memref_slice %arg15[%dma_wait3A_257] : memref<10240xf32, #tpu.memory_space<vmem_shared>> -> memref<10240xf32, #tpu.memory_space<vmem_shared>>
        tpu.wait_indirect_dma semaphore(%run_scoped3A_248 : memref<!tpu.dma_semaphore, #tpu.memory_space<semaphore_mem>>) src(%arg13 : memref<128xf32, #tpu.memory_space<vmem>>) dst(%dma_wait3A_258 : memref<10240xf32, #tpu.memory_space<vmem_shared>>)
        tpu.yield
      }) : () -> ()
      %dma_wait3A_233 = arith.constant 7 : i32
      %dma_wait3A_234 = arith.constant 1 : i32
      %dma_wait3A_235 = arith.constant 0 : i32
      %dma_wait3A_236 = arith.constant 0 : i32
      %dma_wait3A_237 = tpu.memref_slice %arg12[%dma_wait3A_234, %dma_wait3A_235, %dma_wait3A_236] : memref<2x128x128xf32, #tpu.memory_space<vmem>> -> memref<1x128x128xf32, #tpu.memory_space<vmem>>
      %dma_wait3A_238 = tpu.memref_squeeze %dma_wait3A_237 : memref<1x128x128xf32, #tpu.memory_space<vmem>> -> memref<128x128xf32, #tpu.memory_space<vmem>>
      %dma_wait3A_239 = arith.constant 0 : i32
      %dma_wait3A_240 = tpu.memref_slice %arg10[%dma_wait3A_233, %dma_wait3A_239] : memref<8x128xi32, #tpu.memory_space<vmem>> -> memref<1x128xi32, #tpu.memory_space<vmem>>
      %dma_wait3A_241 = tpu.memref_squeeze %dma_wait3A_240 : memref<1x128xi32, #tpu.memory_space<vmem>> -> memref<128xi32, #tpu.memory_space<vmem>>
      %dma_wait3A_242 = arith.constant 0 : i32
      %dma_wait3A_243 = arith.constant 0 : i32
      %dma_wait3A_244 = tpu.memref_slice %arg2[%dma_wait3A_242, %dma_wait3A_243] : memref<10000x128xf32, #tpu.memory_space<hbm>> -> memref<10000x128xf32, #tpu.memory_space<hbm>>
      tpu.wait_indirect_dma semaphore(%arg17 : memref<!tpu.dma_semaphore, #tpu.memory_space<semaphore_mem>>) src(%dma_wait3A_244 : memref<10000x128xf32, #tpu.memory_space<hbm>>) dst(%dma_wait3A_238 : memref<128x128xf32, #tpu.memory_space<vmem>>)
      %run_scoped3A_245 = arith.constant 1 : i32
      %run_scoped3A_246 = arith.constant 7 : i32
      "tpu.region"() ({
        %run_scoped3A_248 = tpu.sem_alloc : memref<!tpu.dma_semaphore, #tpu.memory_space<semaphore_mem>>
        %dma_start3A_249 = arith.constant 0 : i32
        %dma_start3A_250 = arith.constant 0 : i32
        %dma_start3A_251 = tpu.memref_slice %arg12[%run_scoped3A_245, %dma_start3A_249, %dma_start3A_250] : memref<2x128x128xf32, #tpu.memory_space<vmem>> -> memref<1x128x128xf32, #tpu.memory_space<vmem>>
        %dma_start3A_252 = tpu.memref_squeeze %dma_start3A_251 : memref<1x128x128xf32, #tpu.memory_space<vmem>> -> memref<128x128xf32, #tpu.memory_space<vmem>>
        %dma_start3A_253 = arith.constant 0 : i32
        %dma_start3A_254 = tpu.memref_slice %arg11[%run_scoped3A_246, %dma_start3A_253] : memref<8x128xi32, #tpu.memory_space<vmem>> -> memref<1x128xi32, #tpu.memory_space<vmem>>
        %dma_start3A_255 = tpu.memref_squeeze %dma_start3A_254 : memref<1x128xi32, #tpu.memory_space<vmem>> -> memref<128xi32, #tpu.memory_space<vmem>>
        %dma_start3A_256 = arith.constant 0 : i32
        %dma_start3A_257 = arith.constant 0 : i32
        %dma_start3A_258 = tpu.memref_slice %arg14[%dma_start3A_256, %dma_start3A_257] : memref<10128x128xf32, #tpu.memory_space<vmem_shared>> -> memref<10128x128xf32, #tpu.memory_space<vmem_shared>>
        tpu.enqueue_indirect_dma source(%dma_start3A_252 : memref<128x128xf32, #tpu.memory_space<vmem>>) target(%dma_start3A_258 : memref<10128x128xf32, #tpu.memory_space<vmem_shared>>) offsets(%dma_start3A_255 : memref<128xi32, #tpu.memory_space<vmem>>) semaphore(%run_scoped3A_248 : memref<!tpu.dma_semaphore, #tpu.memory_space<semaphore_mem>>) {add = true}
        %dma_wait3A_259 = arith.constant 0 : i32
        %dma_wait3A_260 = arith.constant 0 : i32
        %dma_wait3A_261 = tpu.memref_slice %arg12[%run_scoped3A_245, %dma_wait3A_259, %dma_wait3A_260] : memref<2x128x128xf32, #tpu.memory_space<vmem>> -> memref<1x128x128xf32, #tpu.memory_space<vmem>>
        %dma_wait3A_262 = tpu.memref_squeeze %dma_wait3A_261 : memref<1x128x128xf32, #tpu.memory_space<vmem>> -> memref<128x128xf32, #tpu.memory_space<vmem>>
        %dma_wait3A_263 = arith.constant 0 : i32
        %dma_wait3A_264 = tpu.memref_slice %arg11[%run_scoped3A_246, %dma_wait3A_263] : memref<8x128xi32, #tpu.memory_space<vmem>> -> memref<1x128xi32, #tpu.memory_space<vmem>>
        %dma_wait3A_265 = tpu.memref_squeeze %dma_wait3A_264 : memref<1x128xi32, #tpu.memory_space<vmem>> -> memref<128xi32, #tpu.memory_space<vmem>>
        %dma_wait3A_266 = arith.constant 0 : i32
        %dma_wait3A_267 = arith.constant 0 : i32
        %dma_wait3A_268 = tpu.memref_slice %arg14[%dma_wait3A_266, %dma_wait3A_267] : memref<10128x128xf32, #tpu.memory_space<vmem_shared>> -> memref<10128x128xf32, #tpu.memory_space<vmem_shared>>
        tpu.wait_indirect_dma semaphore(%run_scoped3A_248 : memref<!tpu.dma_semaphore, #tpu.memory_space<semaphore_mem>>) src(%dma_wait3A_262 : memref<128x128xf32, #tpu.memory_space<vmem>>) dst(%dma_wait3A_268 : memref<10128x128xf32, #tpu.memory_space<vmem_shared>>)
        tpu.yield
      }) : () -> ()
      %run_scoped3A_247 = arith.constant 7 : i32
      "tpu.region"() ({
        %run_scoped3A_248 = tpu.sem_alloc : memref<!tpu.dma_semaphore, #tpu.memory_space<semaphore_mem>>
        %dma_start3A_249 = arith.constant 0 : i32
        %dma_start3A_250 = tpu.memref_slice %arg11[%run_scoped3A_247, %dma_start3A_249] : memref<8x128xi32, #tpu.memory_space<vmem>> -> memref<1x128xi32, #tpu.memory_space<vmem>>
        %dma_start3A_251 = tpu.memref_squeeze %dma_start3A_250 : memref<1x128xi32, #tpu.memory_space<vmem>> -> memref<128xi32, #tpu.memory_space<vmem>>
        %dma_start3A_252 = arith.constant 0 : i32
        %dma_start3A_253 = tpu.memref_slice %arg15[%dma_start3A_252] : memref<10240xf32, #tpu.memory_space<vmem_shared>> -> memref<10240xf32, #tpu.memory_space<vmem_shared>>
        tpu.enqueue_indirect_dma source(%arg13 : memref<128xf32, #tpu.memory_space<vmem>>) target(%dma_start3A_253 : memref<10240xf32, #tpu.memory_space<vmem_shared>>) offsets(%dma_start3A_251 : memref<128xi32, #tpu.memory_space<vmem>>) semaphore(%run_scoped3A_248 : memref<!tpu.dma_semaphore, #tpu.memory_space<semaphore_mem>>) {add = true}
        %dma_wait3A_254 = arith.constant 0 : i32
        %dma_wait3A_255 = tpu.memref_slice %arg11[%run_scoped3A_247, %dma_wait3A_254] : memref<8x128xi32, #tpu.memory_space<vmem>> -> memref<1x128xi32, #tpu.memory_space<vmem>>
        %dma_wait3A_256 = tpu.memref_squeeze %dma_wait3A_255 : memref<1x128xi32, #tpu.memory_space<vmem>> -> memref<128xi32, #tpu.memory_space<vmem>>
        %dma_wait3A_257 = arith.constant 0 : i32
        %dma_wait3A_258 = tpu.memref_slice %arg15[%dma_wait3A_257] : memref<10240xf32, #tpu.memory_space<vmem_shared>> -> memref<10240xf32, #tpu.memory_space<vmem_shared>>
        tpu.wait_indirect_dma semaphore(%run_scoped3A_248 : memref<!tpu.dma_semaphore, #tpu.memory_space<semaphore_mem>>) src(%arg13 : memref<128xf32, #tpu.memory_space<vmem>>) dst(%dma_wait3A_258 : memref<10240xf32, #tpu.memory_space<vmem_shared>>)
        tpu.yield
      }) : () -> ()
    }
    %scan3A_16 = arith.constant 10 : i32
    %barrier3A_17 = arith.constant 0 : index
    tpu.barrier barrier_id(%barrier3A_17)
    %mul3A_18 = arith.constant 624 : i32
    %mul3A_19 = arith.muli %arg1, %mul3A_18 : i32
    %mul3A_20 = arith.constant 624 : i32
    %mul3A_21 = arith.muli %arg1, %mul3A_20 : i32
    "tpu.region"() ({
      %run_scoped3A = tpu.sem_alloc : memref<!tpu.dma_semaphore, #tpu.memory_space<semaphore_mem>>
      %dma_start3A = arith.constant 0 : i32
      %dma_start3A_32 = tpu.memref_slice %arg8[%arg0, %mul3A_21, %dma_start3A] : memref<2x10000x128xf32, #tpu.memory_space<hbm>> -> memref<1x624x128xf32, #tpu.memory_space<hbm>>
      %dma_start3A_33 = tpu.memref_squeeze %dma_start3A_32 : memref<1x624x128xf32, #tpu.memory_space<hbm>> -> memref<624x128xf32, #tpu.memory_space<hbm>>
      %dma_start3A_34 = arith.constant 0 : i32
      %dma_start3A_35 = tpu.memref_slice %arg14[%mul3A_19, %dma_start3A_34] : memref<10128x128xf32, #tpu.memory_space<vmem_shared>> -> memref<624x128xf32, #tpu.memory_space<vmem_shared>>
      tpu.enqueue_dma source(%dma_start3A_35 : memref<624x128xf32, #tpu.memory_space<vmem_shared>>) target(%dma_start3A_33 : memref<624x128xf32, #tpu.memory_space<hbm>>) target_semaphore(%run_scoped3A : memref<!tpu.dma_semaphore, #tpu.memory_space<semaphore_mem>>)
      %dma_wait3A = arith.constant 0 : i32
      %dma_wait3A_36 = tpu.memref_slice %arg8[%arg0, %mul3A_21, %dma_wait3A] : memref<2x10000x128xf32, #tpu.memory_space<hbm>> -> memref<1x624x128xf32, #tpu.memory_space<hbm>>
      %dma_wait3A_37 = tpu.memref_squeeze %dma_wait3A_36 : memref<1x624x128xf32, #tpu.memory_space<hbm>> -> memref<624x128xf32, #tpu.memory_space<hbm>>
      %dma_wait3A_38 = arith.constant 0 : i32
      %dma_wait3A_39 = tpu.memref_slice %arg14[%mul3A_19, %dma_wait3A_38] : memref<10128x128xf32, #tpu.memory_space<vmem_shared>> -> memref<624x128xf32, #tpu.memory_space<vmem_shared>>
      tpu.wait_dma2 semaphore(%run_scoped3A : memref<!tpu.dma_semaphore, #tpu.memory_space<semaphore_mem>>) src(%dma_wait3A_39 : memref<624x128xf32, #tpu.memory_space<vmem_shared>>) dst(%dma_wait3A_37 : memref<624x128xf32, #tpu.memory_space<hbm>>)
      tpu.yield
    }) : () -> ()
    %eq3A_22 = arith.constant 15 : i32
    %eq3A_23 = arith.cmpi eq, %arg1, %eq3A_22 : i32
    %convert_element_type3A_24 = arith.extui %eq3A_23 : i1 to i32
    %cond3A_25 = arith.constant 0 : i32
    %cond3A_26 = arith.cmpi ne, %convert_element_type3A_24, %cond3A_25 : i32
    scf.if %cond3A_26 {
      "tpu.region"() ({
        %run_scoped3A = tpu.sem_alloc : memref<!tpu.dma_semaphore, #tpu.memory_space<semaphore_mem>>
        %dma_start3A = arith.constant 9984 : i32
        %dma_start3A_32 = arith.constant 0 : i32
        %dma_start3A_33 = tpu.memref_slice %arg8[%arg0, %dma_start3A, %dma_start3A_32] : memref<2x10000x128xf32, #tpu.memory_space<hbm>> -> memref<1x16x128xf32, #tpu.memory_space<hbm>>
        %dma_start3A_34 = tpu.memref_squeeze %dma_start3A_33 : memref<1x16x128xf32, #tpu.memory_space<hbm>> -> memref<16x128xf32, #tpu.memory_space<hbm>>
        %dma_start3A_35 = arith.constant 9984 : i32
        %dma_start3A_36 = arith.constant 0 : i32
        %dma_start3A_37 = tpu.memref_slice %arg14[%dma_start3A_35, %dma_start3A_36] : memref<10128x128xf32, #tpu.memory_space<vmem_shared>> -> memref<16x128xf32, #tpu.memory_space<vmem_shared>>
        tpu.enqueue_dma source(%dma_start3A_37 : memref<16x128xf32, #tpu.memory_space<vmem_shared>>) target(%dma_start3A_34 : memref<16x128xf32, #tpu.memory_space<hbm>>) target_semaphore(%run_scoped3A : memref<!tpu.dma_semaphore, #tpu.memory_space<semaphore_mem>>)
        %dma_wait3A = arith.constant 9984 : i32
        %dma_wait3A_38 = arith.constant 0 : i32
        %dma_wait3A_39 = tpu.memref_slice %arg8[%arg0, %dma_wait3A, %dma_wait3A_38] : memref<2x10000x128xf32, #tpu.memory_space<hbm>> -> memref<1x16x128xf32, #tpu.memory_space<hbm>>
        %dma_wait3A_40 = tpu.memref_squeeze %dma_wait3A_39 : memref<1x16x128xf32, #tpu.memory_space<hbm>> -> memref<16x128xf32, #tpu.memory_space<hbm>>
        %dma_wait3A_41 = arith.constant 9984 : i32
        %dma_wait3A_42 = arith.constant 0 : i32
        %dma_wait3A_43 = tpu.memref_slice %arg14[%dma_wait3A_41, %dma_wait3A_42] : memref<10128x128xf32, #tpu.memory_space<vmem_shared>> -> memref<16x128xf32, #tpu.memory_space<vmem_shared>>
        tpu.wait_dma2 semaphore(%run_scoped3A : memref<!tpu.dma_semaphore, #tpu.memory_space<semaphore_mem>>) src(%dma_wait3A_43 : memref<16x128xf32, #tpu.memory_space<vmem_shared>>) dst(%dma_wait3A_40 : memref<16x128xf32, #tpu.memory_space<hbm>>)
        tpu.yield
      }) : () -> ()
    } else {
    }
    %eq3A_27 = arith.constant 0 : i32
    %eq3A_28 = arith.cmpi eq, %arg1, %eq3A_27 : i32
    %convert_element_type3A_29 = arith.extui %eq3A_28 : i1 to i32
    %cond3A_30 = arith.constant 0 : i32
    %cond3A_31 = arith.cmpi ne, %convert_element_type3A_29, %cond3A_30 : i32
    scf.if %cond3A_31 {
      "tpu.region"() ({
        %run_scoped3A = tpu.sem_alloc : memref<!tpu.dma_semaphore, #tpu.memory_space<semaphore_mem>>
        %dma_start3A = arith.constant 0 : i32
        %dma_start3A_32 = tpu.memref_slice %arg9[%arg0, %dma_start3A] : memref<2x10240xf32, #tpu.memory_space<hbm>> -> memref<1x10240xf32, #tpu.memory_space<hbm>>
        %dma_start3A_33 = tpu.memref_squeeze %dma_start3A_32 : memref<1x10240xf32, #tpu.memory_space<hbm>> -> memref<10240xf32, #tpu.memory_space<hbm>>
        tpu.enqueue_dma source(%arg15 : memref<10240xf32, #tpu.memory_space<vmem_shared>>) target(%dma_start3A_33 : memref<10240xf32, #tpu.memory_space<hbm>>) target_semaphore(%run_scoped3A : memref<!tpu.dma_semaphore, #tpu.memory_space<semaphore_mem>>)
        %dma_wait3A = arith.constant 0 : i32
        %dma_wait3A_34 = tpu.memref_slice %arg9[%arg0, %dma_wait3A] : memref<2x10240xf32, #tpu.memory_space<hbm>> -> memref<1x10240xf32, #tpu.memory_space<hbm>>
        %dma_wait3A_35 = tpu.memref_squeeze %dma_wait3A_34 : memref<1x10240xf32, #tpu.memory_space<hbm>> -> memref<10240xf32, #tpu.memory_space<hbm>>
        tpu.wait_dma2 semaphore(%run_scoped3A : memref<!tpu.dma_semaphore, #tpu.memory_space<semaphore_mem>>) src(%arg15 : memref<10240xf32, #tpu.memory_space<vmem_shared>>) dst(%dma_wait3A_35 : memref<10240xf32, #tpu.memory_space<hbm>>)
        tpu.yield
      }) : () -> ()
    } else {
    }
    return
  }
}

#map = affine_map<(d0, d1) -> (0, 0)>
#map1 = affine_map<(d0, d1) -> (0, 0, 0)>
#map2 = affine_map<(d0, d1) -> (0)>
module attributes {stable_mosaic.version = 14 : i64} {
  func.func @seg(%arg0: i32, %arg1: i32, %arg2: memref<10000x128xf32, #tpu.memory_space<hbm>>, %arg3: memref<32x80x128xi32, #tpu.memory_space<hbm>>, %arg4: memref<32x80x128xi32, #tpu.memory_space<hbm>>, %arg5: memref<128xf32, #tpu.memory_space<hbm>>, %arg6: memref<10000x128xf32, #tpu.memory_space<hbm>>, %arg7: memref<10240xf32, #tpu.memory_space<hbm>>, %arg8: memref<2x10000x128xf32, #tpu.memory_space<hbm>>, %arg9: memref<8x128xi32, #tpu.memory_space<vmem>>, %arg10: memref<8x128xi32, #tpu.memory_space<vmem>>, %arg11: memref<2x128x128xf32, #tpu.memory_space<vmem>>, %arg12: memref<128xf32, #tpu.memory_space<vmem>>, %arg13: memref<10128x128xf32, #tpu.memory_space<vmem_shared>>, %arg14: memref<10240xf32, #tpu.memory_space<vmem_shared>>, %arg15: memref<!tpu.dma_semaphore, #tpu.memory_space<semaphore_mem>>, %arg16: memref<!tpu.dma_semaphore, #tpu.memory_space<semaphore_mem>>, %arg17: memref<!tpu.dma_semaphore, #tpu.memory_space<semaphore_mem>>, %arg18: memref<!tpu.dma_semaphore, #tpu.memory_space<semaphore_mem>>) attributes {dimension_semantics = [#tpu.dimension_semantics<core_parallel>, #tpu.dimension_semantics<subcore_parallel>], iteration_bounds = array<i64: 2, 16>, scalar_prefetch = 0 : i64, scratch_operands = 10 : i64, tpu.core_type = #tpu.core_type<sc_vector_subcore>, window_params = [{transform_indices = #map}, {transform_indices = #map1}, {transform_indices = #map1}, {transform_indices = #map2}, {transform_indices = #map}, {transform_indices = #map2}, {transform_indices = #map1}]} {
    %mul3A = arith.constant 2 : i32
    %mul3A_0 = arith.muli %arg1, %mul3A : i32
    %add3A = arith.addi %mul3A_0, %arg0 : i32
    %mul3A_1 = arith.constant 624 : i32
    %mul3A_2 = arith.muli %arg1, %mul3A_1 : i32
    %mul3A_3 = arith.constant 624 : i32
    %mul3A_4 = arith.muli %arg1, %mul3A_3 : i32
    "tpu.region"() ({
      %run_scoped3A = tpu.sem_alloc : memref<!tpu.dma_semaphore, #tpu.memory_space<semaphore_mem>>
      %dma_start3A = arith.constant 0 : i32
      %dma_start3A_22 = tpu.memref_slice %arg13[%mul3A_4, %dma_start3A] : memref<10128x128xf32, #tpu.memory_space<vmem_shared>> -> memref<624x128xf32, #tpu.memory_space<vmem_shared>>
      %dma_start3A_23 = arith.constant 0 : i32
      %dma_start3A_24 = tpu.memref_slice %arg6[%mul3A_2, %dma_start3A_23] : memref<10000x128xf32, #tpu.memory_space<hbm>> -> memref<624x128xf32, #tpu.memory_space<hbm>>
      tpu.enqueue_dma source(%dma_start3A_24 : memref<624x128xf32, #tpu.memory_space<hbm>>) target(%dma_start3A_22 : memref<624x128xf32, #tpu.memory_space<vmem_shared>>) target_semaphore(%run_scoped3A : memref<!tpu.dma_semaphore, #tpu.memory_space<semaphore_mem>>)
      %dma_wait3A = arith.constant 0 : i32
      %dma_wait3A_25 = tpu.memref_slice %arg13[%mul3A_4, %dma_wait3A] : memref<10128x128xf32, #tpu.memory_space<vmem_shared>> -> memref<624x128xf32, #tpu.memory_space<vmem_shared>>
      %dma_wait3A_26 = arith.constant 0 : i32
      %dma_wait3A_27 = tpu.memref_slice %arg6[%mul3A_2, %dma_wait3A_26] : memref<10000x128xf32, #tpu.memory_space<hbm>> -> memref<624x128xf32, #tpu.memory_space<hbm>>
      tpu.wait_dma2 semaphore(%run_scoped3A : memref<!tpu.dma_semaphore, #tpu.memory_space<semaphore_mem>>) src(%dma_wait3A_27 : memref<624x128xf32, #tpu.memory_space<hbm>>) dst(%dma_wait3A_25 : memref<624x128xf32, #tpu.memory_space<vmem_shared>>)
      tpu.yield
    }) : () -> ()
    %eq3A = arith.constant 15 : i32
    %eq3A_5 = arith.cmpi eq, %arg1, %eq3A : i32
    %convert_element_type3A = arith.extui %eq3A_5 : i1 to i32
    %cond3A = arith.constant 0 : i32
    %cond3A_6 = arith.cmpi ne, %convert_element_type3A, %cond3A : i32
    scf.if %cond3A_6 {
      "tpu.region"() ({
        %run_scoped3A = tpu.sem_alloc : memref<!tpu.dma_semaphore, #tpu.memory_space<semaphore_mem>>
        %dma_start3A = arith.constant 9984 : i32
        %dma_start3A_22 = arith.constant 0 : i32
        %dma_start3A_23 = tpu.memref_slice %arg13[%dma_start3A, %dma_start3A_22] : memref<10128x128xf32, #tpu.memory_space<vmem_shared>> -> memref<16x128xf32, #tpu.memory_space<vmem_shared>>
        %dma_start3A_24 = arith.constant 9984 : i32
        %dma_start3A_25 = arith.constant 0 : i32
        %dma_start3A_26 = tpu.memref_slice %arg6[%dma_start3A_24, %dma_start3A_25] : memref<10000x128xf32, #tpu.memory_space<hbm>> -> memref<16x128xf32, #tpu.memory_space<hbm>>
        tpu.enqueue_dma source(%dma_start3A_26 : memref<16x128xf32, #tpu.memory_space<hbm>>) target(%dma_start3A_23 : memref<16x128xf32, #tpu.memory_space<vmem_shared>>) target_semaphore(%run_scoped3A : memref<!tpu.dma_semaphore, #tpu.memory_space<semaphore_mem>>)
        %dma_wait3A = arith.constant 9984 : i32
        %dma_wait3A_27 = arith.constant 0 : i32
        %dma_wait3A_28 = tpu.memref_slice %arg13[%dma_wait3A, %dma_wait3A_27] : memref<10128x128xf32, #tpu.memory_space<vmem_shared>> -> memref<16x128xf32, #tpu.memory_space<vmem_shared>>
        %dma_wait3A_29 = arith.constant 9984 : i32
        %dma_wait3A_30 = arith.constant 0 : i32
        %dma_wait3A_31 = tpu.memref_slice %arg6[%dma_wait3A_29, %dma_wait3A_30] : memref<10000x128xf32, #tpu.memory_space<hbm>> -> memref<16x128xf32, #tpu.memory_space<hbm>>
        tpu.wait_dma2 semaphore(%run_scoped3A : memref<!tpu.dma_semaphore, #tpu.memory_space<semaphore_mem>>) src(%dma_wait3A_31 : memref<16x128xf32, #tpu.memory_space<hbm>>) dst(%dma_wait3A_28 : memref<16x128xf32, #tpu.memory_space<vmem_shared>>)
        tpu.yield
      }) : () -> ()
    } else {
    }
    %barrier3A = arith.constant 0 : index
    tpu.barrier barrier_id(%barrier3A)
    %scan3A = arith.constant 0 : i32
    %scan3A_7 = arith.constant 0 : i32
    %scan3A_8 = arith.constant 10 : i32
    %scan3A_9 = arith.addi %scan3A_7, %scan3A_8 : i32
    %scan3A_10 = arith.constant 1 : i32
    scf.for %scan3A_22 = %scan3A_7 to %scan3A_9 step %scan3A_10  : i32 {
      %mul3A_23 = arith.constant 8 : i32
      %mul3A_24 = arith.muli %scan3A_22, %mul3A_23 : i32
      %multiple_of3A = tpu.assume_multiple %mul3A_24, 8 : i32
      "tpu.region"() ({
        %run_scoped3A_230 = tpu.sem_alloc : memref<!tpu.dma_semaphore, #tpu.memory_space<semaphore_mem>>
        %dma_start3A_231 = arith.constant 0 : i32
        %dma_start3A_232 = tpu.memref_slice %arg3[%add3A, %multiple_of3A, %dma_start3A_231] : memref<32x80x128xi32, #tpu.memory_space<hbm>> -> memref<1x8x128xi32, #tpu.memory_space<hbm>>
        %dma_start3A_233 = tpu.memref_squeeze %dma_start3A_232 : memref<1x8x128xi32, #tpu.memory_space<hbm>> -> memref<8x128xi32, #tpu.memory_space<hbm>>
        %dma_start3A_234 = arith.constant 0 : i32
        %dma_start3A_235 = tpu.memref_slice %arg3[%add3A, %multiple_of3A, %dma_start3A_234] : memref<32x80x128xi32, #tpu.memory_space<hbm>> -> memref<1x8x128xi32, #tpu.memory_space<hbm>>
        %dma_start3A_236 = tpu.memref_squeeze %dma_start3A_235 : memref<1x8x128xi32, #tpu.memory_space<hbm>> -> memref<8x128xi32, #tpu.memory_space<hbm>>
        tpu.enqueue_dma source(%dma_start3A_236 : memref<8x128xi32, #tpu.memory_space<hbm>>) target(%arg9 : memref<8x128xi32, #tpu.memory_space<vmem>>) target_semaphore(%run_scoped3A_230 : memref<!tpu.dma_semaphore, #tpu.memory_space<semaphore_mem>>)
        %dma_wait3A_237 = arith.constant 0 : i32
        %dma_wait3A_238 = tpu.memref_slice %arg3[%add3A, %multiple_of3A, %dma_wait3A_237] : memref<32x80x128xi32, #tpu.memory_space<hbm>> -> memref<1x8x128xi32, #tpu.memory_space<hbm>>
        %dma_wait3A_239 = tpu.memref_squeeze %dma_wait3A_238 : memref<1x8x128xi32, #tpu.memory_space<hbm>> -> memref<8x128xi32, #tpu.memory_space<hbm>>
        %dma_wait3A_240 = arith.constant 0 : i32
        %dma_wait3A_241 = tpu.memref_slice %arg3[%add3A, %multiple_of3A, %dma_wait3A_240] : memref<32x80x128xi32, #tpu.memory_space<hbm>> -> memref<1x8x128xi32, #tpu.memory_space<hbm>>
        %dma_wait3A_242 = tpu.memref_squeeze %dma_wait3A_241 : memref<1x8x128xi32, #tpu.memory_space<hbm>> -> memref<8x128xi32, #tpu.memory_space<hbm>>
        tpu.wait_dma2 semaphore(%run_scoped3A_230 : memref<!tpu.dma_semaphore, #tpu.memory_space<semaphore_mem>>) src(%dma_wait3A_242 : memref<8x128xi32, #tpu.memory_space<hbm>>) dst(%arg9 : memref<8x128xi32, #tpu.memory_space<vmem>>)
        tpu.yield
      }) : () -> ()
      "tpu.region"() ({
        %run_scoped3A_230 = tpu.sem_alloc : memref<!tpu.dma_semaphore, #tpu.memory_space<semaphore_mem>>
        %dma_start3A_231 = arith.constant 0 : i32
        %dma_start3A_232 = tpu.memref_slice %arg4[%add3A, %multiple_of3A, %dma_start3A_231] : memref<32x80x128xi32, #tpu.memory_space<hbm>> -> memref<1x8x128xi32, #tpu.memory_space<hbm>>
        %dma_start3A_233 = tpu.memref_squeeze %dma_start3A_232 : memref<1x8x128xi32, #tpu.memory_space<hbm>> -> memref<8x128xi32, #tpu.memory_space<hbm>>
        %dma_start3A_234 = arith.constant 0 : i32
        %dma_start3A_235 = tpu.memref_slice %arg4[%add3A, %multiple_of3A, %dma_start3A_234] : memref<32x80x128xi32, #tpu.memory_space<hbm>> -> memref<1x8x128xi32, #tpu.memory_space<hbm>>
        %dma_start3A_236 = tpu.memref_squeeze %dma_start3A_235 : memref<1x8x128xi32, #tpu.memory_space<hbm>> -> memref<8x128xi32, #tpu.memory_space<hbm>>
        tpu.enqueue_dma source(%dma_start3A_236 : memref<8x128xi32, #tpu.memory_space<hbm>>) target(%arg10 : memref<8x128xi32, #tpu.memory_space<vmem>>) target_semaphore(%run_scoped3A_230 : memref<!tpu.dma_semaphore, #tpu.memory_space<semaphore_mem>>)
        %dma_wait3A_237 = arith.constant 0 : i32
        %dma_wait3A_238 = tpu.memref_slice %arg4[%add3A, %multiple_of3A, %dma_wait3A_237] : memref<32x80x128xi32, #tpu.memory_space<hbm>> -> memref<1x8x128xi32, #tpu.memory_space<hbm>>
        %dma_wait3A_239 = tpu.memref_squeeze %dma_wait3A_238 : memref<1x8x128xi32, #tpu.memory_space<hbm>> -> memref<8x128xi32, #tpu.memory_space<hbm>>
        %dma_wait3A_240 = arith.constant 0 : i32
        %dma_wait3A_241 = tpu.memref_slice %arg4[%add3A, %multiple_of3A, %dma_wait3A_240] : memref<32x80x128xi32, #tpu.memory_space<hbm>> -> memref<1x8x128xi32, #tpu.memory_space<hbm>>
        %dma_wait3A_242 = tpu.memref_squeeze %dma_wait3A_241 : memref<1x8x128xi32, #tpu.memory_space<hbm>> -> memref<8x128xi32, #tpu.memory_space<hbm>>
        tpu.wait_dma2 semaphore(%run_scoped3A_230 : memref<!tpu.dma_semaphore, #tpu.memory_space<semaphore_mem>>) src(%dma_wait3A_242 : memref<8x128xi32, #tpu.memory_space<hbm>>) dst(%arg10 : memref<8x128xi32, #tpu.memory_space<vmem>>)
        tpu.yield
      }) : () -> ()
      %dma_start3A = arith.constant 0 : i32
      %dma_start3A_25 = arith.constant 0 : i32
      %dma_start3A_26 = arith.constant 0 : i32
      %dma_start3A_27 = arith.constant 0 : i32
      %dma_start3A_28 = tpu.memref_slice %arg11[%dma_start3A_25, %dma_start3A_26, %dma_start3A_27] : memref<2x128x128xf32, #tpu.memory_space<vmem>> -> memref<1x128x128xf32, #tpu.memory_space<vmem>>
      %dma_start3A_29 = tpu.memref_squeeze %dma_start3A_28 : memref<1x128x128xf32, #tpu.memory_space<vmem>> -> memref<128x128xf32, #tpu.memory_space<vmem>>
      %dma_start3A_30 = arith.constant 0 : i32
      %dma_start3A_31 = tpu.memref_slice %arg9[%dma_start3A, %dma_start3A_30] : memref<8x128xi32, #tpu.memory_space<vmem>> -> memref<1x128xi32, #tpu.memory_space<vmem>>
      %dma_start3A_32 = tpu.memref_squeeze %dma_start3A_31 : memref<1x128xi32, #tpu.memory_space<vmem>> -> memref<128xi32, #tpu.memory_space<vmem>>
      %dma_start3A_33 = arith.constant 0 : i32
      %dma_start3A_34 = arith.constant 0 : i32
      %dma_start3A_35 = tpu.memref_slice %arg2[%dma_start3A_33, %dma_start3A_34] : memref<10000x128xf32, #tpu.memory_space<hbm>> -> memref<10000x128xf32, #tpu.memory_space<hbm>>
      tpu.enqueue_indirect_dma source(%dma_start3A_35 : memref<10000x128xf32, #tpu.memory_space<hbm>>) target(%dma_start3A_29 : memref<128x128xf32, #tpu.memory_space<vmem>>) offsets(%dma_start3A_32 : memref<128xi32, #tpu.memory_space<vmem>>) semaphore(%arg15 : memref<!tpu.dma_semaphore, #tpu.memory_space<semaphore_mem>>)
      %dma_start3A_36 = arith.constant 1 : i32
      %dma_start3A_37 = arith.constant 1 : i32
      %dma_start3A_38 = arith.constant 0 : i32
      %dma_start3A_39 = arith.constant 0 : i32
      %dma_start3A_40 = tpu.memref_slice %arg11[%dma_start3A_37, %dma_start3A_38, %dma_start3A_39] : memref<2x128x128xf32, #tpu.memory_space<vmem>> -> memref<1x128x128xf32, #tpu.memory_space<vmem>>
      %dma_start3A_41 = tpu.memref_squeeze %dma_start3A_40 : memref<1x128x128xf32, #tpu.memory_space<vmem>> -> memref<128x128xf32, #tpu.memory_space<vmem>>
      %dma_start3A_42 = arith.constant 0 : i32
      %dma_start3A_43 = tpu.memref_slice %arg9[%dma_start3A_36, %dma_start3A_42] : memref<8x128xi32, #tpu.memory_space<vmem>> -> memref<1x128xi32, #tpu.memory_space<vmem>>
      %dma_start3A_44 = tpu.memref_squeeze %dma_start3A_43 : memref<1x128xi32, #tpu.memory_space<vmem>> -> memref<128xi32, #tpu.memory_space<vmem>>
      %dma_start3A_45 = arith.constant 0 : i32
      %dma_start3A_46 = arith.constant 0 : i32
      %dma_start3A_47 = tpu.memref_slice %arg2[%dma_start3A_45, %dma_start3A_46] : memref<10000x128xf32, #tpu.memory_space<hbm>> -> memref<10000x128xf32, #tpu.memory_space<hbm>>
      tpu.enqueue_indirect_dma source(%dma_start3A_47 : memref<10000x128xf32, #tpu.memory_space<hbm>>) target(%dma_start3A_41 : memref<128x128xf32, #tpu.memory_space<vmem>>) offsets(%dma_start3A_44 : memref<128xi32, #tpu.memory_space<vmem>>) semaphore(%arg16 : memref<!tpu.dma_semaphore, #tpu.memory_space<semaphore_mem>>)
      %dma_wait3A = arith.constant 0 : i32
      %dma_wait3A_48 = arith.constant 0 : i32
      %dma_wait3A_49 = arith.constant 0 : i32
      %dma_wait3A_50 = arith.constant 0 : i32
      %dma_wait3A_51 = tpu.memref_slice %arg11[%dma_wait3A_48, %dma_wait3A_49, %dma_wait3A_50] : memref<2x128x128xf32, #tpu.memory_space<vmem>> -> memref<1x128x128xf32, #tpu.memory_space<vmem>>
      %dma_wait3A_52 = tpu.memref_squeeze %dma_wait3A_51 : memref<1x128x128xf32, #tpu.memory_space<vmem>> -> memref<128x128xf32, #tpu.memory_space<vmem>>
      %dma_wait3A_53 = arith.constant 0 : i32
      %dma_wait3A_54 = tpu.memref_slice %arg9[%dma_wait3A, %dma_wait3A_53] : memref<8x128xi32, #tpu.memory_space<vmem>> -> memref<1x128xi32, #tpu.memory_space<vmem>>
      %dma_wait3A_55 = tpu.memref_squeeze %dma_wait3A_54 : memref<1x128xi32, #tpu.memory_space<vmem>> -> memref<128xi32, #tpu.memory_space<vmem>>
      %dma_wait3A_56 = arith.constant 0 : i32
      %dma_wait3A_57 = arith.constant 0 : i32
      %dma_wait3A_58 = tpu.memref_slice %arg2[%dma_wait3A_56, %dma_wait3A_57] : memref<10000x128xf32, #tpu.memory_space<hbm>> -> memref<10000x128xf32, #tpu.memory_space<hbm>>
      tpu.wait_indirect_dma semaphore(%arg15 : memref<!tpu.dma_semaphore, #tpu.memory_space<semaphore_mem>>) src(%dma_wait3A_58 : memref<10000x128xf32, #tpu.memory_space<hbm>>) dst(%dma_wait3A_52 : memref<128x128xf32, #tpu.memory_space<vmem>>)
      %run_scoped3A = arith.constant 0 : i32
      %run_scoped3A_59 = arith.constant 0 : i32
      "tpu.region"() ({
        %run_scoped3A_230 = tpu.sem_alloc : memref<!tpu.dma_semaphore, #tpu.memory_space<semaphore_mem>>
        %dma_start3A_231 = arith.constant 0 : i32
        %dma_start3A_232 = arith.constant 0 : i32
        %dma_start3A_233 = tpu.memref_slice %arg11[%run_scoped3A, %dma_start3A_231, %dma_start3A_232] : memref<2x128x128xf32, #tpu.memory_space<vmem>> -> memref<1x128x128xf32, #tpu.memory_space<vmem>>
        %dma_start3A_234 = tpu.memref_squeeze %dma_start3A_233 : memref<1x128x128xf32, #tpu.memory_space<vmem>> -> memref<128x128xf32, #tpu.memory_space<vmem>>
        %dma_start3A_235 = arith.constant 0 : i32
        %dma_start3A_236 = tpu.memref_slice %arg10[%run_scoped3A_59, %dma_start3A_235] : memref<8x128xi32, #tpu.memory_space<vmem>> -> memref<1x128xi32, #tpu.memory_space<vmem>>
        %dma_start3A_237 = tpu.memref_squeeze %dma_start3A_236 : memref<1x128xi32, #tpu.memory_space<vmem>> -> memref<128xi32, #tpu.memory_space<vmem>>
        %dma_start3A_238 = arith.constant 0 : i32
        %dma_start3A_239 = arith.constant 0 : i32
        %dma_start3A_240 = tpu.memref_slice %arg13[%dma_start3A_238, %dma_start3A_239] : memref<10128x128xf32, #tpu.memory_space<vmem_shared>> -> memref<10128x128xf32, #tpu.memory_space<vmem_shared>>
        tpu.enqueue_indirect_dma source(%dma_start3A_234 : memref<128x128xf32, #tpu.memory_space<vmem>>) target(%dma_start3A_240 : memref<10128x128xf32, #tpu.memory_space<vmem_shared>>) offsets(%dma_start3A_237 : memref<128xi32, #tpu.memory_space<vmem>>) semaphore(%run_scoped3A_230 : memref<!tpu.dma_semaphore, #tpu.memory_space<semaphore_mem>>) {add = true}
        %dma_wait3A_241 = arith.constant 0 : i32
        %dma_wait3A_242 = arith.constant 0 : i32
        %dma_wait3A_243 = tpu.memref_slice %arg11[%run_scoped3A, %dma_wait3A_241, %dma_wait3A_242] : memref<2x128x128xf32, #tpu.memory_space<vmem>> -> memref<1x128x128xf32, #tpu.memory_space<vmem>>
        %dma_wait3A_244 = tpu.memref_squeeze %dma_wait3A_243 : memref<1x128x128xf32, #tpu.memory_space<vmem>> -> memref<128x128xf32, #tpu.memory_space<vmem>>
        %dma_wait3A_245 = arith.constant 0 : i32
        %dma_wait3A_246 = tpu.memref_slice %arg10[%run_scoped3A_59, %dma_wait3A_245] : memref<8x128xi32, #tpu.memory_space<vmem>> -> memref<1x128xi32, #tpu.memory_space<vmem>>
        %dma_wait3A_247 = tpu.memref_squeeze %dma_wait3A_246 : memref<1x128xi32, #tpu.memory_space<vmem>> -> memref<128xi32, #tpu.memory_space<vmem>>
        %dma_wait3A_248 = arith.constant 0 : i32
        %dma_wait3A_249 = arith.constant 0 : i32
        %dma_wait3A_250 = tpu.memref_slice %arg13[%dma_wait3A_248, %dma_wait3A_249] : memref<10128x128xf32, #tpu.memory_space<vmem_shared>> -> memref<10128x128xf32, #tpu.memory_space<vmem_shared>>
        tpu.wait_indirect_dma semaphore(%run_scoped3A_230 : memref<!tpu.dma_semaphore, #tpu.memory_space<semaphore_mem>>) src(%dma_wait3A_244 : memref<128x128xf32, #tpu.memory_space<vmem>>) dst(%dma_wait3A_250 : memref<10128x128xf32, #tpu.memory_space<vmem_shared>>)
        tpu.yield
      }) : () -> ()
      %dma_wait3A_60 = arith.constant 1 : i32
      %dma_wait3A_61 = arith.constant 1 : i32
      %dma_wait3A_62 = arith.constant 0 : i32
      %dma_wait3A_63 = arith.constant 0 : i32
      %dma_wait3A_64 = tpu.memref_slice %arg11[%dma_wait3A_61, %dma_wait3A_62, %dma_wait3A_63] : memref<2x128x128xf32, #tpu.memory_space<vmem>> -> memref<1x128x128xf32, #tpu.memory_space<vmem>>
      %dma_wait3A_65 = tpu.memref_squeeze %dma_wait3A_64 : memref<1x128x128xf32, #tpu.memory_space<vmem>> -> memref<128x128xf32, #tpu.memory_space<vmem>>
      %dma_wait3A_66 = arith.constant 0 : i32
      %dma_wait3A_67 = tpu.memref_slice %arg9[%dma_wait3A_60, %dma_wait3A_66] : memref<8x128xi32, #tpu.memory_space<vmem>> -> memref<1x128xi32, #tpu.memory_space<vmem>>
      %dma_wait3A_68 = tpu.memref_squeeze %dma_wait3A_67 : memref<1x128xi32, #tpu.memory_space<vmem>> -> memref<128xi32, #tpu.memory_space<vmem>>
      %dma_wait3A_69 = arith.constant 0 : i32
      %dma_wait3A_70 = arith.constant 0 : i32
      %dma_wait3A_71 = tpu.memref_slice %arg2[%dma_wait3A_69, %dma_wait3A_70] : memref<10000x128xf32, #tpu.memory_space<hbm>> -> memref<10000x128xf32, #tpu.memory_space<hbm>>
      tpu.wait_indirect_dma semaphore(%arg16 : memref<!tpu.dma_semaphore, #tpu.memory_space<semaphore_mem>>) src(%dma_wait3A_71 : memref<10000x128xf32, #tpu.memory_space<hbm>>) dst(%dma_wait3A_65 : memref<128x128xf32, #tpu.memory_space<vmem>>)
      %run_scoped3A_72 = arith.constant 1 : i32
      %run_scoped3A_73 = arith.constant 1 : i32
      "tpu.region"() ({
        %run_scoped3A_230 = tpu.sem_alloc : memref<!tpu.dma_semaphore, #tpu.memory_space<semaphore_mem>>
        %dma_start3A_231 = arith.constant 0 : i32
        %dma_start3A_232 = arith.constant 0 : i32
        %dma_start3A_233 = tpu.memref_slice %arg11[%run_scoped3A_72, %dma_start3A_231, %dma_start3A_232] : memref<2x128x128xf32, #tpu.memory_space<vmem>> -> memref<1x128x128xf32, #tpu.memory_space<vmem>>
        %dma_start3A_234 = tpu.memref_squeeze %dma_start3A_233 : memref<1x128x128xf32, #tpu.memory_space<vmem>> -> memref<128x128xf32, #tpu.memory_space<vmem>>
        %dma_start3A_235 = arith.constant 0 : i32
        %dma_start3A_236 = tpu.memref_slice %arg10[%run_scoped3A_73, %dma_start3A_235] : memref<8x128xi32, #tpu.memory_space<vmem>> -> memref<1x128xi32, #tpu.memory_space<vmem>>
        %dma_start3A_237 = tpu.memref_squeeze %dma_start3A_236 : memref<1x128xi32, #tpu.memory_space<vmem>> -> memref<128xi32, #tpu.memory_space<vmem>>
        %dma_start3A_238 = arith.constant 0 : i32
        %dma_start3A_239 = arith.constant 0 : i32
        %dma_start3A_240 = tpu.memref_slice %arg13[%dma_start3A_238, %dma_start3A_239] : memref<10128x128xf32, #tpu.memory_space<vmem_shared>> -> memref<10128x128xf32, #tpu.memory_space<vmem_shared>>
        tpu.enqueue_indirect_dma source(%dma_start3A_234 : memref<128x128xf32, #tpu.memory_space<vmem>>) target(%dma_start3A_240 : memref<10128x128xf32, #tpu.memory_space<vmem_shared>>) offsets(%dma_start3A_237 : memref<128xi32, #tpu.memory_space<vmem>>) semaphore(%run_scoped3A_230 : memref<!tpu.dma_semaphore, #tpu.memory_space<semaphore_mem>>) {add = true}
        %dma_wait3A_241 = arith.constant 0 : i32
        %dma_wait3A_242 = arith.constant 0 : i32
        %dma_wait3A_243 = tpu.memref_slice %arg11[%run_scoped3A_72, %dma_wait3A_241, %dma_wait3A_242] : memref<2x128x128xf32, #tpu.memory_space<vmem>> -> memref<1x128x128xf32, #tpu.memory_space<vmem>>
        %dma_wait3A_244 = tpu.memref_squeeze %dma_wait3A_243 : memref<1x128x128xf32, #tpu.memory_space<vmem>> -> memref<128x128xf32, #tpu.memory_space<vmem>>
        %dma_wait3A_245 = arith.constant 0 : i32
        %dma_wait3A_246 = tpu.memref_slice %arg10[%run_scoped3A_73, %dma_wait3A_245] : memref<8x128xi32, #tpu.memory_space<vmem>> -> memref<1x128xi32, #tpu.memory_space<vmem>>
        %dma_wait3A_247 = tpu.memref_squeeze %dma_wait3A_246 : memref<1x128xi32, #tpu.memory_space<vmem>> -> memref<128xi32, #tpu.memory_space<vmem>>
        %dma_wait3A_248 = arith.constant 0 : i32
        %dma_wait3A_249 = arith.constant 0 : i32
        %dma_wait3A_250 = tpu.memref_slice %arg13[%dma_wait3A_248, %dma_wait3A_249] : memref<10128x128xf32, #tpu.memory_space<vmem_shared>> -> memref<10128x128xf32, #tpu.memory_space<vmem_shared>>
        tpu.wait_indirect_dma semaphore(%run_scoped3A_230 : memref<!tpu.dma_semaphore, #tpu.memory_space<semaphore_mem>>) src(%dma_wait3A_244 : memref<128x128xf32, #tpu.memory_space<vmem>>) dst(%dma_wait3A_250 : memref<10128x128xf32, #tpu.memory_space<vmem_shared>>)
        tpu.yield
      }) : () -> ()
      %dma_start3A_74 = arith.constant 2 : i32
      %dma_start3A_75 = arith.constant 0 : i32
      %dma_start3A_76 = arith.constant 0 : i32
      %dma_start3A_77 = arith.constant 0 : i32
      %dma_start3A_78 = tpu.memref_slice %arg11[%dma_start3A_75, %dma_start3A_76, %dma_start3A_77] : memref<2x128x128xf32, #tpu.memory_space<vmem>> -> memref<1x128x128xf32, #tpu.memory_space<vmem>>
      %dma_start3A_79 = tpu.memref_squeeze %dma_start3A_78 : memref<1x128x128xf32, #tpu.memory_space<vmem>> -> memref<128x128xf32, #tpu.memory_space<vmem>>
      %dma_start3A_80 = arith.constant 0 : i32
      %dma_start3A_81 = tpu.memref_slice %arg9[%dma_start3A_74, %dma_start3A_80] : memref<8x128xi32, #tpu.memory_space<vmem>> -> memref<1x128xi32, #tpu.memory_space<vmem>>
      %dma_start3A_82 = tpu.memref_squeeze %dma_start3A_81 : memref<1x128xi32, #tpu.memory_space<vmem>> -> memref<128xi32, #tpu.memory_space<vmem>>
      %dma_start3A_83 = arith.constant 0 : i32
      %dma_start3A_84 = arith.constant 0 : i32
      %dma_start3A_85 = tpu.memref_slice %arg2[%dma_start3A_83, %dma_start3A_84] : memref<10000x128xf32, #tpu.memory_space<hbm>> -> memref<10000x128xf32, #tpu.memory_space<hbm>>
      tpu.enqueue_indirect_dma source(%dma_start3A_85 : memref<10000x128xf32, #tpu.memory_space<hbm>>) target(%dma_start3A_79 : memref<128x128xf32, #tpu.memory_space<vmem>>) offsets(%dma_start3A_82 : memref<128xi32, #tpu.memory_space<vmem>>) semaphore(%arg15 : memref<!tpu.dma_semaphore, #tpu.memory_space<semaphore_mem>>)
      %dma_start3A_86 = arith.constant 3 : i32
      %dma_start3A_87 = arith.constant 1 : i32
      %dma_start3A_88 = arith.constant 0 : i32
      %dma_start3A_89 = arith.constant 0 : i32
      %dma_start3A_90 = tpu.memref_slice %arg11[%dma_start3A_87, %dma_start3A_88, %dma_start3A_89] : memref<2x128x128xf32, #tpu.memory_space<vmem>> -> memref<1x128x128xf32, #tpu.memory_space<vmem>>
      %dma_start3A_91 = tpu.memref_squeeze %dma_start3A_90 : memref<1x128x128xf32, #tpu.memory_space<vmem>> -> memref<128x128xf32, #tpu.memory_space<vmem>>
      %dma_start3A_92 = arith.constant 0 : i32
      %dma_start3A_93 = tpu.memref_slice %arg9[%dma_start3A_86, %dma_start3A_92] : memref<8x128xi32, #tpu.memory_space<vmem>> -> memref<1x128xi32, #tpu.memory_space<vmem>>
      %dma_start3A_94 = tpu.memref_squeeze %dma_start3A_93 : memref<1x128xi32, #tpu.memory_space<vmem>> -> memref<128xi32, #tpu.memory_space<vmem>>
      %dma_start3A_95 = arith.constant 0 : i32
      %dma_start3A_96 = arith.constant 0 : i32
      %dma_start3A_97 = tpu.memref_slice %arg2[%dma_start3A_95, %dma_start3A_96] : memref<10000x128xf32, #tpu.memory_space<hbm>> -> memref<10000x128xf32, #tpu.memory_space<hbm>>
      tpu.enqueue_indirect_dma source(%dma_start3A_97 : memref<10000x128xf32, #tpu.memory_space<hbm>>) target(%dma_start3A_91 : memref<128x128xf32, #tpu.memory_space<vmem>>) offsets(%dma_start3A_94 : memref<128xi32, #tpu.memory_space<vmem>>) semaphore(%arg16 : memref<!tpu.dma_semaphore, #tpu.memory_space<semaphore_mem>>)
      %dma_wait3A_98 = arith.constant 2 : i32
      %dma_wait3A_99 = arith.constant 0 : i32
      %dma_wait3A_100 = arith.constant 0 : i32
      %dma_wait3A_101 = arith.constant 0 : i32
      %dma_wait3A_102 = tpu.memref_slice %arg11[%dma_wait3A_99, %dma_wait3A_100, %dma_wait3A_101] : memref<2x128x128xf32, #tpu.memory_space<vmem>> -> memref<1x128x128xf32, #tpu.memory_space<vmem>>
      %dma_wait3A_103 = tpu.memref_squeeze %dma_wait3A_102 : memref<1x128x128xf32, #tpu.memory_space<vmem>> -> memref<128x128xf32, #tpu.memory_space<vmem>>
      %dma_wait3A_104 = arith.constant 0 : i32
      %dma_wait3A_105 = tpu.memref_slice %arg9[%dma_wait3A_98, %dma_wait3A_104] : memref<8x128xi32, #tpu.memory_space<vmem>> -> memref<1x128xi32, #tpu.memory_space<vmem>>
      %dma_wait3A_106 = tpu.memref_squeeze %dma_wait3A_105 : memref<1x128xi32, #tpu.memory_space<vmem>> -> memref<128xi32, #tpu.memory_space<vmem>>
      %dma_wait3A_107 = arith.constant 0 : i32
      %dma_wait3A_108 = arith.constant 0 : i32
      %dma_wait3A_109 = tpu.memref_slice %arg2[%dma_wait3A_107, %dma_wait3A_108] : memref<10000x128xf32, #tpu.memory_space<hbm>> -> memref<10000x128xf32, #tpu.memory_space<hbm>>
      tpu.wait_indirect_dma semaphore(%arg15 : memref<!tpu.dma_semaphore, #tpu.memory_space<semaphore_mem>>) src(%dma_wait3A_109 : memref<10000x128xf32, #tpu.memory_space<hbm>>) dst(%dma_wait3A_103 : memref<128x128xf32, #tpu.memory_space<vmem>>)
      %run_scoped3A_110 = arith.constant 0 : i32
      %run_scoped3A_111 = arith.constant 2 : i32
      "tpu.region"() ({
        %run_scoped3A_230 = tpu.sem_alloc : memref<!tpu.dma_semaphore, #tpu.memory_space<semaphore_mem>>
        %dma_start3A_231 = arith.constant 0 : i32
        %dma_start3A_232 = arith.constant 0 : i32
        %dma_start3A_233 = tpu.memref_slice %arg11[%run_scoped3A_110, %dma_start3A_231, %dma_start3A_232] : memref<2x128x128xf32, #tpu.memory_space<vmem>> -> memref<1x128x128xf32, #tpu.memory_space<vmem>>
        %dma_start3A_234 = tpu.memref_squeeze %dma_start3A_233 : memref<1x128x128xf32, #tpu.memory_space<vmem>> -> memref<128x128xf32, #tpu.memory_space<vmem>>
        %dma_start3A_235 = arith.constant 0 : i32
        %dma_start3A_236 = tpu.memref_slice %arg10[%run_scoped3A_111, %dma_start3A_235] : memref<8x128xi32, #tpu.memory_space<vmem>> -> memref<1x128xi32, #tpu.memory_space<vmem>>
        %dma_start3A_237 = tpu.memref_squeeze %dma_start3A_236 : memref<1x128xi32, #tpu.memory_space<vmem>> -> memref<128xi32, #tpu.memory_space<vmem>>
        %dma_start3A_238 = arith.constant 0 : i32
        %dma_start3A_239 = arith.constant 0 : i32
        %dma_start3A_240 = tpu.memref_slice %arg13[%dma_start3A_238, %dma_start3A_239] : memref<10128x128xf32, #tpu.memory_space<vmem_shared>> -> memref<10128x128xf32, #tpu.memory_space<vmem_shared>>
        tpu.enqueue_indirect_dma source(%dma_start3A_234 : memref<128x128xf32, #tpu.memory_space<vmem>>) target(%dma_start3A_240 : memref<10128x128xf32, #tpu.memory_space<vmem_shared>>) offsets(%dma_start3A_237 : memref<128xi32, #tpu.memory_space<vmem>>) semaphore(%run_scoped3A_230 : memref<!tpu.dma_semaphore, #tpu.memory_space<semaphore_mem>>) {add = true}
        %dma_wait3A_241 = arith.constant 0 : i32
        %dma_wait3A_242 = arith.constant 0 : i32
        %dma_wait3A_243 = tpu.memref_slice %arg11[%run_scoped3A_110, %dma_wait3A_241, %dma_wait3A_242] : memref<2x128x128xf32, #tpu.memory_space<vmem>> -> memref<1x128x128xf32, #tpu.memory_space<vmem>>
        %dma_wait3A_244 = tpu.memref_squeeze %dma_wait3A_243 : memref<1x128x128xf32, #tpu.memory_space<vmem>> -> memref<128x128xf32, #tpu.memory_space<vmem>>
        %dma_wait3A_245 = arith.constant 0 : i32
        %dma_wait3A_246 = tpu.memref_slice %arg10[%run_scoped3A_111, %dma_wait3A_245] : memref<8x128xi32, #tpu.memory_space<vmem>> -> memref<1x128xi32, #tpu.memory_space<vmem>>
        %dma_wait3A_247 = tpu.memref_squeeze %dma_wait3A_246 : memref<1x128xi32, #tpu.memory_space<vmem>> -> memref<128xi32, #tpu.memory_space<vmem>>
        %dma_wait3A_248 = arith.constant 0 : i32
        %dma_wait3A_249 = arith.constant 0 : i32
        %dma_wait3A_250 = tpu.memref_slice %arg13[%dma_wait3A_248, %dma_wait3A_249] : memref<10128x128xf32, #tpu.memory_space<vmem_shared>> -> memref<10128x128xf32, #tpu.memory_space<vmem_shared>>
        tpu.wait_indirect_dma semaphore(%run_scoped3A_230 : memref<!tpu.dma_semaphore, #tpu.memory_space<semaphore_mem>>) src(%dma_wait3A_244 : memref<128x128xf32, #tpu.memory_space<vmem>>) dst(%dma_wait3A_250 : memref<10128x128xf32, #tpu.memory_space<vmem_shared>>)
        tpu.yield
      }) : () -> ()
      %dma_wait3A_112 = arith.constant 3 : i32
      %dma_wait3A_113 = arith.constant 1 : i32
      %dma_wait3A_114 = arith.constant 0 : i32
      %dma_wait3A_115 = arith.constant 0 : i32
      %dma_wait3A_116 = tpu.memref_slice %arg11[%dma_wait3A_113, %dma_wait3A_114, %dma_wait3A_115] : memref<2x128x128xf32, #tpu.memory_space<vmem>> -> memref<1x128x128xf32, #tpu.memory_space<vmem>>
      %dma_wait3A_117 = tpu.memref_squeeze %dma_wait3A_116 : memref<1x128x128xf32, #tpu.memory_space<vmem>> -> memref<128x128xf32, #tpu.memory_space<vmem>>
      %dma_wait3A_118 = arith.constant 0 : i32
      %dma_wait3A_119 = tpu.memref_slice %arg9[%dma_wait3A_112, %dma_wait3A_118] : memref<8x128xi32, #tpu.memory_space<vmem>> -> memref<1x128xi32, #tpu.memory_space<vmem>>
      %dma_wait3A_120 = tpu.memref_squeeze %dma_wait3A_119 : memref<1x128xi32, #tpu.memory_space<vmem>> -> memref<128xi32, #tpu.memory_space<vmem>>
      %dma_wait3A_121 = arith.constant 0 : i32
      %dma_wait3A_122 = arith.constant 0 : i32
      %dma_wait3A_123 = tpu.memref_slice %arg2[%dma_wait3A_121, %dma_wait3A_122] : memref<10000x128xf32, #tpu.memory_space<hbm>> -> memref<10000x128xf32, #tpu.memory_space<hbm>>
      tpu.wait_indirect_dma semaphore(%arg16 : memref<!tpu.dma_semaphore, #tpu.memory_space<semaphore_mem>>) src(%dma_wait3A_123 : memref<10000x128xf32, #tpu.memory_space<hbm>>) dst(%dma_wait3A_117 : memref<128x128xf32, #tpu.memory_space<vmem>>)
      %run_scoped3A_124 = arith.constant 1 : i32
      %run_scoped3A_125 = arith.constant 3 : i32
      "tpu.region"() ({
        %run_scoped3A_230 = tpu.sem_alloc : memref<!tpu.dma_semaphore, #tpu.memory_space<semaphore_mem>>
        %dma_start3A_231 = arith.constant 0 : i32
        %dma_start3A_232 = arith.constant 0 : i32
        %dma_start3A_233 = tpu.memref_slice %arg11[%run_scoped3A_124, %dma_start3A_231, %dma_start3A_232] : memref<2x128x128xf32, #tpu.memory_space<vmem>> -> memref<1x128x128xf32, #tpu.memory_space<vmem>>
        %dma_start3A_234 = tpu.memref_squeeze %dma_start3A_233 : memref<1x128x128xf32, #tpu.memory_space<vmem>> -> memref<128x128xf32, #tpu.memory_space<vmem>>
        %dma_start3A_235 = arith.constant 0 : i32
        %dma_start3A_236 = tpu.memref_slice %arg10[%run_scoped3A_125, %dma_start3A_235] : memref<8x128xi32, #tpu.memory_space<vmem>> -> memref<1x128xi32, #tpu.memory_space<vmem>>
        %dma_start3A_237 = tpu.memref_squeeze %dma_start3A_236 : memref<1x128xi32, #tpu.memory_space<vmem>> -> memref<128xi32, #tpu.memory_space<vmem>>
        %dma_start3A_238 = arith.constant 0 : i32
        %dma_start3A_239 = arith.constant 0 : i32
        %dma_start3A_240 = tpu.memref_slice %arg13[%dma_start3A_238, %dma_start3A_239] : memref<10128x128xf32, #tpu.memory_space<vmem_shared>> -> memref<10128x128xf32, #tpu.memory_space<vmem_shared>>
        tpu.enqueue_indirect_dma source(%dma_start3A_234 : memref<128x128xf32, #tpu.memory_space<vmem>>) target(%dma_start3A_240 : memref<10128x128xf32, #tpu.memory_space<vmem_shared>>) offsets(%dma_start3A_237 : memref<128xi32, #tpu.memory_space<vmem>>) semaphore(%run_scoped3A_230 : memref<!tpu.dma_semaphore, #tpu.memory_space<semaphore_mem>>) {add = true}
        %dma_wait3A_241 = arith.constant 0 : i32
        %dma_wait3A_242 = arith.constant 0 : i32
        %dma_wait3A_243 = tpu.memref_slice %arg11[%run_scoped3A_124, %dma_wait3A_241, %dma_wait3A_242] : memref<2x128x128xf32, #tpu.memory_space<vmem>> -> memref<1x128x128xf32, #tpu.memory_space<vmem>>
        %dma_wait3A_244 = tpu.memref_squeeze %dma_wait3A_243 : memref<1x128x128xf32, #tpu.memory_space<vmem>> -> memref<128x128xf32, #tpu.memory_space<vmem>>
        %dma_wait3A_245 = arith.constant 0 : i32
        %dma_wait3A_246 = tpu.memref_slice %arg10[%run_scoped3A_125, %dma_wait3A_245] : memref<8x128xi32, #tpu.memory_space<vmem>> -> memref<1x128xi32, #tpu.memory_space<vmem>>
        %dma_wait3A_247 = tpu.memref_squeeze %dma_wait3A_246 : memref<1x128xi32, #tpu.memory_space<vmem>> -> memref<128xi32, #tpu.memory_space<vmem>>
        %dma_wait3A_248 = arith.constant 0 : i32
        %dma_wait3A_249 = arith.constant 0 : i32
        %dma_wait3A_250 = tpu.memref_slice %arg13[%dma_wait3A_248, %dma_wait3A_249] : memref<10128x128xf32, #tpu.memory_space<vmem_shared>> -> memref<10128x128xf32, #tpu.memory_space<vmem_shared>>
        tpu.wait_indirect_dma semaphore(%run_scoped3A_230 : memref<!tpu.dma_semaphore, #tpu.memory_space<semaphore_mem>>) src(%dma_wait3A_244 : memref<128x128xf32, #tpu.memory_space<vmem>>) dst(%dma_wait3A_250 : memref<10128x128xf32, #tpu.memory_space<vmem_shared>>)
        tpu.yield
      }) : () -> ()
      %dma_start3A_126 = arith.constant 4 : i32
      %dma_start3A_127 = arith.constant 0 : i32
      %dma_start3A_128 = arith.constant 0 : i32
      %dma_start3A_129 = arith.constant 0 : i32
      %dma_start3A_130 = tpu.memref_slice %arg11[%dma_start3A_127, %dma_start3A_128, %dma_start3A_129] : memref<2x128x128xf32, #tpu.memory_space<vmem>> -> memref<1x128x128xf32, #tpu.memory_space<vmem>>
      %dma_start3A_131 = tpu.memref_squeeze %dma_start3A_130 : memref<1x128x128xf32, #tpu.memory_space<vmem>> -> memref<128x128xf32, #tpu.memory_space<vmem>>
      %dma_start3A_132 = arith.constant 0 : i32
      %dma_start3A_133 = tpu.memref_slice %arg9[%dma_start3A_126, %dma_start3A_132] : memref<8x128xi32, #tpu.memory_space<vmem>> -> memref<1x128xi32, #tpu.memory_space<vmem>>
      %dma_start3A_134 = tpu.memref_squeeze %dma_start3A_133 : memref<1x128xi32, #tpu.memory_space<vmem>> -> memref<128xi32, #tpu.memory_space<vmem>>
      %dma_start3A_135 = arith.constant 0 : i32
      %dma_start3A_136 = arith.constant 0 : i32
      %dma_start3A_137 = tpu.memref_slice %arg2[%dma_start3A_135, %dma_start3A_136] : memref<10000x128xf32, #tpu.memory_space<hbm>> -> memref<10000x128xf32, #tpu.memory_space<hbm>>
      tpu.enqueue_indirect_dma source(%dma_start3A_137 : memref<10000x128xf32, #tpu.memory_space<hbm>>) target(%dma_start3A_131 : memref<128x128xf32, #tpu.memory_space<vmem>>) offsets(%dma_start3A_134 : memref<128xi32, #tpu.memory_space<vmem>>) semaphore(%arg15 : memref<!tpu.dma_semaphore, #tpu.memory_space<semaphore_mem>>)
      %dma_start3A_138 = arith.constant 5 : i32
      %dma_start3A_139 = arith.constant 1 : i32
      %dma_start3A_140 = arith.constant 0 : i32
      %dma_start3A_141 = arith.constant 0 : i32
      %dma_start3A_142 = tpu.memref_slice %arg11[%dma_start3A_139, %dma_start3A_140, %dma_start3A_141] : memref<2x128x128xf32, #tpu.memory_space<vmem>> -> memref<1x128x128xf32, #tpu.memory_space<vmem>>
      %dma_start3A_143 = tpu.memref_squeeze %dma_start3A_142 : memref<1x128x128xf32, #tpu.memory_space<vmem>> -> memref<128x128xf32, #tpu.memory_space<vmem>>
      %dma_start3A_144 = arith.constant 0 : i32
      %dma_start3A_145 = tpu.memref_slice %arg9[%dma_start3A_138, %dma_start3A_144] : memref<8x128xi32, #tpu.memory_space<vmem>> -> memref<1x128xi32, #tpu.memory_space<vmem>>
      %dma_start3A_146 = tpu.memref_squeeze %dma_start3A_145 : memref<1x128xi32, #tpu.memory_space<vmem>> -> memref<128xi32, #tpu.memory_space<vmem>>
      %dma_start3A_147 = arith.constant 0 : i32
      %dma_start3A_148 = arith.constant 0 : i32
      %dma_start3A_149 = tpu.memref_slice %arg2[%dma_start3A_147, %dma_start3A_148] : memref<10000x128xf32, #tpu.memory_space<hbm>> -> memref<10000x128xf32, #tpu.memory_space<hbm>>
      tpu.enqueue_indirect_dma source(%dma_start3A_149 : memref<10000x128xf32, #tpu.memory_space<hbm>>) target(%dma_start3A_143 : memref<128x128xf32, #tpu.memory_space<vmem>>) offsets(%dma_start3A_146 : memref<128xi32, #tpu.memory_space<vmem>>) semaphore(%arg16 : memref<!tpu.dma_semaphore, #tpu.memory_space<semaphore_mem>>)
      %dma_wait3A_150 = arith.constant 4 : i32
      %dma_wait3A_151 = arith.constant 0 : i32
      %dma_wait3A_152 = arith.constant 0 : i32
      %dma_wait3A_153 = arith.constant 0 : i32
      %dma_wait3A_154 = tpu.memref_slice %arg11[%dma_wait3A_151, %dma_wait3A_152, %dma_wait3A_153] : memref<2x128x128xf32, #tpu.memory_space<vmem>> -> memref<1x128x128xf32, #tpu.memory_space<vmem>>
      %dma_wait3A_155 = tpu.memref_squeeze %dma_wait3A_154 : memref<1x128x128xf32, #tpu.memory_space<vmem>> -> memref<128x128xf32, #tpu.memory_space<vmem>>
      %dma_wait3A_156 = arith.constant 0 : i32
      %dma_wait3A_157 = tpu.memref_slice %arg9[%dma_wait3A_150, %dma_wait3A_156] : memref<8x128xi32, #tpu.memory_space<vmem>> -> memref<1x128xi32, #tpu.memory_space<vmem>>
      %dma_wait3A_158 = tpu.memref_squeeze %dma_wait3A_157 : memref<1x128xi32, #tpu.memory_space<vmem>> -> memref<128xi32, #tpu.memory_space<vmem>>
      %dma_wait3A_159 = arith.constant 0 : i32
      %dma_wait3A_160 = arith.constant 0 : i32
      %dma_wait3A_161 = tpu.memref_slice %arg2[%dma_wait3A_159, %dma_wait3A_160] : memref<10000x128xf32, #tpu.memory_space<hbm>> -> memref<10000x128xf32, #tpu.memory_space<hbm>>
      tpu.wait_indirect_dma semaphore(%arg15 : memref<!tpu.dma_semaphore, #tpu.memory_space<semaphore_mem>>) src(%dma_wait3A_161 : memref<10000x128xf32, #tpu.memory_space<hbm>>) dst(%dma_wait3A_155 : memref<128x128xf32, #tpu.memory_space<vmem>>)
      %run_scoped3A_162 = arith.constant 0 : i32
      %run_scoped3A_163 = arith.constant 4 : i32
      "tpu.region"() ({
        %run_scoped3A_230 = tpu.sem_alloc : memref<!tpu.dma_semaphore, #tpu.memory_space<semaphore_mem>>
        %dma_start3A_231 = arith.constant 0 : i32
        %dma_start3A_232 = arith.constant 0 : i32
        %dma_start3A_233 = tpu.memref_slice %arg11[%run_scoped3A_162, %dma_start3A_231, %dma_start3A_232] : memref<2x128x128xf32, #tpu.memory_space<vmem>> -> memref<1x128x128xf32, #tpu.memory_space<vmem>>
        %dma_start3A_234 = tpu.memref_squeeze %dma_start3A_233 : memref<1x128x128xf32, #tpu.memory_space<vmem>> -> memref<128x128xf32, #tpu.memory_space<vmem>>
        %dma_start3A_235 = arith.constant 0 : i32
        %dma_start3A_236 = tpu.memref_slice %arg10[%run_scoped3A_163, %dma_start3A_235] : memref<8x128xi32, #tpu.memory_space<vmem>> -> memref<1x128xi32, #tpu.memory_space<vmem>>
        %dma_start3A_237 = tpu.memref_squeeze %dma_start3A_236 : memref<1x128xi32, #tpu.memory_space<vmem>> -> memref<128xi32, #tpu.memory_space<vmem>>
        %dma_start3A_238 = arith.constant 0 : i32
        %dma_start3A_239 = arith.constant 0 : i32
        %dma_start3A_240 = tpu.memref_slice %arg13[%dma_start3A_238, %dma_start3A_239] : memref<10128x128xf32, #tpu.memory_space<vmem_shared>> -> memref<10128x128xf32, #tpu.memory_space<vmem_shared>>
        tpu.enqueue_indirect_dma source(%dma_start3A_234 : memref<128x128xf32, #tpu.memory_space<vmem>>) target(%dma_start3A_240 : memref<10128x128xf32, #tpu.memory_space<vmem_shared>>) offsets(%dma_start3A_237 : memref<128xi32, #tpu.memory_space<vmem>>) semaphore(%run_scoped3A_230 : memref<!tpu.dma_semaphore, #tpu.memory_space<semaphore_mem>>) {add = true}
        %dma_wait3A_241 = arith.constant 0 : i32
        %dma_wait3A_242 = arith.constant 0 : i32
        %dma_wait3A_243 = tpu.memref_slice %arg11[%run_scoped3A_162, %dma_wait3A_241, %dma_wait3A_242] : memref<2x128x128xf32, #tpu.memory_space<vmem>> -> memref<1x128x128xf32, #tpu.memory_space<vmem>>
        %dma_wait3A_244 = tpu.memref_squeeze %dma_wait3A_243 : memref<1x128x128xf32, #tpu.memory_space<vmem>> -> memref<128x128xf32, #tpu.memory_space<vmem>>
        %dma_wait3A_245 = arith.constant 0 : i32
        %dma_wait3A_246 = tpu.memref_slice %arg10[%run_scoped3A_163, %dma_wait3A_245] : memref<8x128xi32, #tpu.memory_space<vmem>> -> memref<1x128xi32, #tpu.memory_space<vmem>>
        %dma_wait3A_247 = tpu.memref_squeeze %dma_wait3A_246 : memref<1x128xi32, #tpu.memory_space<vmem>> -> memref<128xi32, #tpu.memory_space<vmem>>
        %dma_wait3A_248 = arith.constant 0 : i32
        %dma_wait3A_249 = arith.constant 0 : i32
        %dma_wait3A_250 = tpu.memref_slice %arg13[%dma_wait3A_248, %dma_wait3A_249] : memref<10128x128xf32, #tpu.memory_space<vmem_shared>> -> memref<10128x128xf32, #tpu.memory_space<vmem_shared>>
        tpu.wait_indirect_dma semaphore(%run_scoped3A_230 : memref<!tpu.dma_semaphore, #tpu.memory_space<semaphore_mem>>) src(%dma_wait3A_244 : memref<128x128xf32, #tpu.memory_space<vmem>>) dst(%dma_wait3A_250 : memref<10128x128xf32, #tpu.memory_space<vmem_shared>>)
        tpu.yield
      }) : () -> ()
      %dma_wait3A_164 = arith.constant 5 : i32
      %dma_wait3A_165 = arith.constant 1 : i32
      %dma_wait3A_166 = arith.constant 0 : i32
      %dma_wait3A_167 = arith.constant 0 : i32
      %dma_wait3A_168 = tpu.memref_slice %arg11[%dma_wait3A_165, %dma_wait3A_166, %dma_wait3A_167] : memref<2x128x128xf32, #tpu.memory_space<vmem>> -> memref<1x128x128xf32, #tpu.memory_space<vmem>>
      %dma_wait3A_169 = tpu.memref_squeeze %dma_wait3A_168 : memref<1x128x128xf32, #tpu.memory_space<vmem>> -> memref<128x128xf32, #tpu.memory_space<vmem>>
      %dma_wait3A_170 = arith.constant 0 : i32
      %dma_wait3A_171 = tpu.memref_slice %arg9[%dma_wait3A_164, %dma_wait3A_170] : memref<8x128xi32, #tpu.memory_space<vmem>> -> memref<1x128xi32, #tpu.memory_space<vmem>>
      %dma_wait3A_172 = tpu.memref_squeeze %dma_wait3A_171 : memref<1x128xi32, #tpu.memory_space<vmem>> -> memref<128xi32, #tpu.memory_space<vmem>>
      %dma_wait3A_173 = arith.constant 0 : i32
      %dma_wait3A_174 = arith.constant 0 : i32
      %dma_wait3A_175 = tpu.memref_slice %arg2[%dma_wait3A_173, %dma_wait3A_174] : memref<10000x128xf32, #tpu.memory_space<hbm>> -> memref<10000x128xf32, #tpu.memory_space<hbm>>
      tpu.wait_indirect_dma semaphore(%arg16 : memref<!tpu.dma_semaphore, #tpu.memory_space<semaphore_mem>>) src(%dma_wait3A_175 : memref<10000x128xf32, #tpu.memory_space<hbm>>) dst(%dma_wait3A_169 : memref<128x128xf32, #tpu.memory_space<vmem>>)
      %run_scoped3A_176 = arith.constant 1 : i32
      %run_scoped3A_177 = arith.constant 5 : i32
      "tpu.region"() ({
        %run_scoped3A_230 = tpu.sem_alloc : memref<!tpu.dma_semaphore, #tpu.memory_space<semaphore_mem>>
        %dma_start3A_231 = arith.constant 0 : i32
        %dma_start3A_232 = arith.constant 0 : i32
        %dma_start3A_233 = tpu.memref_slice %arg11[%run_scoped3A_176, %dma_start3A_231, %dma_start3A_232] : memref<2x128x128xf32, #tpu.memory_space<vmem>> -> memref<1x128x128xf32, #tpu.memory_space<vmem>>
        %dma_start3A_234 = tpu.memref_squeeze %dma_start3A_233 : memref<1x128x128xf32, #tpu.memory_space<vmem>> -> memref<128x128xf32, #tpu.memory_space<vmem>>
        %dma_start3A_235 = arith.constant 0 : i32
        %dma_start3A_236 = tpu.memref_slice %arg10[%run_scoped3A_177, %dma_start3A_235] : memref<8x128xi32, #tpu.memory_space<vmem>> -> memref<1x128xi32, #tpu.memory_space<vmem>>
        %dma_start3A_237 = tpu.memref_squeeze %dma_start3A_236 : memref<1x128xi32, #tpu.memory_space<vmem>> -> memref<128xi32, #tpu.memory_space<vmem>>
        %dma_start3A_238 = arith.constant 0 : i32
        %dma_start3A_239 = arith.constant 0 : i32
        %dma_start3A_240 = tpu.memref_slice %arg13[%dma_start3A_238, %dma_start3A_239] : memref<10128x128xf32, #tpu.memory_space<vmem_shared>> -> memref<10128x128xf32, #tpu.memory_space<vmem_shared>>
        tpu.enqueue_indirect_dma source(%dma_start3A_234 : memref<128x128xf32, #tpu.memory_space<vmem>>) target(%dma_start3A_240 : memref<10128x128xf32, #tpu.memory_space<vmem_shared>>) offsets(%dma_start3A_237 : memref<128xi32, #tpu.memory_space<vmem>>) semaphore(%run_scoped3A_230 : memref<!tpu.dma_semaphore, #tpu.memory_space<semaphore_mem>>) {add = true}
        %dma_wait3A_241 = arith.constant 0 : i32
        %dma_wait3A_242 = arith.constant 0 : i32
        %dma_wait3A_243 = tpu.memref_slice %arg11[%run_scoped3A_176, %dma_wait3A_241, %dma_wait3A_242] : memref<2x128x128xf32, #tpu.memory_space<vmem>> -> memref<1x128x128xf32, #tpu.memory_space<vmem>>
        %dma_wait3A_244 = tpu.memref_squeeze %dma_wait3A_243 : memref<1x128x128xf32, #tpu.memory_space<vmem>> -> memref<128x128xf32, #tpu.memory_space<vmem>>
        %dma_wait3A_245 = arith.constant 0 : i32
        %dma_wait3A_246 = tpu.memref_slice %arg10[%run_scoped3A_177, %dma_wait3A_245] : memref<8x128xi32, #tpu.memory_space<vmem>> -> memref<1x128xi32, #tpu.memory_space<vmem>>
        %dma_wait3A_247 = tpu.memref_squeeze %dma_wait3A_246 : memref<1x128xi32, #tpu.memory_space<vmem>> -> memref<128xi32, #tpu.memory_space<vmem>>
        %dma_wait3A_248 = arith.constant 0 : i32
        %dma_wait3A_249 = arith.constant 0 : i32
        %dma_wait3A_250 = tpu.memref_slice %arg13[%dma_wait3A_248, %dma_wait3A_249] : memref<10128x128xf32, #tpu.memory_space<vmem_shared>> -> memref<10128x128xf32, #tpu.memory_space<vmem_shared>>
        tpu.wait_indirect_dma semaphore(%run_scoped3A_230 : memref<!tpu.dma_semaphore, #tpu.memory_space<semaphore_mem>>) src(%dma_wait3A_244 : memref<128x128xf32, #tpu.memory_space<vmem>>) dst(%dma_wait3A_250 : memref<10128x128xf32, #tpu.memory_space<vmem_shared>>)
        tpu.yield
      }) : () -> ()
      %dma_start3A_178 = arith.constant 6 : i32
      %dma_start3A_179 = arith.constant 0 : i32
      %dma_start3A_180 = arith.constant 0 : i32
      %dma_start3A_181 = arith.constant 0 : i32
      %dma_start3A_182 = tpu.memref_slice %arg11[%dma_start3A_179, %dma_start3A_180, %dma_start3A_181] : memref<2x128x128xf32, #tpu.memory_space<vmem>> -> memref<1x128x128xf32, #tpu.memory_space<vmem>>
      %dma_start3A_183 = tpu.memref_squeeze %dma_start3A_182 : memref<1x128x128xf32, #tpu.memory_space<vmem>> -> memref<128x128xf32, #tpu.memory_space<vmem>>
      %dma_start3A_184 = arith.constant 0 : i32
      %dma_start3A_185 = tpu.memref_slice %arg9[%dma_start3A_178, %dma_start3A_184] : memref<8x128xi32, #tpu.memory_space<vmem>> -> memref<1x128xi32, #tpu.memory_space<vmem>>
      %dma_start3A_186 = tpu.memref_squeeze %dma_start3A_185 : memref<1x128xi32, #tpu.memory_space<vmem>> -> memref<128xi32, #tpu.memory_space<vmem>>
      %dma_start3A_187 = arith.constant 0 : i32
      %dma_start3A_188 = arith.constant 0 : i32
      %dma_start3A_189 = tpu.memref_slice %arg2[%dma_start3A_187, %dma_start3A_188] : memref<10000x128xf32, #tpu.memory_space<hbm>> -> memref<10000x128xf32, #tpu.memory_space<hbm>>
      tpu.enqueue_indirect_dma source(%dma_start3A_189 : memref<10000x128xf32, #tpu.memory_space<hbm>>) target(%dma_start3A_183 : memref<128x128xf32, #tpu.memory_space<vmem>>) offsets(%dma_start3A_186 : memref<128xi32, #tpu.memory_space<vmem>>) semaphore(%arg15 : memref<!tpu.dma_semaphore, #tpu.memory_space<semaphore_mem>>)
      %dma_start3A_190 = arith.constant 7 : i32
      %dma_start3A_191 = arith.constant 1 : i32
      %dma_start3A_192 = arith.constant 0 : i32
      %dma_start3A_193 = arith.constant 0 : i32
      %dma_start3A_194 = tpu.memref_slice %arg11[%dma_start3A_191, %dma_start3A_192, %dma_start3A_193] : memref<2x128x128xf32, #tpu.memory_space<vmem>> -> memref<1x128x128xf32, #tpu.memory_space<vmem>>
      %dma_start3A_195 = tpu.memref_squeeze %dma_start3A_194 : memref<1x128x128xf32, #tpu.memory_space<vmem>> -> memref<128x128xf32, #tpu.memory_space<vmem>>
      %dma_start3A_196 = arith.constant 0 : i32
      %dma_start3A_197 = tpu.memref_slice %arg9[%dma_start3A_190, %dma_start3A_196] : memref<8x128xi32, #tpu.memory_space<vmem>> -> memref<1x128xi32, #tpu.memory_space<vmem>>
      %dma_start3A_198 = tpu.memref_squeeze %dma_start3A_197 : memref<1x128xi32, #tpu.memory_space<vmem>> -> memref<128xi32, #tpu.memory_space<vmem>>
      %dma_start3A_199 = arith.constant 0 : i32
      %dma_start3A_200 = arith.constant 0 : i32
      %dma_start3A_201 = tpu.memref_slice %arg2[%dma_start3A_199, %dma_start3A_200] : memref<10000x128xf32, #tpu.memory_space<hbm>> -> memref<10000x128xf32, #tpu.memory_space<hbm>>
      tpu.enqueue_indirect_dma source(%dma_start3A_201 : memref<10000x128xf32, #tpu.memory_space<hbm>>) target(%dma_start3A_195 : memref<128x128xf32, #tpu.memory_space<vmem>>) offsets(%dma_start3A_198 : memref<128xi32, #tpu.memory_space<vmem>>) semaphore(%arg16 : memref<!tpu.dma_semaphore, #tpu.memory_space<semaphore_mem>>)
      %dma_wait3A_202 = arith.constant 6 : i32
      %dma_wait3A_203 = arith.constant 0 : i32
      %dma_wait3A_204 = arith.constant 0 : i32
      %dma_wait3A_205 = arith.constant 0 : i32
      %dma_wait3A_206 = tpu.memref_slice %arg11[%dma_wait3A_203, %dma_wait3A_204, %dma_wait3A_205] : memref<2x128x128xf32, #tpu.memory_space<vmem>> -> memref<1x128x128xf32, #tpu.memory_space<vmem>>
      %dma_wait3A_207 = tpu.memref_squeeze %dma_wait3A_206 : memref<1x128x128xf32, #tpu.memory_space<vmem>> -> memref<128x128xf32, #tpu.memory_space<vmem>>
      %dma_wait3A_208 = arith.constant 0 : i32
      %dma_wait3A_209 = tpu.memref_slice %arg9[%dma_wait3A_202, %dma_wait3A_208] : memref<8x128xi32, #tpu.memory_space<vmem>> -> memref<1x128xi32, #tpu.memory_space<vmem>>
      %dma_wait3A_210 = tpu.memref_squeeze %dma_wait3A_209 : memref<1x128xi32, #tpu.memory_space<vmem>> -> memref<128xi32, #tpu.memory_space<vmem>>
      %dma_wait3A_211 = arith.constant 0 : i32
      %dma_wait3A_212 = arith.constant 0 : i32
      %dma_wait3A_213 = tpu.memref_slice %arg2[%dma_wait3A_211, %dma_wait3A_212] : memref<10000x128xf32, #tpu.memory_space<hbm>> -> memref<10000x128xf32, #tpu.memory_space<hbm>>
      tpu.wait_indirect_dma semaphore(%arg15 : memref<!tpu.dma_semaphore, #tpu.memory_space<semaphore_mem>>) src(%dma_wait3A_213 : memref<10000x128xf32, #tpu.memory_space<hbm>>) dst(%dma_wait3A_207 : memref<128x128xf32, #tpu.memory_space<vmem>>)
      %run_scoped3A_214 = arith.constant 0 : i32
      %run_scoped3A_215 = arith.constant 6 : i32
      "tpu.region"() ({
        %run_scoped3A_230 = tpu.sem_alloc : memref<!tpu.dma_semaphore, #tpu.memory_space<semaphore_mem>>
        %dma_start3A_231 = arith.constant 0 : i32
        %dma_start3A_232 = arith.constant 0 : i32
        %dma_start3A_233 = tpu.memref_slice %arg11[%run_scoped3A_214, %dma_start3A_231, %dma_start3A_232] : memref<2x128x128xf32, #tpu.memory_space<vmem>> -> memref<1x128x128xf32, #tpu.memory_space<vmem>>
        %dma_start3A_234 = tpu.memref_squeeze %dma_start3A_233 : memref<1x128x128xf32, #tpu.memory_space<vmem>> -> memref<128x128xf32, #tpu.memory_space<vmem>>
        %dma_start3A_235 = arith.constant 0 : i32
        %dma_start3A_236 = tpu.memref_slice %arg10[%run_scoped3A_215, %dma_start3A_235] : memref<8x128xi32, #tpu.memory_space<vmem>> -> memref<1x128xi32, #tpu.memory_space<vmem>>
        %dma_start3A_237 = tpu.memref_squeeze %dma_start3A_236 : memref<1x128xi32, #tpu.memory_space<vmem>> -> memref<128xi32, #tpu.memory_space<vmem>>
        %dma_start3A_238 = arith.constant 0 : i32
        %dma_start3A_239 = arith.constant 0 : i32
        %dma_start3A_240 = tpu.memref_slice %arg13[%dma_start3A_238, %dma_start3A_239] : memref<10128x128xf32, #tpu.memory_space<vmem_shared>> -> memref<10128x128xf32, #tpu.memory_space<vmem_shared>>
        tpu.enqueue_indirect_dma source(%dma_start3A_234 : memref<128x128xf32, #tpu.memory_space<vmem>>) target(%dma_start3A_240 : memref<10128x128xf32, #tpu.memory_space<vmem_shared>>) offsets(%dma_start3A_237 : memref<128xi32, #tpu.memory_space<vmem>>) semaphore(%run_scoped3A_230 : memref<!tpu.dma_semaphore, #tpu.memory_space<semaphore_mem>>) {add = true}
        %dma_wait3A_241 = arith.constant 0 : i32
        %dma_wait3A_242 = arith.constant 0 : i32
        %dma_wait3A_243 = tpu.memref_slice %arg11[%run_scoped3A_214, %dma_wait3A_241, %dma_wait3A_242] : memref<2x128x128xf32, #tpu.memory_space<vmem>> -> memref<1x128x128xf32, #tpu.memory_space<vmem>>
        %dma_wait3A_244 = tpu.memref_squeeze %dma_wait3A_243 : memref<1x128x128xf32, #tpu.memory_space<vmem>> -> memref<128x128xf32, #tpu.memory_space<vmem>>
        %dma_wait3A_245 = arith.constant 0 : i32
        %dma_wait3A_246 = tpu.memref_slice %arg10[%run_scoped3A_215, %dma_wait3A_245] : memref<8x128xi32, #tpu.memory_space<vmem>> -> memref<1x128xi32, #tpu.memory_space<vmem>>
        %dma_wait3A_247 = tpu.memref_squeeze %dma_wait3A_246 : memref<1x128xi32, #tpu.memory_space<vmem>> -> memref<128xi32, #tpu.memory_space<vmem>>
        %dma_wait3A_248 = arith.constant 0 : i32
        %dma_wait3A_249 = arith.constant 0 : i32
        %dma_wait3A_250 = tpu.memref_slice %arg13[%dma_wait3A_248, %dma_wait3A_249] : memref<10128x128xf32, #tpu.memory_space<vmem_shared>> -> memref<10128x128xf32, #tpu.memory_space<vmem_shared>>
        tpu.wait_indirect_dma semaphore(%run_scoped3A_230 : memref<!tpu.dma_semaphore, #tpu.memory_space<semaphore_mem>>) src(%dma_wait3A_244 : memref<128x128xf32, #tpu.memory_space<vmem>>) dst(%dma_wait3A_250 : memref<10128x128xf32, #tpu.memory_space<vmem_shared>>)
        tpu.yield
      }) : () -> ()
      %dma_wait3A_216 = arith.constant 7 : i32
      %dma_wait3A_217 = arith.constant 1 : i32
      %dma_wait3A_218 = arith.constant 0 : i32
      %dma_wait3A_219 = arith.constant 0 : i32
      %dma_wait3A_220 = tpu.memref_slice %arg11[%dma_wait3A_217, %dma_wait3A_218, %dma_wait3A_219] : memref<2x128x128xf32, #tpu.memory_space<vmem>> -> memref<1x128x128xf32, #tpu.memory_space<vmem>>
      %dma_wait3A_221 = tpu.memref_squeeze %dma_wait3A_220 : memref<1x128x128xf32, #tpu.memory_space<vmem>> -> memref<128x128xf32, #tpu.memory_space<vmem>>
      %dma_wait3A_222 = arith.constant 0 : i32
      %dma_wait3A_223 = tpu.memref_slice %arg9[%dma_wait3A_216, %dma_wait3A_222] : memref<8x128xi32, #tpu.memory_space<vmem>> -> memref<1x128xi32, #tpu.memory_space<vmem>>
      %dma_wait3A_224 = tpu.memref_squeeze %dma_wait3A_223 : memref<1x128xi32, #tpu.memory_space<vmem>> -> memref<128xi32, #tpu.memory_space<vmem>>
      %dma_wait3A_225 = arith.constant 0 : i32
      %dma_wait3A_226 = arith.constant 0 : i32
      %dma_wait3A_227 = tpu.memref_slice %arg2[%dma_wait3A_225, %dma_wait3A_226] : memref<10000x128xf32, #tpu.memory_space<hbm>> -> memref<10000x128xf32, #tpu.memory_space<hbm>>
      tpu.wait_indirect_dma semaphore(%arg16 : memref<!tpu.dma_semaphore, #tpu.memory_space<semaphore_mem>>) src(%dma_wait3A_227 : memref<10000x128xf32, #tpu.memory_space<hbm>>) dst(%dma_wait3A_221 : memref<128x128xf32, #tpu.memory_space<vmem>>)
      %run_scoped3A_228 = arith.constant 1 : i32
      %run_scoped3A_229 = arith.constant 7 : i32
      "tpu.region"() ({
        %run_scoped3A_230 = tpu.sem_alloc : memref<!tpu.dma_semaphore, #tpu.memory_space<semaphore_mem>>
        %dma_start3A_231 = arith.constant 0 : i32
        %dma_start3A_232 = arith.constant 0 : i32
        %dma_start3A_233 = tpu.memref_slice %arg11[%run_scoped3A_228, %dma_start3A_231, %dma_start3A_232] : memref<2x128x128xf32, #tpu.memory_space<vmem>> -> memref<1x128x128xf32, #tpu.memory_space<vmem>>
        %dma_start3A_234 = tpu.memref_squeeze %dma_start3A_233 : memref<1x128x128xf32, #tpu.memory_space<vmem>> -> memref<128x128xf32, #tpu.memory_space<vmem>>
        %dma_start3A_235 = arith.constant 0 : i32
        %dma_start3A_236 = tpu.memref_slice %arg10[%run_scoped3A_229, %dma_start3A_235] : memref<8x128xi32, #tpu.memory_space<vmem>> -> memref<1x128xi32, #tpu.memory_space<vmem>>
        %dma_start3A_237 = tpu.memref_squeeze %dma_start3A_236 : memref<1x128xi32, #tpu.memory_space<vmem>> -> memref<128xi32, #tpu.memory_space<vmem>>
        %dma_start3A_238 = arith.constant 0 : i32
        %dma_start3A_239 = arith.constant 0 : i32
        %dma_start3A_240 = tpu.memref_slice %arg13[%dma_start3A_238, %dma_start3A_239] : memref<10128x128xf32, #tpu.memory_space<vmem_shared>> -> memref<10128x128xf32, #tpu.memory_space<vmem_shared>>
        tpu.enqueue_indirect_dma source(%dma_start3A_234 : memref<128x128xf32, #tpu.memory_space<vmem>>) target(%dma_start3A_240 : memref<10128x128xf32, #tpu.memory_space<vmem_shared>>) offsets(%dma_start3A_237 : memref<128xi32, #tpu.memory_space<vmem>>) semaphore(%run_scoped3A_230 : memref<!tpu.dma_semaphore, #tpu.memory_space<semaphore_mem>>) {add = true}
        %dma_wait3A_241 = arith.constant 0 : i32
        %dma_wait3A_242 = arith.constant 0 : i32
        %dma_wait3A_243 = tpu.memref_slice %arg11[%run_scoped3A_228, %dma_wait3A_241, %dma_wait3A_242] : memref<2x128x128xf32, #tpu.memory_space<vmem>> -> memref<1x128x128xf32, #tpu.memory_space<vmem>>
        %dma_wait3A_244 = tpu.memref_squeeze %dma_wait3A_243 : memref<1x128x128xf32, #tpu.memory_space<vmem>> -> memref<128x128xf32, #tpu.memory_space<vmem>>
        %dma_wait3A_245 = arith.constant 0 : i32
        %dma_wait3A_246 = tpu.memref_slice %arg10[%run_scoped3A_229, %dma_wait3A_245] : memref<8x128xi32, #tpu.memory_space<vmem>> -> memref<1x128xi32, #tpu.memory_space<vmem>>
        %dma_wait3A_247 = tpu.memref_squeeze %dma_wait3A_246 : memref<1x128xi32, #tpu.memory_space<vmem>> -> memref<128xi32, #tpu.memory_space<vmem>>
        %dma_wait3A_248 = arith.constant 0 : i32
        %dma_wait3A_249 = arith.constant 0 : i32
        %dma_wait3A_250 = tpu.memref_slice %arg13[%dma_wait3A_248, %dma_wait3A_249] : memref<10128x128xf32, #tpu.memory_space<vmem_shared>> -> memref<10128x128xf32, #tpu.memory_space<vmem_shared>>
        tpu.wait_indirect_dma semaphore(%run_scoped3A_230 : memref<!tpu.dma_semaphore, #tpu.memory_space<semaphore_mem>>) src(%dma_wait3A_244 : memref<128x128xf32, #tpu.memory_space<vmem>>) dst(%dma_wait3A_250 : memref<10128x128xf32, #tpu.memory_space<vmem_shared>>)
        tpu.yield
      }) : () -> ()
    }
    %scan3A_11 = arith.constant 10 : i32
    %barrier3A_12 = arith.constant 0 : index
    tpu.barrier barrier_id(%barrier3A_12)
    %mul3A_13 = arith.constant 624 : i32
    %mul3A_14 = arith.muli %arg1, %mul3A_13 : i32
    %mul3A_15 = arith.constant 624 : i32
    %mul3A_16 = arith.muli %arg1, %mul3A_15 : i32
    "tpu.region"() ({
      %run_scoped3A = tpu.sem_alloc : memref<!tpu.dma_semaphore, #tpu.memory_space<semaphore_mem>>
      %dma_start3A = arith.constant 0 : i32
      %dma_start3A_22 = tpu.memref_slice %arg8[%arg0, %mul3A_16, %dma_start3A] : memref<2x10000x128xf32, #tpu.memory_space<hbm>> -> memref<1x624x128xf32, #tpu.memory_space<hbm>>
      %dma_start3A_23 = tpu.memref_squeeze %dma_start3A_22 : memref<1x624x128xf32, #tpu.memory_space<hbm>> -> memref<624x128xf32, #tpu.memory_space<hbm>>
      %dma_start3A_24 = arith.constant 0 : i32
      %dma_start3A_25 = tpu.memref_slice %arg13[%mul3A_14, %dma_start3A_24] : memref<10128x128xf32, #tpu.memory_space<vmem_shared>> -> memref<624x128xf32, #tpu.memory_space<vmem_shared>>
      tpu.enqueue_dma source(%dma_start3A_25 : memref<624x128xf32, #tpu.memory_space<vmem_shared>>) target(%dma_start3A_23 : memref<624x128xf32, #tpu.memory_space<hbm>>) target_semaphore(%run_scoped3A : memref<!tpu.dma_semaphore, #tpu.memory_space<semaphore_mem>>)
      %dma_wait3A = arith.constant 0 : i32
      %dma_wait3A_26 = tpu.memref_slice %arg8[%arg0, %mul3A_16, %dma_wait3A] : memref<2x10000x128xf32, #tpu.memory_space<hbm>> -> memref<1x624x128xf32, #tpu.memory_space<hbm>>
      %dma_wait3A_27 = tpu.memref_squeeze %dma_wait3A_26 : memref<1x624x128xf32, #tpu.memory_space<hbm>> -> memref<624x128xf32, #tpu.memory_space<hbm>>
      %dma_wait3A_28 = arith.constant 0 : i32
      %dma_wait3A_29 = tpu.memref_slice %arg13[%mul3A_14, %dma_wait3A_28] : memref<10128x128xf32, #tpu.memory_space<vmem_shared>> -> memref<624x128xf32, #tpu.memory_space<vmem_shared>>
      tpu.wait_dma2 semaphore(%run_scoped3A : memref<!tpu.dma_semaphore, #tpu.memory_space<semaphore_mem>>) src(%dma_wait3A_29 : memref<624x128xf32, #tpu.memory_space<vmem_shared>>) dst(%dma_wait3A_27 : memref<624x128xf32, #tpu.memory_space<hbm>>)
      tpu.yield
    }) : () -> ()
    %eq3A_17 = arith.constant 15 : i32
    %eq3A_18 = arith.cmpi eq, %arg1, %eq3A_17 : i32
    %convert_element_type3A_19 = arith.extui %eq3A_18 : i1 to i32
    %cond3A_20 = arith.constant 0 : i32
    %cond3A_21 = arith.cmpi ne, %convert_element_type3A_19, %cond3A_20 : i32
    scf.if %cond3A_21 {
      "tpu.region"() ({
        %run_scoped3A = tpu.sem_alloc : memref<!tpu.dma_semaphore, #tpu.memory_space<semaphore_mem>>
        %dma_start3A = arith.constant 9984 : i32
        %dma_start3A_22 = arith.constant 0 : i32
        %dma_start3A_23 = tpu.memref_slice %arg8[%arg0, %dma_start3A, %dma_start3A_22] : memref<2x10000x128xf32, #tpu.memory_space<hbm>> -> memref<1x16x128xf32, #tpu.memory_space<hbm>>
        %dma_start3A_24 = tpu.memref_squeeze %dma_start3A_23 : memref<1x16x128xf32, #tpu.memory_space<hbm>> -> memref<16x128xf32, #tpu.memory_space<hbm>>
        %dma_start3A_25 = arith.constant 9984 : i32
        %dma_start3A_26 = arith.constant 0 : i32
        %dma_start3A_27 = tpu.memref_slice %arg13[%dma_start3A_25, %dma_start3A_26] : memref<10128x128xf32, #tpu.memory_space<vmem_shared>> -> memref<16x128xf32, #tpu.memory_space<vmem_shared>>
        tpu.enqueue_dma source(%dma_start3A_27 : memref<16x128xf32, #tpu.memory_space<vmem_shared>>) target(%dma_start3A_24 : memref<16x128xf32, #tpu.memory_space<hbm>>) target_semaphore(%run_scoped3A : memref<!tpu.dma_semaphore, #tpu.memory_space<semaphore_mem>>)
        %dma_wait3A = arith.constant 9984 : i32
        %dma_wait3A_28 = arith.constant 0 : i32
        %dma_wait3A_29 = tpu.memref_slice %arg8[%arg0, %dma_wait3A, %dma_wait3A_28] : memref<2x10000x128xf32, #tpu.memory_space<hbm>> -> memref<1x16x128xf32, #tpu.memory_space<hbm>>
        %dma_wait3A_30 = tpu.memref_squeeze %dma_wait3A_29 : memref<1x16x128xf32, #tpu.memory_space<hbm>> -> memref<16x128xf32, #tpu.memory_space<hbm>>
        %dma_wait3A_31 = arith.constant 9984 : i32
        %dma_wait3A_32 = arith.constant 0 : i32
        %dma_wait3A_33 = tpu.memref_slice %arg13[%dma_wait3A_31, %dma_wait3A_32] : memref<10128x128xf32, #tpu.memory_space<vmem_shared>> -> memref<16x128xf32, #tpu.memory_space<vmem_shared>>
        tpu.wait_dma2 semaphore(%run_scoped3A : memref<!tpu.dma_semaphore, #tpu.memory_space<semaphore_mem>>) src(%dma_wait3A_33 : memref<16x128xf32, #tpu.memory_space<vmem_shared>>) dst(%dma_wait3A_30 : memref<16x128xf32, #tpu.memory_space<hbm>>)
        tpu.yield
      }) : () -> ()
    } else {
    }
    return
  }
}

module attributes {stable_mosaic.version = 14 : i64} {
  func.func @_tc1_body(%arg0: i32, %arg1: memref<2x1000x128xf32, #tpu.memory_space<vmem>>, %arg2: memref<2x1000x1xf32, #tpu.memory_space<vmem>>, %arg3: memref<1000x128xf32, #tpu.memory_space<vmem>>, %arg4: memref<128x128xf32, #tpu.memory_space<vmem>>, %arg5: memref<1x128xf32, #tpu.memory_space<vmem>>, %arg6: memref<128x128xf32, #tpu.memory_space<vmem>>, %arg7: memref<128x128xf32, #tpu.memory_space<vmem>>, %arg8: memref<1x128xf32, #tpu.memory_space<vmem>>, %arg9: memref<1000x128xf32, #tpu.memory_space<vmem>>, %arg10: memref<1000x1xf32, #tpu.memory_space<vmem>>) attributes {dimension_semantics = [#tpu.dimension_semantics<arbitrary>], iteration_bounds = array<i64: 10>, scalar_prefetch = 0 : i64, scratch_operands = 0 : i64, tpu.core_type = #tpu.core_type<tc>, window_params = [{transform_indices = @transform_0, window_bounds = array<i64: 2, 1000, 128>}, {transform_indices = @transform_1, window_bounds = array<i64: 2, 1000, 1>}, {transform_indices = @transform_2, window_bounds = array<i64: 1000, 128>}, {pipeline_mode = #tpu.pipeline_mode<synchronous>, transform_indices = @transform_3, window_bounds = array<i64: 128, 128>}, {pipeline_mode = #tpu.pipeline_mode<synchronous>, transform_indices = @transform_4, window_bounds = array<i64: 1, 128>}, {pipeline_mode = #tpu.pipeline_mode<synchronous>, transform_indices = @transform_5, window_bounds = array<i64: 128, 128>}, {pipeline_mode = #tpu.pipeline_mode<synchronous>, transform_indices = @transform_6, window_bounds = array<i64: 128, 128>}, {pipeline_mode = #tpu.pipeline_mode<synchronous>, transform_indices = @transform_7, window_bounds = array<i64: 1, 128>}, {transform_indices = @transform_8, window_bounds = array<i64: 1000, 128>}, {transform_indices = @transform_9, window_bounds = array<i64: 1000, 1>}]} {
    %get3A = arith.constant 0 : index
    %get3A_0 = arith.constant 0 : index
    %get3A_1 = arith.constant 0 : index
    %get3A_2 = vector.load %arg1[%get3A, %get3A_0, %get3A_1] : memref<2x1000x128xf32, #tpu.memory_space<vmem>>, vector<1x1000x128xf32>
    %get3A_3 = vector.shape_cast %get3A_2 : vector<1x1000x128xf32> to vector<1000x128xf32>
    %get3A_4 = arith.constant 1 : index
    %get3A_5 = arith.constant 0 : index
    %get3A_6 = arith.constant 0 : index
    %get3A_7 = vector.load %arg1[%get3A_4, %get3A_5, %get3A_6] : memref<2x1000x128xf32, #tpu.memory_space<vmem>>, vector<1x1000x128xf32>
    %get3A_8 = vector.shape_cast %get3A_7 : vector<1x1000x128xf32> to vector<1000x128xf32>
    %add3A = arith.addf %get3A_3, %get3A_8 : vector<1000x128xf32>
    %get3A_9 = arith.constant 0 : index
    %get3A_10 = arith.constant 0 : index
    %get3A_11 = arith.constant 0 : index
    %get3A_12 = vector.load %arg2[%get3A_9, %get3A_10, %get3A_11] : memref<2x1000x1xf32, #tpu.memory_space<vmem>>, vector<1x1000x1xf32>
    %get3A_13 = vector.shape_cast %get3A_12 : vector<1x1000x1xf32> to vector<1000x1xf32>
    %get3A_14 = arith.constant 1 : index
    %get3A_15 = arith.constant 0 : index
    %get3A_16 = arith.constant 0 : index
    %get3A_17 = vector.load %arg2[%get3A_14, %get3A_15, %get3A_16] : memref<2x1000x1xf32, #tpu.memory_space<vmem>>, vector<1x1000x1xf32>
    %get3A_18 = vector.shape_cast %get3A_17 : vector<1x1000x1xf32> to vector<1000x1xf32>
    %add3A_19 = arith.addf %get3A_13, %get3A_18 : vector<1000x1xf32>
    %max3A = arith.constant 1.000000e+00 : f32
    %max3A_20 = vector.broadcast %max3A : f32 to vector<1000x1xf32>
    %max3A_21 = arith.maximumf %add3A_19, %max3A_20 : vector<1000x1xf32>
    %div3A = vector.broadcast %max3A_21 : vector<1000x1xf32> to vector<1000x128xf32>
    %div3A_22 = arith.divf %add3A, %div3A : vector<1000x128xf32>
    %get3A_23 = arith.constant 0 : index
    %get3A_24 = arith.constant 0 : index
    %get3A_25 = vector.load %arg4[%get3A_23, %get3A_24] : memref<128x128xf32, #tpu.memory_space<vmem>>, vector<128x128xf32>
    %dot_general3A = arith.constant dense<0.000000e+00> : vector<1000x128xf32>
    %dot_general3A_26 = tpu.matmul %div3A_22, %get3A_25, %dot_general3A {dimension_numbers = #tpu.dot_dimension_numbers<[1], [0], [0], [1], [0, 0, 1, 1], [], []>, transpose_lhs_hint = false} : vector<1000x128xf32>, vector<128x128xf32>, vector<1000x128xf32> -> vector<1000x128xf32>
    %get3A_27 = arith.constant 0 : index
    %get3A_28 = arith.constant 0 : index
    %get3A_29 = vector.load %arg5[%get3A_27, %get3A_28] : memref<1x128xf32, #tpu.memory_space<vmem>>, vector<1x128xf32>
    %add3A_30 = vector.broadcast %get3A_29 : vector<1x128xf32> to vector<1000x128xf32>
    %add3A_31 = arith.addf %dot_general3A_26, %add3A_30 : vector<1000x128xf32>
    %get3A_32 = arith.constant 0 : index
    %get3A_33 = arith.constant 0 : index
    %get3A_34 = vector.load %arg3[%get3A_32, %get3A_33] : memref<1000x128xf32, #tpu.memory_space<vmem>>, vector<1000x128xf32>
    %get3A_35 = arith.constant 0 : index
    %get3A_36 = arith.constant 0 : index
    %get3A_37 = vector.load %arg6[%get3A_35, %get3A_36] : memref<128x128xf32, #tpu.memory_space<vmem>>, vector<128x128xf32>
    %dot_general3A_38 = arith.constant dense<0.000000e+00> : vector<1000x128xf32>
    %dot_general3A_39 = tpu.matmul %get3A_34, %get3A_37, %dot_general3A_38 {dimension_numbers = #tpu.dot_dimension_numbers<[1], [0], [0], [1], [0, 0, 1, 1], [], []>, transpose_lhs_hint = false} : vector<1000x128xf32>, vector<128x128xf32>, vector<1000x128xf32> -> vector<1000x128xf32>
    %add3A_40 = arith.addf %add3A_31, %dot_general3A_39 : vector<1000x128xf32>
    %get3A_41 = arith.constant 0 : index
    %get3A_42 = arith.constant 0 : index
    %get3A_43 = vector.load %arg8[%get3A_41, %get3A_42] : memref<1x128xf32, #tpu.memory_space<vmem>>, vector<1x128xf32>
    %ge3A = arith.constant 0.000000e+00 : f32
    %ge3A_44 = vector.broadcast %ge3A : f32 to vector<1000x128xf32>
    %ge3A_45 = arith.cmpf oge, %add3A_40, %ge3A_44 : vector<1000x128xf32>
    %mul3A = vector.broadcast %get3A_43 : vector<1x128xf32> to vector<1000x128xf32>
    %mul3A_46 = arith.mulf %mul3A, %add3A_40 : vector<1000x128xf32>
    %select_n3A = arith.select %ge3A_45, %add3A_40, %mul3A_46 : vector<1000x128xi1>, vector<1000x128xf32>
    %get3A_47 = arith.constant 0 : index
    %get3A_48 = arith.constant 0 : index
    %get3A_49 = vector.load %arg8[%get3A_47, %get3A_48] : memref<1x128xf32, #tpu.memory_space<vmem>>, vector<1x128xf32>
    %ge3A_50 = arith.constant 0.000000e+00 : f32
    %ge3A_51 = vector.broadcast %ge3A_50 : f32 to vector<1000x128xf32>
    %ge3A_52 = arith.cmpf oge, %select_n3A, %ge3A_51 : vector<1000x128xf32>
    %mul3A_53 = vector.broadcast %get3A_49 : vector<1x128xf32> to vector<1000x128xf32>
    %mul3A_54 = arith.mulf %mul3A_53, %select_n3A : vector<1000x128xf32>
    %select_n3A_55 = arith.select %ge3A_52, %select_n3A, %mul3A_54 : vector<1000x128xi1>, vector<1000x128xf32>
    %get3A_56 = arith.constant 0 : index
    %get3A_57 = arith.constant 0 : index
    %get3A_58 = vector.load %arg3[%get3A_56, %get3A_57] : memref<1000x128xf32, #tpu.memory_space<vmem>>, vector<1000x128xf32>
    %get3A_59 = arith.constant 0 : index
    %get3A_60 = arith.constant 0 : index
    %get3A_61 = vector.load %arg7[%get3A_59, %get3A_60] : memref<128x128xf32, #tpu.memory_space<vmem>>, vector<128x128xf32>
    %dot_general3A_62 = arith.constant dense<0.000000e+00> : vector<1000x128xf32>
    %dot_general3A_63 = tpu.matmul %get3A_58, %get3A_61, %dot_general3A_62 {dimension_numbers = #tpu.dot_dimension_numbers<[1], [0], [0], [1], [0, 0, 1, 1], [], []>, transpose_lhs_hint = false} : vector<1000x128xf32>, vector<128x128xf32>, vector<1000x128xf32> -> vector<1000x128xf32>
    %add3A_64 = arith.addf %select_n3A_55, %dot_general3A_63 : vector<1000x128xf32>
    %swap3A = arith.constant 0 : index
    %swap3A_65 = arith.constant 0 : index
    %swap3A_66 = vector.load %arg9[%swap3A, %swap3A_65] : memref<1000x128xf32, #tpu.memory_space<vmem>>, vector<1000x128xf32>
    tpu.vector_store %arg9[%swap3A, %swap3A_65], %add3A_64 {strides = array<i32>} : memref<1000x128xf32, #tpu.memory_space<vmem>>, vector<1000x128xf32>,
    %swap3A_67 = arith.constant 0 : index
    %swap3A_68 = arith.constant 0 : index
    %swap3A_69 = vector.load %arg10[%swap3A_67, %swap3A_68] : memref<1000x1xf32, #tpu.memory_space<vmem>>, vector<1000x1xf32>
    tpu.vector_store %arg10[%swap3A_67, %swap3A_68], %max3A_21 {strides = array<i32>} : memref<1000x1xf32, #tpu.memory_space<vmem>>, vector<1000x1xf32>,
    return
  }
  func.func @transform_0(%arg0: i32) -> (i32, i32, i32) {
    %c0_i32 = arith.constant 0 : i32
    %c0_i32_0 = arith.constant 0 : i32
    %c0_i32_1 = arith.constant 0 : i32
    return %c0_i32, %arg0, %c0_i32_0 : i32, i32, i32
  }
  func.func @transform_1(%arg0: i32) -> (i32, i32, i32) {
    %c0_i32 = arith.constant 0 : i32
    %c0_i32_0 = arith.constant 0 : i32
    %c0_i32_1 = arith.constant 0 : i32
    return %c0_i32, %arg0, %c0_i32_0 : i32, i32, i32
  }
  func.func @transform_2(%arg0: i32) -> (i32, i32) {
    %c0_i32 = arith.constant 0 : i32
    %c0_i32_0 = arith.constant 0 : i32
    return %arg0, %c0_i32 : i32, i32
  }
  func.func @transform_3(%arg0: i32) -> (i32, i32) {
    %c0_i32 = arith.constant 0 : i32
    %c0_i32_0 = arith.constant 0 : i32
    %c0_i32_1 = arith.constant 0 : i32
    return %c0_i32, %c0_i32_0 : i32, i32
  }
  func.func @transform_4(%arg0: i32) -> (i32, i32) {
    %c0_i32 = arith.constant 0 : i32
    %c0_i32_0 = arith.constant 0 : i32
    %c0_i32_1 = arith.constant 0 : i32
    return %c0_i32, %c0_i32_0 : i32, i32
  }
  func.func @transform_5(%arg0: i32) -> (i32, i32) {
    %c0_i32 = arith.constant 0 : i32
    %c0_i32_0 = arith.constant 0 : i32
    %c0_i32_1 = arith.constant 0 : i32
    return %c0_i32, %c0_i32_0 : i32, i32
  }
  func.func @transform_6(%arg0: i32) -> (i32, i32) {
    %c0_i32 = arith.constant 0 : i32
    %c0_i32_0 = arith.constant 0 : i32
    %c0_i32_1 = arith.constant 0 : i32
    return %c0_i32, %c0_i32_0 : i32, i32
  }
  func.func @transform_7(%arg0: i32) -> (i32, i32) {
    %c0_i32 = arith.constant 0 : i32
    %c0_i32_0 = arith.constant 0 : i32
    %c0_i32_1 = arith.constant 0 : i32
    return %c0_i32, %c0_i32_0 : i32, i32
  }
  func.func @transform_8(%arg0: i32) -> (i32, i32) {
    %c0_i32 = arith.constant 0 : i32
    %c0_i32_0 = arith.constant 0 : i32
    return %arg0, %c0_i32 : i32, i32
  }
  func.func @transform_9(%arg0: i32) -> (i32, i32) {
    %c0_i32 = arith.constant 0 : i32
    %c0_i32_0 = arith.constant 0 : i32
    return %arg0, %c0_i32 : i32, i32
  }
}

module attributes {stable_mosaic.version = 14 : i64} {
  func.func @_tc2_body(%arg0: i32, %arg1: memref<2x1000x128xf32, #tpu.memory_space<vmem>>, %arg2: memref<1000x1xf32, #tpu.memory_space<vmem>>, %arg3: memref<1000x128xf32, #tpu.memory_space<vmem>>, %arg4: memref<128x128xf32, #tpu.memory_space<vmem>>, %arg5: memref<1x128xf32, #tpu.memory_space<vmem>>, %arg6: memref<128x128xf32, #tpu.memory_space<vmem>>, %arg7: memref<1x128xf32, #tpu.memory_space<vmem>>, %arg8: memref<1000x128xf32, #tpu.memory_space<vmem>>) attributes {dimension_semantics = [#tpu.dimension_semantics<arbitrary>], iteration_bounds = array<i64: 10>, scalar_prefetch = 0 : i64, scratch_operands = 0 : i64, tpu.core_type = #tpu.core_type<tc>, window_params = [{transform_indices = @transform_0, window_bounds = array<i64: 2, 1000, 128>}, {transform_indices = @transform_1, window_bounds = array<i64: 1000, 1>}, {transform_indices = @transform_2, window_bounds = array<i64: 1000, 128>}, {pipeline_mode = #tpu.pipeline_mode<synchronous>, transform_indices = @transform_3, window_bounds = array<i64: 128, 128>}, {pipeline_mode = #tpu.pipeline_mode<synchronous>, transform_indices = @transform_4, window_bounds = array<i64: 1, 128>}, {pipeline_mode = #tpu.pipeline_mode<synchronous>, transform_indices = @transform_5, window_bounds = array<i64: 128, 128>}, {pipeline_mode = #tpu.pipeline_mode<synchronous>, transform_indices = @transform_6, window_bounds = array<i64: 1, 128>}, {transform_indices = @transform_7, window_bounds = array<i64: 1000, 128>}]} {
    %get3A = arith.constant 0 : index
    %get3A_0 = arith.constant 0 : index
    %get3A_1 = arith.constant 0 : index
    %get3A_2 = vector.load %arg1[%get3A, %get3A_0, %get3A_1] : memref<2x1000x128xf32, #tpu.memory_space<vmem>>, vector<1x1000x128xf32>
    %get3A_3 = vector.shape_cast %get3A_2 : vector<1x1000x128xf32> to vector<1000x128xf32>
    %get3A_4 = arith.constant 1 : index
    %get3A_5 = arith.constant 0 : index
    %get3A_6 = arith.constant 0 : index
    %get3A_7 = vector.load %arg1[%get3A_4, %get3A_5, %get3A_6] : memref<2x1000x128xf32, #tpu.memory_space<vmem>>, vector<1x1000x128xf32>
    %get3A_8 = vector.shape_cast %get3A_7 : vector<1x1000x128xf32> to vector<1000x128xf32>
    %add3A = arith.addf %get3A_3, %get3A_8 : vector<1000x128xf32>
    %get3A_9 = arith.constant 0 : index
    %get3A_10 = arith.constant 0 : index
    %get3A_11 = vector.load %arg2[%get3A_9, %get3A_10] : memref<1000x1xf32, #tpu.memory_space<vmem>>, vector<1000x1xf32>
    %div3A = vector.broadcast %get3A_11 : vector<1000x1xf32> to vector<1000x128xf32>
    %div3A_12 = arith.divf %add3A, %div3A : vector<1000x128xf32>
    %get3A_13 = arith.constant 0 : index
    %get3A_14 = arith.constant 0 : index
    %get3A_15 = vector.load %arg4[%get3A_13, %get3A_14] : memref<128x128xf32, #tpu.memory_space<vmem>>, vector<128x128xf32>
    %dot_general3A = arith.constant dense<0.000000e+00> : vector<1000x128xf32>
    %dot_general3A_16 = tpu.matmul %div3A_12, %get3A_15, %dot_general3A {dimension_numbers = #tpu.dot_dimension_numbers<[1], [0], [0], [1], [0, 0, 1, 1], [], []>, transpose_lhs_hint = false} : vector<1000x128xf32>, vector<128x128xf32>, vector<1000x128xf32> -> vector<1000x128xf32>
    %get3A_17 = arith.constant 0 : index
    %get3A_18 = arith.constant 0 : index
    %get3A_19 = vector.load %arg5[%get3A_17, %get3A_18] : memref<1x128xf32, #tpu.memory_space<vmem>>, vector<1x128xf32>
    %add3A_20 = vector.broadcast %get3A_19 : vector<1x128xf32> to vector<1000x128xf32>
    %add3A_21 = arith.addf %dot_general3A_16, %add3A_20 : vector<1000x128xf32>
    %get3A_22 = arith.constant 0 : index
    %get3A_23 = arith.constant 0 : index
    %get3A_24 = vector.load %arg3[%get3A_22, %get3A_23] : memref<1000x128xf32, #tpu.memory_space<vmem>>, vector<1000x128xf32>
    %get3A_25 = arith.constant 0 : index
    %get3A_26 = arith.constant 0 : index
    %get3A_27 = vector.load %arg6[%get3A_25, %get3A_26] : memref<128x128xf32, #tpu.memory_space<vmem>>, vector<128x128xf32>
    %dot_general3A_28 = arith.constant dense<0.000000e+00> : vector<1000x128xf32>
    %dot_general3A_29 = tpu.matmul %get3A_24, %get3A_27, %dot_general3A_28 {dimension_numbers = #tpu.dot_dimension_numbers<[1], [0], [0], [1], [0, 0, 1, 1], [], []>, transpose_lhs_hint = false} : vector<1000x128xf32>, vector<128x128xf32>, vector<1000x128xf32> -> vector<1000x128xf32>
    %add3A_30 = arith.addf %add3A_21, %dot_general3A_29 : vector<1000x128xf32>
    %get3A_31 = arith.constant 0 : index
    %get3A_32 = arith.constant 0 : index
    %get3A_33 = vector.load %arg7[%get3A_31, %get3A_32] : memref<1x128xf32, #tpu.memory_space<vmem>>, vector<1x128xf32>
    %ge3A = arith.constant 0.000000e+00 : f32
    %ge3A_34 = vector.broadcast %ge3A : f32 to vector<1000x128xf32>
    %ge3A_35 = arith.cmpf oge, %add3A_30, %ge3A_34 : vector<1000x128xf32>
    %mul3A = vector.broadcast %get3A_33 : vector<1x128xf32> to vector<1000x128xf32>
    %mul3A_36 = arith.mulf %mul3A, %add3A_30 : vector<1000x128xf32>
    %select_n3A = arith.select %ge3A_35, %add3A_30, %mul3A_36 : vector<1000x128xi1>, vector<1000x128xf32>
    %swap3A = arith.constant 0 : index
    %swap3A_37 = arith.constant 0 : index
    %swap3A_38 = vector.load %arg8[%swap3A, %swap3A_37] : memref<1000x128xf32, #tpu.memory_space<vmem>>, vector<1000x128xf32>
    tpu.vector_store %arg8[%swap3A, %swap3A_37], %select_n3A {strides = array<i32>} : memref<1000x128xf32, #tpu.memory_space<vmem>>, vector<1000x128xf32>,
    return
  }
  func.func @transform_0(%arg0: i32) -> (i32, i32, i32) {
    %c0_i32 = arith.constant 0 : i32
    %c0_i32_0 = arith.constant 0 : i32
    %c0_i32_1 = arith.constant 0 : i32
    return %c0_i32, %arg0, %c0_i32_0 : i32, i32, i32
  }
  func.func @transform_1(%arg0: i32) -> (i32, i32) {
    %c0_i32 = arith.constant 0 : i32
    %c0_i32_0 = arith.constant 0 : i32
    return %arg0, %c0_i32 : i32, i32
  }
  func.func @transform_2(%arg0: i32) -> (i32, i32) {
    %c0_i32 = arith.constant 0 : i32
    %c0_i32_0 = arith.constant 0 : i32
    return %arg0, %c0_i32 : i32, i32
  }
  func.func @transform_3(%arg0: i32) -> (i32, i32) {
    %c0_i32 = arith.constant 0 : i32
    %c0_i32_0 = arith.constant 0 : i32
    %c0_i32_1 = arith.constant 0 : i32
    return %c0_i32, %c0_i32_0 : i32, i32
  }
  func.func @transform_4(%arg0: i32) -> (i32, i32) {
    %c0_i32 = arith.constant 0 : i32
    %c0_i32_0 = arith.constant 0 : i32
    %c0_i32_1 = arith.constant 0 : i32
    return %c0_i32, %c0_i32_0 : i32, i32
  }
  func.func @transform_5(%arg0: i32) -> (i32, i32) {
    %c0_i32 = arith.constant 0 : i32
    %c0_i32_0 = arith.constant 0 : i32
    %c0_i32_1 = arith.constant 0 : i32
    return %c0_i32, %c0_i32_0 : i32, i32
  }
  func.func @transform_6(%arg0: i32) -> (i32, i32) {
    %c0_i32 = arith.constant 0 : i32
    %c0_i32_0 = arith.constant 0 : i32
    %c0_i32_1 = arith.constant 0 : i32
    return %c0_i32, %c0_i32_0 : i32, i32
  }
  func.func @transform_7(%arg0: i32) -> (i32, i32) {
    %c0_i32 = arith.constant 0 : i32
    %c0_i32_0 = arith.constant 0 : i32
    return %arg0, %c0_i32 : i32, i32
  }
}

</mosaic_0001>

<sc_bundles>
// kernel: kernel.6.cloned.1.call-start
scs
__scs_entry_jumppad:
0x0: {  	(pc) =	sbr.rel $0x88, $3  }
0x1: {  	(tag) =	ssettag $0x0;
	lr =	simm.s32 $0x1  }
0x2: {  	[smem:$0x3F96] =	sst lr;
	_ =	strace $0xD0000000  }
0x3: {  	_ = 	snop  }
0x4: {  	_ = 	snop  }
0x5: {  	_ = 	snop  }
0x6: {  	_ = 	snop  }
0x7: {  	_ = 	snop  }
__scs_overlays_trampoline_lowered:
0x8: {  	[smem:$0x3FA5] =	sst s0  }
0x9: {  	[smem:$0x3FA6] =	sst s1  }
0xa: {  	[smem:$0x3FA7] =	sst s2  }
0xb: {  	[smem:$0x3FA8] =	sst s3  }
0xc: {  	[smem:$0x3FA9] =	sst s4  }
0xd: {  	[smem:$0x3FAA] =	sst s5  }
0xe: {  	[smem:$0x3FAB] =	sst s6  }
0xf: {  	[smem:$0x3FAC] =	sst s7  }
0x10: {  	[smem:$0x3FAD] =	sst s8  }
0x11: {  	[smem:$0x3FAE] =	sst s9;
	s0 =	simm.s32 @!p0 $0x0  }
0x12: {  	s1 =	sld [smem:$0x3F94];
	s0 =	simm.s32 @p0 $0x1  }
0x13: {  	[smem:$0x3FAF] =	sst s0;
	s0 =	simm.s32 @!p1 $0x0  }
0x14: {  	s2 =	sld [smem:$0x3F93];
	s0 =	simm.s32 @p1 $0x1  }
0x15: {  	[smem:$0x3FB0] =	sst s0;
	s0 =	simm.s32 @!p2 $0x0  }
0x16: {  	s3 =	sld [smem:$0x3FDB];
	s0 =	simm.s32 @p2 $0x1  }
0x17: {  	s4 =	simm.s32 $0x1BF5;
	[smem:$0x3FB2] =	sst s0  }
0x18: {  	s0 =	sld [smem:$0x3F95];
	_ =	swait.ge [sflag:s4], $0x0  }
0x19: {  	s7 =	sld [smem:$0x3F96]  }
0x1a: {  	s8 =	sadd.s32 $0xFFFFE003, lr  }
0x1b: {  	s9 =	sadd.s32 $0xFFFFFEF7, lr;
	s5 =	simm.s32 $0xFFFFFFFF;
	p2 =	slt.u32 s8, $0xFFFFF086  }
0x1c: {  	p1 =	slt.u32 s9, $0xF7A;
	s5 =	simm.s32 @!p2 $0x0  }
0x1d: {  	s5 =	simm.s32 @p1 $0x1;
	p0 =	seq.s32 s7, s2  }
0x1e: {  	s7 =	smul.u32 @!p0 $0xF7A, s2;
	p2 =	seq.s32 @!p0 s5, $0x0  }
0x1f: {  	s9 =	smul.u32 $0xF7A, s1;
	s8 =	simm.s32 @!p0 $0x1BF5;
	p2 =	por !p2, p0  }
0x20: {  	[sflag:s8] =	ssyncset.s32 @!p0 $0xFFFFF086;
	s6 =	sadd.s32 @!p0 s3, s7;
	s7 =	simm.s32 @!p0 $0x108  }
0x21: {  	s3 =	sadd.s32 s3, s9;
	s6 =	sadd.s32 @!p0 $0x88, s6;
	s7 =	simm.s32 @p2 $0x1082  }
0x22: {  	[simem:s7], [sflag:s8] =	dma.local @!p0 [hbm:s6], $0xF7A  }
0x23: {  	s9 =	sor.u32 $0xD0000000, s2;
	s6 =	simm.s32 $0x108;
	_ =	swait.ge @!p0 [sflag:s8], $0x0  }
0x24: {  	s3 =	sadd.s32 $0x88, s3;
	s6 =	simm.s32 @!p1 $0x1082;
	[sflag:s4] =	ssyncset.s32 $0xFFFFF086  }
0x25: {  	[simem:s6], [sflag:s4] =	dma.local [hbm:s3], $0xF7A  }
0x26: {  	[smem:$0x3F96] =	sst s1;
	(tag) =	ssettag s2;
	_ =	strace s9  }
0x27: {  	s1 =	sld [smem:$0x3FA6]  }
0x28: {  	s2 =	sld [smem:$0x3FA7]  }
0x29: {  	s4 =	sld [smem:$0x3FA9]  }
0x2a: {  	p0 =	seq.s32 s5, $0x0;
	s5 =	sld [smem:$0x3FAA]  }
0x2b: {  	s6 =	sld [smem:$0x3FAB]  }
0x2c: {  	s7 =	sld [smem:$0x3FAC]  }
0x2d: {  	s3 =	simm.s32 $0x108;
	s8 =	sld [smem:$0x3FAD]  }
0x2e: {  	s3 =	simm.s32 @!p0 $0x1082;
	s9 =	sld [smem:$0x3FAE]  }
0x2f: {  	lr =	sadd.s32 s0, s3;
	s0 =	sld [smem:$0x3FA5]  }
0x30: {  	s3 =	sld [smem:$0x3FA8]  }
0x31: {  	[smem:$0x3FB1] =	sst s10  }
0x32: {  	s10 =	sld [smem:$0x3FAF];
	_ =	sdelay $0x3  }
0x33: {  	p0 =	seq.s32 s10, $0x1;
	s10 =	sld [smem:$0x3FB1];
	_ =	sdelay $0x3  }
0x34: {  	[smem:$0x3FB1] =	sst s10  }
0x35: {  	s10 =	sld [smem:$0x3FB0];
	_ =	sdelay $0x3  }
0x36: {  	p1 =	seq.s32 s10, $0x1;
	s10 =	sld [smem:$0x3FB1];
	_ =	sdelay $0x3  }
0x37: {  	[smem:$0x3FB1] =	sst s10  }
0x38: {  	s10 =	sld [smem:$0x3FB2]  }
0x39: {  	_ = 	snop;
	(pc) =	sbr.ind lr, $3  }
0x3a: {  	_ = 	snop  }
0x3b: {  	_ = 	snop  }
0x3c: {  	p2 =	seq.s32 s10, $0x1;
	s10 =	sld [smem:$0x3FB1]  }
0x3d: {  	_ =	shalt  }
0x3e: {  	_ =	shalt  }
0x3f: {  	_ =	shalt  }
0x40: {  	_ =	shalt  }
0x41: {  	_ =	shalt  }
0x42: {  	_ =	shalt  }
0x43: {  	_ =	shalt  }
0x44: {  	_ =	shalt  }
0x45: {  	_ =	shalt  }
0x46: {  	_ =	shalt  }
0x47: {  	_ =	shalt  }
0x48: {  	_ =	shalt  }
0x49: {  	_ =	shalt  }
0x4a: {  	_ =	shalt  }
0x4b: {  	_ =	shalt  }
0x4c: {  	_ =	shalt  }
0x4d: {  	_ =	shalt  }
0x4e: {  	_ =	shalt  }
0x4f: {  	_ =	shalt  }
0x50: {  	_ =	shalt  }
0x51: {  	_ =	shalt  }
0x52: {  	_ =	shalt  }
0x53: {  	_ =	shalt  }
0x54: {  	_ =	shalt  }
0x55: {  	_ =	shalt  }
0x56: {  	_ =	shalt  }
0x57: {  	_ =	shalt  }
0x58: {  	_ =	shalt  }
0x59: {  	_ =	shalt  }
0x5a: {  	_ =	shalt  }
0x5b: {  	_ =	shalt  }
0x5c: {  	_ =	shalt  }
0x5d: {  	_ =	shalt  }
0x5e: {  	_ =	shalt  }
0x5f: {  	_ =	shalt  }
0x60: {  	_ =	shalt  }
0x61: {  	_ =	shalt  }
0x62: {  	_ =	shalt  }
0x63: {  	_ =	shalt  }
0x64: {  	_ =	shalt  }
0x65: {  	_ =	shalt  }
0x66: {  	_ =	shalt  }
0x67: {  	_ =	shalt  }
0x68: {  	_ =	shalt  }
0x69: {  	_ =	shalt  }
0x6a: {  	_ =	shalt  }
0x6b: {  	_ =	shalt  }
0x6c: {  	_ =	shalt  }
0x6d: {  	_ =	shalt  }
0x6e: {  	_ =	shalt  }
0x6f: {  	_ =	shalt  }
0x70: {  	_ =	shalt  }
0x71: {  	_ =	shalt  }
0x72: {  	_ =	shalt  }
0x73: {  	_ =	shalt  }
0x74: {  	_ =	shalt  }
0x75: {  	_ =	shalt  }
0x76: {  	_ =	shalt  }
0x77: {  	_ =	shalt  }
0x78: {  	_ =	shalt  }
0x79: {  	_ =	shalt  }
0x7a: {  	_ =	shalt  }
0x7b: {  	_ =	shalt  }
0x7c: {  	_ =	shalt  }
0x7d: {  	_ =	shalt  }
0x7e: {  	_ =	shalt  }
0x7f: {  	_ =	shalt  }
0x80: {  	_ =	shalt  }
0x81: {  	_ =	shalt  }
0x82: {  	_ =	shalt  }
0x83: {  	_ =	shalt  }
0x84: {  	_ =	shalt  }
0x85: {  	_ =	shalt  }
0x86: {  	_ =	shalt  }
0x87: {  	_ =	shalt  }
.Lfunc_end0:
.L_simem_size_0:
called_computation_lowered:
.L_overlay_start_0:
0x88: {  	s2 =	sld [smem:$0x3FD9]  }
0x89: {  	s3 =	sld [smem:$0x3FFE];
	_ =	sdelay $0x1  }
0x8a: {  	s1 =	srdreg.scid  }
0x8b: {  	s0 =	sand.u32 $0x1, s1  }
0x8c: {  	s17 =	sshll.u32 s0, $0xA;
	s2 =	sadd.s32 s3, s2  }
0x8d: {  	s2 =	sadd.s32 s2, s17  }
0x8e: {  	[smem:$0x3FBD] =	sst s2  }
0x8f: {  	_ = 	snop  }
0x90: {  	s2 =	sld [smem:$0x3FC9]  }
0x91: {  	s18 =	sld [smem:$0x3FD0];
	(tm) =	ssettm $0x1  }
0x92: {  	s4 =	sld [smem:$0x3FFB];
	_ =	sdelay $0x3  }
0x93: {  	_ =	strace s4  }
0x94: {  	s4 =	sld [smem:$0x3FFC];
	_ =	sdelay $0x3  }
0x95: {  	_ =	strace s4  }
0x96: {  	s4 =	sld [smem:$0x3FFD];
	_ =	sdelay $0x3  }
0x97: {  	_ =	strace s4  }
0x98: {  	_ =	strace $0x8FFFFFFF  }
0x99: {  	s19 =	sld [smem:$0x3FDB];
	_ =	sdelay $0x1  }
0x9a: {  	s5 =	simm.s32 $_scs_section_size  }
0x9b: {  	s6 =	simm.s32 $_size__tile_overlayer_lowered;
	s7 =	simm.s32 $_tile_overlayer_lowered  }
0x9c: {  	s22 =	simm.s32 $0x1BFF;
	s21 =	sshll.u32 s7, $0x1;
	s4 =	sadd.s32 s5, s19  }
0x9d: {  	s8 =	simm.s32 $0x0;
	s20 =	sshll.u32 s6, $0x1;
	s6 =	sadd.s32 s21, s4  }
0x9e: {  	[timem:s8], [sflag:s22] =	dma.local [hbm:s6], s20  }
0x9f: {  	_ =	swait.ge [sflag:s22], s20  }
0xa0: {  	s5 =	ssub.s32 $0x0, s20;
	[sflag:s22] =	ssyncset.done $0x0  }
0xa1: {  	[sflag:s22] =	ssyncadd.s32 s5;
	_ =	sdelay $0x1  }
0xa2: {  	s23 =	simm.s32 $0x1B8B  }
0xa3: {  	_ =	swait.ge [sflag:s23], $0x1  }
0xa4: {  	[sflag:s23] =	ssyncset.done $0x0  }
0xa5: {  	s25 =	simm.s32 $0x1B8E;
	s24 =	sld [smem:$0x3FFE];
	[sflag:s23] =	ssyncadd.s32 $0xFFFFFFFF  }
0xa6: {  	s26 =	simm.s32 $execute0_lowered;
	[smem:$0x3FD2] =	sst s25  }
0xa7: {  	s6 =	sshll.u32 s26, $0x1;
	_ =	strace $0x80000046;
	[dreg:$0x1] =	wrdreg $0xFFFFFFFF  }
0xa8: {  	s28 =	simm.s32 $_size_execute0_lowered;
	s4 =	sadd.s32 s4, s6;
	[dreg:$0x0] =	wrdreg $0x0  }
0xa9: {  	s6 =	sshll.u32 s28, $0x1;
	[dreg:$0x2] =	wrdreg s4  }
0xaa: {  	[dreg:$0x3] =	wrdreg s6  }
0xab: {  	[dreg:$0x4] =	wrdreg $0xC0  }
0xac: {  	_ =	task [dreg:s8], $0x5FFFF  }
0xad: {  	[dreg:$0x1] =	wrdreg $0xFFFFFFFF  }
0xae: {  	[dreg:$0x0] =	wrdreg $0x60  }
0xaf: {  	[dreg:$0x2] =	wrdreg s2  }
0xb0: {  	[dreg:$0x3] =	wrdreg s24  }
0xb1: {  	[dreg:$0x4] =	wrdreg s18  }
0xb2: {  	[dreg:$0x5] =	wrdreg $0x88800  }
0xb3: {  	[dreg:$0x6] =	wrdreg $0x1C5000  }
0xb4: {  	[dreg:$0x7] =	wrdreg $0x9  }
0xb5: {  	_ =	task.clear_ibuf [dreg:s8], $0x8FFFF;
	_ =	strace $0x90000046  }
0xb6: {  	s29 =	simm.s32 $0x9;
	_ =	strace $0x80000048  }
0xb7: {  	_ =	swait.ge [sflag:s29], $0x1  }
0xb8: {  	[sflag:s29] =	ssyncadd.s32 $0xFFFFFFFF  }
0xb9: {  	_ =	strace $0x90000048  }
0xba: {  	_ =	sfence  }
0xbb: {  	s30 =	sld [smem:$0x0];
	_ =	sdelay $0x2  }
0xbc: {  	s31 =	sshll.u32 s1, $0xD;
	s1 =	sshrl.u32 s1, $0x2  }
0xbd: {  	s3 =	sand.u32 $0x4000, s31;
	s1 =	sadd.s32 s1, s30  }
0xbe: {  	s0 =	sor.u32 s3, s0;
	s1 =	sshll.u32 s1, $0x11  }
0xbf: {  	s0 =	sor.u32 s1, s0  }
0xc0: {  	s0 =	sadd.s32 $0x8F2B, s0  }
0xc1: {  	[sflag:s0] =	ssyncadd.remote.s32 $0x1  }
0xc2: {  	_ =	sfence.sel $0xFFFF  }
0xc3: {  	[dreg:$0x0] =	wrdreg $0xFFFFFFFF;
	(pc) =	sbr.abs _section_cstart, $3  }
0xc4: {  	[dreg:$0x1] =	wrdreg $0xFFFFFFFF  }
0xc5: {  	_ =	task.clear_ibuf [dreg:s8], $0x2FFFF;
	_ =	strace $0x9FFFFFFF  }
0xc6: {  	(tm) =	ssettm $0x7FFFFFFF  }
0xc7: {  	_ =	shalt  }
tec
execute0_lowered:
.L_overlay_start_1:
0x0: {  	(tag) =	ssettag $0x1  }
0x1: {  	s1 =	rddreg [dreg:$0x0]  }
0x2: {  	s0 =	rddreg [dreg:$0x1]  }
0x3: {  	s2 =	srdreg.scid;
	s6 =	rddreg [dreg:$0x2]  }
0x4: {  	s14 =	stileid.u32;
	s3 =	rddreg [dreg:$0x3]  }
0x5: {  	s4 =	rddreg [dreg:$0x4];
	s5 =	simm.s32 $0x0;
	p1 =	por $0x0, $0x0  }
0x6: {  	s28 =	simm.s32 $0x2;
	s29 =	simm.s32 $0x480;
	s30 =	simm.s32 $0x100  }
0x7: {  	s31 =	simm.s32 $0x180;
	s15 =	simm.s32 $0x780;
	s7 =	smul.u32 $0x5000, s14  }
0x8: {  	s2 =	sand.u32 $0x1, s2;
	[smem:$0x7FF] =	sst s5;
	s9 =	smul.u32 $0x4E000, s14  }
0x9: {  	s16 =	sadd.s32 $0x16E00, s0;
	s17 =	sadd.s32 $0x17000, s0;
	s12 =	smul.u32 $0x13800, s14  }
0xa: {  	s13 =	sadd.s32 $0x18000, s0;
	s22 =	sshll.u32 s14, $0x6;
	p0 =	seq.s32 s14, $0x0  }
0xb: {  	p4 =	sne.s32 s14, $0xF;
	_ =	strace $0x80000047;
	[dreg:$0x7] =	wrdreg s16  }
0xc: {  	s8 =	smul.u32 $0x2800, s2;
	[dreg:$0x8] =	wrdreg s17;
	s18 =	ssub.s32 $0x2, s2  }
0xd: {  	s10 =	sshll.u32 s2, $0x4;
	s2 =	smul.u32 $0x138800, s2;
	s17 =	sor.u32 $0x1C03, s22  }
0xe: {  	p3 =	sne.s32 @!p0 s14, $0xF;
	s22 =	simm.s32 $0x400;
	s14 =	simm.s32 $0x700  }
0xf: {  	s11 =	sshrl.u32 s18, $0x1;
	s9 =	sshrl.u32 s9, $0x2;
	s19 =	sshrl.u32 s12, $0x3  }
0x10: {  	p2 =	por p3, p0;
	p3 =	por !p3, p0;
	[dreg:$0xa] =	wrdreg s17  }
0x11: {  	s7 =	sadd.s32 s8, s7;
	s8 =	ssub.s32 s18, s11;
	s20 =	sadd.s32 s9, s3  }
0x12: {  	s21 =	sadd.s32 s6, s19;
	s23 =	sadd.s32 s12, s2;
	s2 =	sshrl.u32 s2, $0x3  }
0x13: {  	s9 =	sadd.s32 $0x138000, s3;
	s6 =	sadd.s32 $0x27000, s6;
	s18 =	simm.s32 $0x3  }
0x14: {  	s11 =	simm.s32 $0x680;
	s12 =	simm.s32 $0x300;
	[dreg:$0x9] =	wrdreg s21  }
0x15: {  	s19 =	simm.s32 $0x0;
	s7 =	sshrl.u32 s7, $0x3;
	[dreg:$0xc] =	wrdreg s6  }
0x16: {  	s2 =	sadd.s32 s13, s2;
	s25 =	smax.u32 s8, $0x1;
	[dreg:$0xb] =	wrdreg s9  }
0x17: {  	s21 =	simm.s32 $0x8800;
	s6 =	simm.s32 $0x200;
	s8 =	simm.s32 $0x600  }
0x18: {  	s7 =	sadd.s32 s7, s0;
	s0 =	sadd.s32 s10, s0;
	s10 =	sshrl.u32 s23, $0x3  }
0x19: {  	s2 =	sadd.s32 $0x27000, s2;
	[dreg:$0x10] =	wrdreg s25;
	s23 =	simm.s32 $0x80  }
0x1a: {  	s25 =	simm.s32 $0x4800;
	s24 =	sadd.s32 s13, s10;
	[dreg:$0xe] =	wrdreg s2  }
0x1b: {  	s0 =	sadd.s32 $0x17600, s0;
	s26 =	sadd.s32 $0xCE00, s7;
	[dreg:$0xd] =	wrdreg s24  }
0x1c: {  	s16 =	sadd.s32 $0x2E00, s7;
	s10 =	sshrl.u32 s20, $0x3;
	[dreg:$0xf] =	wrdreg s0  }
0x1d: {  	s2 =	simm.s32 $0x500;
	s7 =	simm.s32 $0x280;
	[dreg:$0x6] =	wrdreg s26  }
0x1e: {  	s13 =	simm.s32 $0x380;
	s0 =	sshrl.u32 @p0 s4, $0x3;
	[dreg:$0x11] =	wrdreg s10  }
0x1f: {  	s24 =	simm.s32 $0x800;
	[dreg:$0x12] =	wrdreg s0;
	s0 =	sshrl.u32 @!p2 s9, $0x3  }
0x20: {  	s26 =	simm.s32 $0x1;
	[dreg:$0x13] =	wrdreg s0;
	s0 =	simm.s32 $0x580  }
.LBB2_1:
0x21: {  	[dreg:$0x14] =	wrdreg s19  }
0x22: {  	s9 =	rddreg [dreg:$0x9]  }
0x23: {  	[spmem:s10], [sflag:s17] =	dma.local [hbm:s9], $0x2700  }
0x24: {  	_ =	swait.ge [sflag:s18], $0x2700  }
0x25: {  	[sflag:s18] =	ssyncset.done $0x0;
	s9 =	rddreg [dreg:$0x8]  }
0x26: {  	s10 =	rddreg [dreg:$0x12];
	[sflag:s18] =	ssyncadd.s32 $0xFFFFD900  }
0x27: {  	[spmem:s10], [sflag:s17] =	dma.local @p0 [hbm:s9], $0x500  }
0x28: {  	s10 =	simm.s32 @p0 $0x3  }
0x29: {  	_ =	swait.ge @p0 [sflag:s10], $0x500  }
0x2a: {  	[sflag:s10] =	ssyncset.done @p0 $0x0;
	s9 =	rddreg [dreg:$0xc]  }
0x2b: {  	[sflag:s10] =	ssyncadd.s32 @p0 $0xFFFFFB00;
	s10 =	rddreg [dreg:$0x13]  }
0x2c: {  	[spmem:s10], [sflag:s17] =	dma.local @!p2 [hbm:s9], $0x100  }
0x2d: {  	s10 =	simm.s32 @!p2 $0x3  }
0x2e: {  	_ =	swait.ge @!p2 [sflag:s10], $0x100  }
0x2f: {  	[sflag:s10] =	ssyncset.done @!p2 $0x0  }
0x30: {  	s17 =	rddreg [dreg:$0x7];
	[sflag:s10] =	ssyncadd.s32 @!p2 $0xFFFFFF00  }
0x31: {  	[tilespmem:s21], [sflag:$0x3] =	stream.linear.gather [hbm4b:s17+s5], $0x80, $0x38;
	[tilespmem:$0x1C780] =	vst v63  }
0x32: {  	_ =	swait.ge [sflag:s18], $0x80  }
0x33: {  	[sflag:s18] =	ssyncset.done $0x0  }
0x34: {  	[sflag:s18] =	ssyncadd.s32 $0xFFFFFF80  }
0x35: {  	s19 =	sadd.s32 $0x0, s16;
	[bflag:$0x0] =	sbarrier.arrive $0xFFFF  }
0x36: {  	[tilespmem:s5], [sflag:$0x3] =	stream.linear.gather [hbm4b:s19+s5], $0x400, $0x38;
	[tilespmem:$0x1C780] =	vst v63  }
0x37: {  	_ =	swait.ge [sflag:s18], $0x400  }
0x38: {  	s20 =	rddreg [dreg:$0x6];
	[sflag:s18] =	ssyncset.done $0x0  }
0x39: {  	[sflag:s18] =	ssyncadd.s32 $0xFFFFFC00;
	s10 =	sadd.s32 $0x0, s20  }
0x3a: {  	[tilespmem:s22], [sflag:$0x3] =	stream.linear.gather [hbm4b:s10+s5], $0x400, $0x38;
	[tilespmem:$0x1C780] =	vst v63  }
0x3b: {  	_ =	swait.ge [sflag:s18], $0x400  }
0x3c: {  	[sflag:s18] =	ssyncset.done $0x0  }
0x3d: {  	[sflag:s18] =	ssyncadd.s32 $0xFFFFFC00  }
0x3e: {  	[tilespmem:s24], [sflag:$0x1] =	stream.indirect.gather [hbm4b:s1+s23], $0x80, s5, s23, $0xb8;
	[tilespmem:$0x1C780] =	vst v63  }
0x3f: {  	_ = 	snop  }
0x40: {  	[tilespmem:s25], [sflag:$0x2] =	stream.indirect.gather [hbm4b:s1+s23], $0x80, s23, s23, $0xb8;
	[tilespmem:$0x1C780] =	vst v63  }
0x41: {  	_ =	swait.ge [sflag:s26], $0x4000  }
0x42: {  	[sflag:s26] =	ssyncset.done $0x0  }
0x43: {  	[sflag:s26] =	ssyncadd.s32 $0xFFFFC000  }
0x44: {  	[spmem:s3] =	stream.indirect.scatter.add.f32 [tilespmem:s24], [sflag:$0x3], $0x80, s22, s23, $0xb8;
	[tilespmem:$0x1C780] =	vst v63  }
0x45: {  	_ =	swait.ge [sflag:s18], $0x4000  }
0x46: {  	[sflag:s18] =	ssyncset.done $0x0  }
0x47: {  	[sflag:s18] =	ssyncadd.s32 $0xFFFFC000  }
0x48: {  	[spmem:s4] =	stream.indirect.scatter.add.f32 [tilespmem:s21], [sflag:$0x3], $0x1, s22, s23, $0xb8;
	[tilespmem:$0x1C780] =	vst v63  }
0x49: {  	_ =	swait.ge [sflag:s18], $0x80  }
0x4a: {  	[sflag:s18] =	ssyncset.done $0x0  }
0x4b: {  	[sflag:s18] =	ssyncadd.s32 $0xFFFFFF80  }
0x4c: {  	_ =	swait.ge [sflag:s28], $0x4000  }
0x4d: {  	[sflag:s28] =	ssyncset.done $0x0  }
0x4e: {  	[sflag:s28] =	ssyncadd.s32 $0xFFFFC000  }
0x4f: {  	[spmem:s3] =	stream.indirect.scatter.add.f32 [tilespmem:s25], [sflag:$0x3], $0x80, s29, s23, $0xb8;
	[tilespmem:$0x1C780] =	vst v63  }
0x50: {  	_ =	swait.ge [sflag:s18], $0x4000  }
0x51: {  	[sflag:s18] =	ssyncset.done $0x0  }
0x52: {  	[sflag:s18] =	ssyncadd.s32 $0xFFFFC000  }
0x53: {  	[spmem:s4] =	stream.indirect.scatter.add.f32 [tilespmem:s21], [sflag:$0x3], $0x1, s29, s23, $0xb8;
	[tilespmem:$0x1C780] =	vst v63  }
0x54: {  	_ =	swait.ge [sflag:s18], $0x80  }
0x55: {  	[sflag:s18] =	ssyncset.done $0x0  }
0x56: {  	[sflag:s18] =	ssyncadd.s32 $0xFFFFFF80  }
0x57: {  	[tilespmem:s24], [sflag:$0x1] =	stream.indirect.gather [hbm4b:s1+s23], $0x80, s30, s23, $0xb8;
	[tilespmem:$0x1C780] =	vst v63  }
0x58: {  	_ = 	snop  }
0x59: {  	[tilespmem:s25], [sflag:$0x2] =	stream.indirect.gather [hbm4b:s1+s23], $0x80, s31, s23, $0xb8;
	[tilespmem:$0x1C780] =	vst v63  }
0x5a: {  	_ =	swait.ge [sflag:s26], $0x4000  }
0x5b: {  	[sflag:s26] =	ssyncset.done $0x0  }
0x5c: {  	[sflag:s26] =	ssyncadd.s32 $0xFFFFC000  }
0x5d: {  	[spmem:s3] =	stream.indirect.scatter.add.f32 [tilespmem:s24], [sflag:$0x3], $0x80, s2, s23, $0xb8;
	[tilespmem:$0x1C780] =	vst v63  }
0x5e: {  	_ =	swait.ge [sflag:s18], $0x4000  }
0x5f: {  	[sflag:s18] =	ssyncset.done $0x0  }
0x60: {  	[sflag:s18] =	ssyncadd.s32 $0xFFFFC000  }
0x61: {  	[spmem:s4] =	stream.indirect.scatter.add.f32 [tilespmem:s21], [sflag:$0x3], $0x1, s2, s23, $0xb8;
	[tilespmem:$0x1C780] =	vst v63  }
0x62: {  	_ =	swait.ge [sflag:s18], $0x80  }
0x63: {  	[sflag:s18] =	ssyncset.done $0x0  }
0x64: {  	[sflag:s18] =	ssyncadd.s32 $0xFFFFFF80  }
0x65: {  	_ =	swait.ge [sflag:s28], $0x4000  }
0x66: {  	[sflag:s28] =	ssyncset.done $0x0  }
0x67: {  	[sflag:s28] =	ssyncadd.s32 $0xFFFFC000  }
0x68: {  	[spmem:s3] =	stream.indirect.scatter.add.f32 [tilespmem:s25], [sflag:$0x3], $0x80, s0, s23, $0xb8;
	[tilespmem:$0x1C780] =	vst v63  }
0x69: {  	_ =	swait.ge [sflag:s18], $0x4000  }
0x6a: {  	[sflag:s18] =	ssyncset.done $0x0  }
0x6b: {  	[sflag:s18] =	ssyncadd.s32 $0xFFFFC000  }
0x6c: {  	[spmem:s4] =	stream.indirect.scatter.add.f32 [tilespmem:s21], [sflag:$0x3], $0x1, s0, s23, $0xb8;
	[tilespmem:$0x1C780] =	vst v63  }
0x6d: {  	_ =	swait.ge [sflag:s18], $0x80  }
0x6e: {  	[sflag:s18] =	ssyncset.done $0x0  }
0x6f: {  	[sflag:s18] =	ssyncadd.s32 $0xFFFFFF80  }
0x70: {  	[tilespmem:s24], [sflag:$0x1] =	stream.indirect.gather [hbm4b:s1+s23], $0x80, s6, s23, $0xb8;
	[tilespmem:$0x1C780] =	vst v63  }
0x71: {  	_ = 	snop  }
0x72: {  	[tilespmem:s25], [sflag:$0x2] =	stream.indirect.gather [hbm4b:s1+s23], $0x80, s7, s23, $0xb8;
	[tilespmem:$0x1C780] =	vst v63  }
0x73: {  	_ =	swait.ge [sflag:s26], $0x4000  }
0x74: {  	[sflag:s26] =	ssyncset.done $0x0  }
0x75: {  	[sflag:s26] =	ssyncadd.s32 $0xFFFFC000  }
0x76: {  	[spmem:s3] =	stream.indirect.scatter.add.f32 [tilespmem:s24], [sflag:$0x3], $0x80, s8, s23, $0xb8;
	[tilespmem:$0x1C780] =	vst v63  }
0x77: {  	_ =	swait.ge [sflag:s18], $0x4000  }
0x78: {  	[sflag:s18] =	ssyncset.done $0x0  }
0x79: {  	[sflag:s18] =	ssyncadd.s32 $0xFFFFC000  }
0x7a: {  	[spmem:s4] =	stream.indirect.scatter.add.f32 [tilespmem:s21], [sflag:$0x3], $0x1, s8, s23, $0xb8;
	[tilespmem:$0x1C780] =	vst v63  }
0x7b: {  	_ =	swait.ge [sflag:s18], $0x80  }
0x7c: {  	[sflag:s18] =	ssyncset.done $0x0  }
0x7d: {  	[sflag:s18] =	ssyncadd.s32 $0xFFFFFF80  }
0x7e: {  	_ =	swait.ge [sflag:s28], $0x4000  }
0x7f: {  	[sflag:s28] =	ssyncset.done $0x0  }
0x80: {  	[sflag:s28] =	ssyncadd.s32 $0xFFFFC000  }
0x81: {  	[spmem:s3] =	stream.indirect.scatter.add.f32 [tilespmem:s25], [sflag:$0x3], $0x80, s11, s23, $0xb8;
	[tilespmem:$0x1C780] =	vst v63  }
0x82: {  	_ =	swait.ge [sflag:s18], $0x4000  }
0x83: {  	[sflag:s18] =	ssyncset.done $0x0  }
0x84: {  	[sflag:s18] =	ssyncadd.s32 $0xFFFFC000  }
0x85: {  	[spmem:s4] =	stream.indirect.scatter.add.f32 [tilespmem:s21], [sflag:$0x3], $0x1, s11, s23, $0xb8;
	[tilespmem:$0x1C780] =	vst v63  }
0x86: {  	_ =	swait.ge [sflag:s18], $0x80  }
0x87: {  	[sflag:s18] =	ssyncset.done $0x0  }
0x88: {  	[sflag:s18] =	ssyncadd.s32 $0xFFFFFF80  }
0x89: {  	[tilespmem:s24], [sflag:$0x1] =	stream.indirect.gather [hbm4b:s1+s23], $0x80, s12, s23, $0xb8;
	[tilespmem:$0x1C780] =	vst v63  }
0x8a: {  	_ = 	snop  }
0x8b: {  	[tilespmem:s25], [sflag:$0x2] =	stream.indirect.gather [hbm4b:s1+s23], $0x80, s13, s23, $0xb8;
	[tilespmem:$0x1C780] =	vst v63  }
0x8c: {  	_ =	swait.ge [sflag:s26], $0x4000  }
0x8d: {  	[sflag:s26] =	ssyncset.done $0x0  }
0x8e: {  	[sflag:s26] =	ssyncadd.s32 $0xFFFFC000  }
0x8f: {  	[spmem:s3] =	stream.indirect.scatter.add.f32 [tilespmem:s24], [sflag:$0x3], $0x80, s14, s23, $0xb8;
	[tilespmem:$0x1C780] =	vst v63  }
0x90: {  	_ =	swait.ge [sflag:s18], $0x4000  }
0x91: {  	[sflag:s18] =	ssyncset.done $0x0  }
0x92: {  	[sflag:s18] =	ssyncadd.s32 $0xFFFFC000  }
0x93: {  	[spmem:s4] =	stream.indirect.scatter.add.f32 [tilespmem:s21], [sflag:$0x3], $0x1, s14, s23, $0xb8;
	[tilespmem:$0x1C780] =	vst v63  }
0x94: {  	_ =	swait.ge [sflag:s18], $0x80  }
0x95: {  	[sflag:s18] =	ssyncset.done $0x0  }
0x96: {  	[sflag:s18] =	ssyncadd.s32 $0xFFFFFF80  }
0x97: {  	_ =	swait.ge [sflag:s28], $0x4000  }
0x98: {  	[sflag:s28] =	ssyncset.done $0x0  }
0x99: {  	[sflag:s28] =	ssyncadd.s32 $0xFFFFC000  }
0x9a: {  	[spmem:s3] =	stream.indirect.scatter.add.f32 [tilespmem:s25], [sflag:$0x3], $0x80, s15, s23, $0xb8;
	[tilespmem:$0x1C780] =	vst v63  }
0x9b: {  	_ =	swait.ge [sflag:s18], $0x4000  }
0x9c: {  	p6 =	por @!p2 $0x0, $0x0;
	[sflag:s18] =	ssyncset.done $0x0  }
0x9d: {  	p5 =	por @p0 $0x1, $0x1;
	p6 =	por @!p3 p1, p1;
	[sflag:s18] =	ssyncadd.s32 $0xFFFFC000  }
0x9e: {  	[spmem:s4] =	stream.indirect.scatter.add.f32 [tilespmem:s21], [sflag:$0x3], $0x1, s15, s23, $0xb8;
	[tilespmem:$0x1C780] =	vst v63  }
0x9f: {  	p5 =	por @!p0 p6, p6;
	_ =	swait.ge [sflag:s18], $0x80  }
0xa0: {  	s20 =	simm.s32 $0x100;
	s10 =	simm.s32 $0x80;
	[sflag:s18] =	ssyncset.done $0x0  }
.LBB2_2:
0xa1: {  	s9 =	sadd.s32 s10, s16;
	[sflag:s18] =	ssyncadd.s32 $0xFFFFFF80  }
0xa2: {  	[tilespmem:s5], [sflag:$0x3] =	stream.linear.gather [hbm4b:s9+s5], $0x400, $0x38;
	[tilespmem:$0x1C780] =	vst v63  }
0xa3: {  	s19 =	smov.u32 s20;
	s17 =	sadd.s32 $0x80, s20;
	_ =	swait.ge [sflag:s18], $0x400  }
0xa4: {  	p6 =	sne.s32 s20, $0x480;
	s20 =	rddreg [dreg:$0x6];
	[sflag:s18] =	ssyncset.done $0x0  }
0xa5: {  	[sflag:s18] =	ssyncadd.s32 $0xFFFFFC00;
	s9 =	sadd.s32 s10, s20  }
0xa6: {  	[tilespmem:s22], [sflag:$0x3] =	stream.linear.gather [hbm4b:s9+s5], $0x400, $0x38;
	[tilespmem:$0x1C780] =	vst v63  }
0xa7: {  	_ =	swait.ge [sflag:s18], $0x400  }
0xa8: {  	[sflag:s18] =	ssyncset.done $0x0  }
0xa9: {  	[sflag:s18] =	ssyncadd.s32 $0xFFFFFC00  }
0xaa: {  	[tilespmem:s24], [sflag:$0x1] =	stream.indirect.gather [hbm4b:s1+s23], $0x80, s5, s23, $0xb8;
	[tilespmem:$0x1C780] =	vst v63  }
0xab: {  	_ = 	snop  }
0xac: {  	[tilespmem:s25], [sflag:$0x2] =	stream.indirect.gather [hbm4b:s1+s23], $0x80, s23, s23, $0xb8;
	[tilespmem:$0x1C780] =	vst v63  }
0xad: {  	_ =	swait.ge [sflag:s26], $0x4000  }
0xae: {  	[sflag:s26] =	ssyncset.done $0x0  }
0xaf: {  	[sflag:s26] =	ssyncadd.s32 $0xFFFFC000  }
0xb0: {  	[spmem:s3] =	stream.indirect.scatter.add.f32 [tilespmem:s24], [sflag:$0x3], $0x80, s22, s23, $0xb8;
	[tilespmem:$0x1C780] =	vst v63  }
0xb1: {  	_ =	swait.ge [sflag:s18], $0x4000  }
0xb2: {  	[sflag:s18] =	ssyncset.done $0x0  }
0xb3: {  	[sflag:s18] =	ssyncadd.s32 $0xFFFFC000  }
0xb4: {  	[spmem:s4] =	stream.indirect.scatter.add.f32 [tilespmem:s21], [sflag:$0x3], $0x1, s22, s23, $0xb8;
	[tilespmem:$0x1C780] =	vst v63  }
0xb5: {  	_ =	swait.ge [sflag:s18], $0x80  }
0xb6: {  	[sflag:s18] =	ssyncset.done $0x0  }
0xb7: {  	[sflag:s18] =	ssyncadd.s32 $0xFFFFFF80  }
0xb8: {  	_ =	swait.ge [sflag:s28], $0x4000  }
0xb9: {  	[sflag:s28] =	ssyncset.done $0x0  }
0xba: {  	[sflag:s28] =	ssyncadd.s32 $0xFFFFC000  }
0xbb: {  	[spmem:s3] =	stream.indirect.scatter.add.f32 [tilespmem:s25], [sflag:$0x3], $0x80, s29, s23, $0xb8;
	[tilespmem:$0x1C780] =	vst v63  }
0xbc: {  	_ =	swait.ge [sflag:s18], $0x4000  }
0xbd: {  	[sflag:s18] =	ssyncset.done $0x0  }
0xbe: {  	[sflag:s18] =	ssyncadd.s32 $0xFFFFC000  }
0xbf: {  	[spmem:s4] =	stream.indirect.scatter.add.f32 [tilespmem:s21], [sflag:$0x3], $0x1, s29, s23, $0xb8;
	[tilespmem:$0x1C780] =	vst v63  }
0xc0: {  	_ =	swait.ge [sflag:s18], $0x80  }
0xc1: {  	[sflag:s18] =	ssyncset.done $0x0  }
0xc2: {  	[sflag:s18] =	ssyncadd.s32 $0xFFFFFF80  }
0xc3: {  	[tilespmem:s24], [sflag:$0x1] =	stream.indirect.gather [hbm4b:s1+s23], $0x80, s30, s23, $0xb8;
	[tilespmem:$0x1C780] =	vst v63  }
0xc4: {  	_ = 	snop  }
0xc5: {  	[tilespmem:s25], [sflag:$0x2] =	stream.indirect.gather [hbm4b:s1+s23], $0x80, s31, s23, $0xb8;
	[tilespmem:$0x1C780] =	vst v63  }
0xc6: {  	_ =	swait.ge [sflag:s26], $0x4000  }
0xc7: {  	[sflag:s26] =	ssyncset.done $0x0  }
0xc8: {  	[sflag:s26] =	ssyncadd.s32 $0xFFFFC000  }
0xc9: {  	[spmem:s3] =	stream.indirect.scatter.add.f32 [tilespmem:s24], [sflag:$0x3], $0x80, s2, s23, $0xb8;
	[tilespmem:$0x1C780] =	vst v63  }
0xca: {  	_ =	swait.ge [sflag:s18], $0x4000  }
0xcb: {  	[sflag:s18] =	ssyncset.done $0x0  }
0xcc: {  	[sflag:s18] =	ssyncadd.s32 $0xFFFFC000  }
0xcd: {  	[spmem:s4] =	stream.indirect.scatter.add.f32 [tilespmem:s21], [sflag:$0x3], $0x1, s2, s23, $0xb8;
	[tilespmem:$0x1C780] =	vst v63  }
0xce: {  	_ =	swait.ge [sflag:s18], $0x80  }
0xcf: {  	[sflag:s18] =	ssyncset.done $0x0  }
0xd0: {  	[sflag:s18] =	ssyncadd.s32 $0xFFFFFF80  }
0xd1: {  	_ =	swait.ge [sflag:s28], $0x4000  }
0xd2: {  	[sflag:s28] =	ssyncset.done $0x0  }
0xd3: {  	[sflag:s28] =	ssyncadd.s32 $0xFFFFC000  }
0xd4: {  	[spmem:s3] =	stream.indirect.scatter.add.f32 [tilespmem:s25], [sflag:$0x3], $0x80, s0, s23, $0xb8;
	[tilespmem:$0x1C780] =	vst v63  }
0xd5: {  	_ =	swait.ge [sflag:s18], $0x4000  }
0xd6: {  	[sflag:s18] =	ssyncset.done $0x0  }
0xd7: {  	[sflag:s18] =	ssyncadd.s32 $0xFFFFC000  }
0xd8: {  	[spmem:s4] =	stream.indirect.scatter.add.f32 [tilespmem:s21], [sflag:$0x3], $0x1, s0, s23, $0xb8;
	[tilespmem:$0x1C780] =	vst v63  }
0xd9: {  	_ =	swait.ge [sflag:s18], $0x80  }
0xda: {  	[sflag:s18] =	ssyncset.done $0x0  }
0xdb: {  	[sflag:s18] =	ssyncadd.s32 $0xFFFFFF80  }
0xdc: {  	[tilespmem:s24], [sflag:$0x1] =	stream.indirect.gather [hbm4b:s1+s23], $0x80, s6, s23, $0xb8;
	[tilespmem:$0x1C780] =	vst v63  }
0xdd: {  	_ = 	snop  }
0xde: {  	[tilespmem:s25], [sflag:$0x2] =	stream.indirect.gather [hbm4b:s1+s23], $0x80, s7, s23, $0xb8;
	[tilespmem:$0x1C780] =	vst v63  }
0xdf: {  	_ =	swait.ge [sflag:s26], $0x4000  }
0xe0: {  	[sflag:s26] =	ssyncset.done $0x0  }
0xe1: {  	[sflag:s26] =	ssyncadd.s32 $0xFFFFC000  }
0xe2: {  	[spmem:s3] =	stream.indirect.scatter.add.f32 [tilespmem:s24], [sflag:$0x3], $0x80, s8, s23, $0xb8;
	[tilespmem:$0x1C780] =	vst v63  }
0xe3: {  	_ =	swait.ge [sflag:s18], $0x4000  }
0xe4: {  	[sflag:s18] =	ssyncset.done $0x0  }
0xe5: {  	[sflag:s18] =	ssyncadd.s32 $0xFFFFC000  }
0xe6: {  	[spmem:s4] =	stream.indirect.scatter.add.f32 [tilespmem:s21], [sflag:$0x3], $0x1, s8, s23, $0xb8;
	[tilespmem:$0x1C780] =	vst v63  }
0xe7: {  	_ =	swait.ge [sflag:s18], $0x80  }
0xe8: {  	[sflag:s18] =	ssyncset.done $0x0  }
0xe9: {  	[sflag:s18] =	ssyncadd.s32 $0xFFFFFF80  }
0xea: {  	_ =	swait.ge [sflag:s28], $0x4000  }
0xeb: {  	[sflag:s28] =	ssyncset.done $0x0  }
0xec: {  	[sflag:s28] =	ssyncadd.s32 $0xFFFFC000  }
0xed: {  	[spmem:s3] =	stream.indirect.scatter.add.f32 [tilespmem:s25], [sflag:$0x3], $0x80, s11, s23, $0xb8;
	[tilespmem:$0x1C780] =	vst v63  }
0xee: {  	_ =	swait.ge [sflag:s18], $0x4000  }
0xef: {  	[sflag:s18] =	ssyncset.done $0x0  }
0xf0: {  	[sflag:s18] =	ssyncadd.s32 $0xFFFFC000  }
0xf1: {  	[spmem:s4] =	stream.indirect.scatter.add.f32 [tilespmem:s21], [sflag:$0x3], $0x1, s11, s23, $0xb8;
	[tilespmem:$0x1C780] =	vst v63  }
0xf2: {  	_ =	swait.ge [sflag:s18], $0x80  }
0xf3: {  	[sflag:s18] =	ssyncset.done $0x0  }
0xf4: {  	[sflag:s18] =	ssyncadd.s32 $0xFFFFFF80  }
0xf5: {  	[tilespmem:s24], [sflag:$0x1] =	stream.indirect.gather [hbm4b:s1+s23], $0x80, s12, s23, $0xb8;
	[tilespmem:$0x1C780] =	vst v63  }
0xf6: {  	_ = 	snop  }
0xf7: {  	[tilespmem:s25], [sflag:$0x2] =	stream.indirect.gather [hbm4b:s1+s23], $0x80, s13, s23, $0xb8;
	[tilespmem:$0x1C780] =	vst v63  }
0xf8: {  	_ =	swait.ge [sflag:s26], $0x4000  }
0xf9: {  	[sflag:s26] =	ssyncset.done $0x0  }
0xfa: {  	[sflag:s26] =	ssyncadd.s32 $0xFFFFC000  }
0xfb: {  	[spmem:s3] =	stream.indirect.scatter.add.f32 [tilespmem:s24], [sflag:$0x3], $0x80, s14, s23, $0xb8;
	[tilespmem:$0x1C780] =	vst v63  }
0xfc: {  	_ =	swait.ge [sflag:s18], $0x4000  }
0xfd: {  	[sflag:s18] =	ssyncset.done $0x0  }
0xfe: {  	[sflag:s18] =	ssyncadd.s32 $0xFFFFC000  }
0xff: {  	[spmem:s4] =	stream.indirect.scatter.add.f32 [tilespmem:s21], [sflag:$0x3], $0x1, s14, s23, $0xb8;
	[tilespmem:$0x1C780] =	vst v63  }
0x100: {  	_ =	swait.ge [sflag:s18], $0x80  }
0x101: {  	[sflag:s18] =	ssyncset.done $0x0  }
0x102: {  	[sflag:s18] =	ssyncadd.s32 $0xFFFFFF80  }
0x103: {  	_ =	swait.ge [sflag:s28], $0x4000  }
0x104: {  	[sflag:s28] =	ssyncset.done $0x0  }
0x105: {  	[sflag:s28] =	ssyncadd.s32 $0xFFFFC000  }
0x106: {  	[spmem:s3] =	stream.indirect.scatter.add.f32 [tilespmem:s25], [sflag:$0x3], $0x80, s15, s23, $0xb8;
	[tilespmem:$0x1C780] =	vst v63  }
0x107: {  	_ =	swait.ge [sflag:s18], $0x4000  }
.Ltmp0:
0x108: {  	[sflag:s18] =	ssyncset.done $0x0;
	(pc) =	sbr.rel @p6 .LBB2_2-.Ltmp0, $4  }
0x109: {  	[sflag:s18] =	ssyncadd.s32 $0xFFFFC000  }
0x10a: {  	[spmem:s4] =	stream.indirect.scatter.add.f32 [tilespmem:s21], [sflag:$0x3], $0x1, s15, s23, $0xb8;
	[tilespmem:$0x1C780] =	vst v63  }
0x10b: {  	_ =	swait.ge [sflag:s18], $0x80  }
0x10c: {  	s10 =	smov.u32 s19;
	s20 =	smov.u32 s17;
	[sflag:s18] =	ssyncset.done $0x0  }
0x10d: {  	s9 =	sadd.s32 s10, s16;
	[sflag:s18] =	ssyncadd.s32 $0xFFFFFF80  }
0x10e: {  	[tilespmem:s5], [sflag:$0x3] =	stream.linear.gather [hbm4b:s9+s5], $0x400, $0x38;
	[tilespmem:$0x1C780] =	vst v63  }
0x10f: {  	_ =	swait.ge [sflag:s18], $0x400  }
0x110: {  	s17 =	rddreg [dreg:$0x6];
	[sflag:s18] =	ssyncset.done $0x0  }
0x111: {  	[sflag:s18] =	ssyncadd.s32 $0xFFFFFC00;
	s9 =	sadd.s32 s10, s17  }
0x112: {  	[tilespmem:s22], [sflag:$0x3] =	stream.linear.gather [hbm4b:s9+s5], $0x400, $0x38;
	[tilespmem:$0x1C780] =	vst v63  }
0x113: {  	_ =	swait.ge [sflag:s18], $0x400  }
0x114: {  	[sflag:s18] =	ssyncset.done $0x0  }
0x115: {  	[sflag:s18] =	ssyncadd.s32 $0xFFFFFC00  }
0x116: {  	[tilespmem:s24], [sflag:$0x1] =	stream.indirect.gather [hbm4b:s1+s23], $0x80, s5, s23, $0xb8;
	[tilespmem:$0x1C780] =	vst v63  }
0x117: {  	_ = 	snop  }
0x118: {  	[tilespmem:s25], [sflag:$0x2] =	stream.indirect.gather [hbm4b:s1+s23], $0x80, s23, s23, $0xb8;
	[tilespmem:$0x1C780] =	vst v63  }
0x119: {  	_ =	swait.ge [sflag:s26], $0x4000  }
0x11a: {  	[sflag:s26] =	ssyncset.done $0x0  }
0x11b: {  	[sflag:s26] =	ssyncadd.s32 $0xFFFFC000  }
0x11c: {  	[spmem:s3] =	stream.indirect.scatter.add.f32 [tilespmem:s24], [sflag:$0x3], $0x80, s22, s23, $0xb8;
	[tilespmem:$0x1C780] =	vst v63  }
0x11d: {  	_ =	swait.ge [sflag:s18], $0x4000  }
0x11e: {  	[sflag:s18] =	ssyncset.done $0x0  }
0x11f: {  	[sflag:s18] =	ssyncadd.s32 $0xFFFFC000  }
0x120: {  	[spmem:s4] =	stream.indirect.scatter.add.f32 [tilespmem:s21], [sflag:$0x3], $0x1, s22, s23, $0xb8;
	[tilespmem:$0x1C780] =	vst v63  }
0x121: {  	_ =	swait.ge [sflag:s18], $0x80  }
0x122: {  	[sflag:s18] =	ssyncset.done $0x0  }
0x123: {  	[sflag:s18] =	ssyncadd.s32 $0xFFFFFF80  }
0x124: {  	_ =	swait.ge [sflag:s28], $0x4000  }
0x125: {  	[sflag:s28] =	ssyncset.done $0x0  }
0x126: {  	[sflag:s28] =	ssyncadd.s32 $0xFFFFC000  }
0x127: {  	[spmem:s3] =	stream.indirect.scatter.add.f32 [tilespmem:s25], [sflag:$0x3], $0x80, s29, s23, $0xb8;
	[tilespmem:$0x1C780] =	vst v63  }
0x128: {  	_ =	swait.ge [sflag:s18], $0x4000  }
0x129: {  	[sflag:s18] =	ssyncset.done $0x0  }
0x12a: {  	[sflag:s18] =	ssyncadd.s32 $0xFFFFC000  }
0x12b: {  	[spmem:s4] =	stream.indirect.scatter.add.f32 [tilespmem:s21], [sflag:$0x3], $0x1, s29, s23, $0xb8;
	[tilespmem:$0x1C780] =	vst v63  }
0x12c: {  	_ =	swait.ge [sflag:s18], $0x80  }
0x12d: {  	[sflag:s18] =	ssyncset.done $0x0  }
0x12e: {  	[sflag:s18] =	ssyncadd.s32 $0xFFFFFF80  }
0x12f: {  	[tilespmem:s24], [sflag:$0x1] =	stream.indirect.gather [hbm4b:s1+s23], $0x80, s30, s23, $0xb8;
	[tilespmem:$0x1C780] =	vst v63  }
0x130: {  	_ = 	snop  }
0x131: {  	[tilespmem:s25], [sflag:$0x2] =	stream.indirect.gather [hbm4b:s1+s23], $0x80, s31, s23, $0xb8;
	[tilespmem:$0x1C780] =	vst v63  }
0x132: {  	_ =	swait.ge [sflag:s26], $0x4000  }
0x133: {  	[sflag:s26] =	ssyncset.done $0x0  }
0x134: {  	[sflag:s26] =	ssyncadd.s32 $0xFFFFC000  }
0x135: {  	[spmem:s3] =	stream.indirect.scatter.add.f32 [tilespmem:s24], [sflag:$0x3], $0x80, s2, s23, $0xb8;
	[tilespmem:$0x1C780] =	vst v63  }
0x136: {  	_ =	swait.ge [sflag:s18], $0x4000  }
0x137: {  	[sflag:s18] =	ssyncset.done $0x0  }
0x138: {  	[sflag:s18] =	ssyncadd.s32 $0xFFFFC000  }
0x139: {  	[spmem:s4] =	stream.indirect.scatter.add.f32 [tilespmem:s21], [sflag:$0x3], $0x1, s2, s23, $0xb8;
	[tilespmem:$0x1C780] =	vst v63  }
0x13a: {  	_ =	swait.ge [sflag:s18], $0x80  }
0x13b: {  	[sflag:s18] =	ssyncset.done $0x0  }
0x13c: {  	[sflag:s18] =	ssyncadd.s32 $0xFFFFFF80  }
0x13d: {  	_ =	swait.ge [sflag:s28], $0x4000  }
0x13e: {  	[sflag:s28] =	ssyncset.done $0x0  }
0x13f: {  	[sflag:s28] =	ssyncadd.s32 $0xFFFFC000  }
0x140: {  	[spmem:s3] =	stream.indirect.scatter.add.f32 [tilespmem:s25], [sflag:$0x3], $0x80, s0, s23, $0xb8;
	[tilespmem:$0x1C780] =	vst v63  }
0x141: {  	_ =	swait.ge [sflag:s18], $0x4000  }
0x142: {  	[sflag:s18] =	ssyncset.done $0x0  }
0x143: {  	[sflag:s18] =	ssyncadd.s32 $0xFFFFC000  }
0x144: {  	[spmem:s4] =	stream.indirect.scatter.add.f32 [tilespmem:s21], [sflag:$0x3], $0x1, s0, s23, $0xb8;
	[tilespmem:$0x1C780] =	vst v63  }
0x145: {  	_ =	swait.ge [sflag:s18], $0x80  }
0x146: {  	[sflag:s18] =	ssyncset.done $0x0  }
0x147: {  	[sflag:s18] =	ssyncadd.s32 $0xFFFFFF80  }
0x148: {  	[tilespmem:s24], [sflag:$0x1] =	stream.indirect.gather [hbm4b:s1+s23], $0x80, s6, s23, $0xb8;
	[tilespmem:$0x1C780] =	vst v63  }
0x149: {  	_ = 	snop  }
0x14a: {  	[tilespmem:s25], [sflag:$0x2] =	stream.indirect.gather [hbm4b:s1+s23], $0x80, s7, s23, $0xb8;
	[tilespmem:$0x1C780] =	vst v63  }
0x14b: {  	_ =	swait.ge [sflag:s26], $0x4000  }
0x14c: {  	[sflag:s26] =	ssyncset.done $0x0  }
0x14d: {  	[sflag:s26] =	ssyncadd.s32 $0xFFFFC000  }
0x14e: {  	[spmem:s3] =	stream.indirect.scatter.add.f32 [tilespmem:s24], [sflag:$0x3], $0x80, s8, s23, $0xb8;
	[tilespmem:$0x1C780] =	vst v63  }
0x14f: {  	_ =	swait.ge [sflag:s18], $0x4000  }
0x150: {  	[sflag:s18] =	ssyncset.done $0x0  }
0x151: {  	[sflag:s18] =	ssyncadd.s32 $0xFFFFC000  }
0x152: {  	[spmem:s4] =	stream.indirect.scatter.add.f32 [tilespmem:s21], [sflag:$0x3], $0x1, s8, s23, $0xb8;
	[tilespmem:$0x1C780] =	vst v63  }
0x153: {  	_ =	swait.ge [sflag:s18], $0x80  }
0x154: {  	[sflag:s18] =	ssyncset.done $0x0  }
0x155: {  	[sflag:s18] =	ssyncadd.s32 $0xFFFFFF80  }
0x156: {  	_ =	swait.ge [sflag:s28], $0x4000  }
0x157: {  	[sflag:s28] =	ssyncset.done $0x0  }
0x158: {  	[sflag:s28] =	ssyncadd.s32 $0xFFFFC000  }
0x159: {  	[spmem:s3] =	stream.indirect.scatter.add.f32 [tilespmem:s25], [sflag:$0x3], $0x80, s11, s23, $0xb8;
	[tilespmem:$0x1C780] =	vst v63  }
0x15a: {  	_ =	swait.ge [sflag:s18], $0x4000  }
0x15b: {  	[sflag:s18] =	ssyncset.done $0x0  }
0x15c: {  	[sflag:s18] =	ssyncadd.s32 $0xFFFFC000  }
0x15d: {  	[spmem:s4] =	stream.indirect.scatter.add.f32 [tilespmem:s21], [sflag:$0x3], $0x1, s11, s23, $0xb8;
	[tilespmem:$0x1C780] =	vst v63  }
0x15e: {  	_ =	swait.ge [sflag:s18], $0x80  }
0x15f: {  	[sflag:s18] =	ssyncset.done $0x0  }
0x160: {  	[sflag:s18] =	ssyncadd.s32 $0xFFFFFF80  }
0x161: {  	[tilespmem:s24], [sflag:$0x1] =	stream.indirect.gather [hbm4b:s1+s23], $0x80, s12, s23, $0xb8;
	[tilespmem:$0x1C780] =	vst v63  }
0x162: {  	_ = 	snop  }
0x163: {  	[tilespmem:s25], [sflag:$0x2] =	stream.indirect.gather [hbm4b:s1+s23], $0x80, s13, s23, $0xb8;
	[tilespmem:$0x1C780] =	vst v63  }
0x164: {  	_ =	swait.ge [sflag:s26], $0x4000  }
0x165: {  	[sflag:s26] =	ssyncset.done $0x0  }
0x166: {  	[sflag:s26] =	ssyncadd.s32 $0xFFFFC000  }
0x167: {  	[spmem:s3] =	stream.indirect.scatter.add.f32 [tilespmem:s24], [sflag:$0x3], $0x80, s14, s23, $0xb8;
	[tilespmem:$0x1C780] =	vst v63  }
0x168: {  	_ =	swait.ge [sflag:s18], $0x4000  }
0x169: {  	[sflag:s18] =	ssyncset.done $0x0  }
0x16a: {  	[sflag:s18] =	ssyncadd.s32 $0xFFFFC000  }
0x16b: {  	[spmem:s4] =	stream.indirect.scatter.add.f32 [tilespmem:s21], [sflag:$0x3], $0x1, s14, s23, $0xb8;
	[tilespmem:$0x1C780] =	vst v63  }
0x16c: {  	_ =	swait.ge [sflag:s18], $0x80  }
0x16d: {  	[sflag:s18] =	ssyncset.done $0x0  }
0x16e: {  	[sflag:s18] =	ssyncadd.s32 $0xFFFFFF80  }
0x16f: {  	_ =	swait.ge [sflag:s28], $0x4000  }
0x170: {  	[sflag:s28] =	ssyncset.done $0x0  }
0x171: {  	[sflag:s28] =	ssyncadd.s32 $0xFFFFC000  }
0x172: {  	[spmem:s3] =	stream.indirect.scatter.add.f32 [tilespmem:s25], [sflag:$0x3], $0x80, s15, s23, $0xb8;
	[tilespmem:$0x1C780] =	vst v63  }
0x173: {  	_ =	swait.ge [sflag:s18], $0x4000  }
0x174: {  	[sflag:s18] =	ssyncset.done $0x0  }
0x175: {  	[sflag:s18] =	ssyncadd.s32 $0xFFFFC000  }
0x176: {  	[spmem:s4] =	stream.indirect.scatter.add.f32 [tilespmem:s21], [sflag:$0x3], $0x1, s15, s23, $0xb8;
	[tilespmem:$0x1C780] =	vst v63  }
0x177: {  	_ =	swait.ge [sflag:s18], $0x80  }
0x178: {  	[sflag:s18] =	ssyncset.done $0x0  }
0x179: {  	[sflag:s18] =	ssyncadd.s32 $0xFFFFFF80  }
0x17a: {  	[bflag:$0x0] =	sbarrier.arrive $0xFFFF  }
0x17b: {  	s17 =	rddreg [dreg:$0xa]  }
0x17c: {  	s19 =	rddreg [dreg:$0xd]  }
0x17d: {  	s20 =	rddreg [dreg:$0x11]  }
0x17e: {  	[hbm:s19], [sflag:s17] =	dma.local [spmem:s20], $0x2700  }
0x17f: {  	_ =	swait.ge [sflag:s18], $0x2700  }
0x180: {  	[sflag:s18] =	ssyncset.done $0x0;
	s9 =	rddreg [dreg:$0xb]  }
0x181: {  	s10 =	rddreg [dreg:$0xe];
	[sflag:s18] =	ssyncadd.s32 $0xFFFFD900;
	s9 =	sshrl.u32 @!p4 s9, $0x3  }
0x182: {  	[hbm:s10], [sflag:s17] =	dma.local @!p4 [spmem:s9], $0x100  }
0x183: {  	s9 =	simm.s32 @!p4 $0x3  }
0x184: {  	_ =	swait.ge @!p4 [sflag:s9], $0x100  }
0x185: {  	[sflag:s9] =	ssyncset.done @!p4 $0x0;
	s10 =	rddreg [dreg:$0xf]  }
0x186: {  	s30 =	rddreg [dreg:$0xa];
	[sflag:s9] =	ssyncadd.s32 @!p4 $0xFFFFFF00;
	s9 =	sshrl.u32 @p5 s4, $0x3  }
0x187: {  	s19 =	simm.s32 @p5 $0x10;
	[dreg:$0x15] =	wrdreg s9  }
0x188: {  	s17 =	simm.s32 @p5 $0x1;
	s9 =	simm.s32 @p5 $0x20;
	s20 =	rddreg [dreg:$0x15]  }
0x189: {  	[hbm:s10@s9], [sflag:s30] =	dma.strided @p5 [spmem:s20@s19], $0x500, s17, $0x10   }
0x18a: {  	s9 =	simm.s32 @p5 $0x3  }
0x18b: {  	s17 =	rddreg [dreg:$0xa];
	_ =	swait.ge @p5 [sflag:s9], $0x500  }
0x18c: {  	s10 =	rddreg [dreg:$0x14]  }
0x18d: {  	s20 =	rddreg [dreg:$0x10];
	s19 =	sadd.s32 $0x1, s10  }
0x18e: {  	p6 =	sne.s32 s19, s20  }
.Ltmp1:
0x18f: {  	_ = 	snop;
	(pc) =	sbr.rel @p6 .LBB2_1-.Ltmp1, $3  }
0x190: {  	_ =	sdelay $0x1  }
0x191: {  	[sflag:s9] =	ssyncset.done @p5 $0x0  }
0x192: {  	s30 =	simm.s32 $0x100;
	s10 =	rddreg [dreg:$0x11];
	[sflag:s9] =	ssyncadd.s32 @p5 $0xFFFFFB00  }
0x193: {  	_ =	sfence.sel $0x180000  }
0x194: {  	[bflag:$0x0] =	sbarrier.arrive $0xFFFF  }
0x195: {  	_ =	strace $0x90000047  }
0x196: {  	s0 =	stileid.u32;
	[bflag:$0x2] =	sbarrier.arrive $0xFFFF  }
0x197: {  	p0 =	sne.s32 s0, $0x0;
	s0 =	rddreg [dreg:$0x5]  }
0x198: {  	s0 =	sadd.s32 @!p0 $0x100000, s0  }
0x199: {  	[sflag:s0] =	ssyncadd.tile.s32 @!p0 $0x1;
	_ =	shalt  }
.Lfunc_end2:
_tile_overlayer_lowered:
.L_overlay_start_2:
0x19a: {  	(tag) =	ssettag $0x2  }
0x19b: {  	s0 =	rddreg [dreg:$0x0];
	s2 =	stileid.u32  }
0x19c: {  	s1 =	rddreg [dreg:$0x1];
	p0 =	sne.s32 s2, $0x0  }
0x19d: {  	s3 =	rddreg [dreg:$0x2];
	[bflag:$0x3] =	sbarrier.arrive $0xFFFF;
	s2 =	simm.s32 @!p0 $0x1C03  }
0x19e: {  	[timem:s3], [sflag:s2] =	dma.local @!p0 [hbm:s0], s1  }
0x19f: {  	s0 =	simm.s32 @!p0 $0x3  }
0x1a0: {  	_ =	swait.ge @!p0 [sflag:s0], s1  }
0x1a1: {  	s1 =	ssub.s32 @!p0 $0x0, s1;
	[sflag:s0] =	ssyncset.done @!p0 $0x0  }
0x1a2: {  	[sflag:s0] =	ssyncadd.s32 @!p0 s1  }
0x1a3: {  	[bflag:$0x3] =	sbarrier.arrive $0xFFFF  }
0x1a4: {  	_ =	shalt  }

// kernel: kernel.9.cloned.1.call-start
scs
__scs_entry_jumppad:
0x0: {  	(pc) =	sbr.rel $0x88, $3  }
0x1: {  	(tag) =	ssettag $0x0;
	lr =	simm.s32 $0x1  }
0x2: {  	[smem:$0x3F96] =	sst lr;
	_ =	strace $0xD0000000  }
0x3: {  	_ = 	snop  }
0x4: {  	_ = 	snop  }
0x5: {  	_ = 	snop  }
0x6: {  	_ = 	snop  }
0x7: {  	_ = 	snop  }
__scs_overlays_trampoline_lowered:
0x8: {  	[smem:$0x3FA5] =	sst s0  }
0x9: {  	[smem:$0x3FA6] =	sst s1  }
0xa: {  	[smem:$0x3FA7] =	sst s2  }
0xb: {  	[smem:$0x3FA8] =	sst s3  }
0xc: {  	[smem:$0x3FA9] =	sst s4  }
0xd: {  	[smem:$0x3FAA] =	sst s5  }
0xe: {  	[smem:$0x3FAB] =	sst s6  }
0xf: {  	[smem:$0x3FAC] =	sst s7  }
0x10: {  	[smem:$0x3FAD] =	sst s8  }
0x11: {  	[smem:$0x3FAE] =	sst s9;
	s0 =	simm.s32 @!p0 $0x0  }
0x12: {  	s1 =	sld [smem:$0x3F94];
	s0 =	simm.s32 @p0 $0x1  }
0x13: {  	[smem:$0x3FAF] =	sst s0;
	s0 =	simm.s32 @!p1 $0x0  }
0x14: {  	s2 =	sld [smem:$0x3F93];
	s0 =	simm.s32 @p1 $0x1  }
0x15: {  	[smem:$0x3FB0] =	sst s0;
	s0 =	simm.s32 @!p2 $0x0  }
0x16: {  	s3 =	sld [smem:$0x3FDB];
	s0 =	simm.s32 @p2 $0x1  }
0x17: {  	s4 =	simm.s32 $0x1BF5;
	[smem:$0x3FB2] =	sst s0  }
0x18: {  	s0 =	sld [smem:$0x3F95];
	_ =	swait.ge [sflag:s4], $0x0  }
0x19: {  	s7 =	sld [smem:$0x3F96]  }
0x1a: {  	s8 =	sadd.s32 $0xFFFFE003, lr  }
0x1b: {  	s9 =	sadd.s32 $0xFFFFFEF7, lr;
	s5 =	simm.s32 $0xFFFFFFFF;
	p2 =	slt.u32 s8, $0xFFFFF086  }
0x1c: {  	p1 =	slt.u32 s9, $0xF7A;
	s5 =	simm.s32 @!p2 $0x0  }
0x1d: {  	s5 =	simm.s32 @p1 $0x1;
	p0 =	seq.s32 s7, s2  }
0x1e: {  	s7 =	smul.u32 @!p0 $0xF7A, s2;
	p2 =	seq.s32 @!p0 s5, $0x0  }
0x1f: {  	s9 =	smul.u32 $0xF7A, s1;
	s8 =	simm.s32 @!p0 $0x1BF5;
	p2 =	por !p2, p0  }
0x20: {  	[sflag:s8] =	ssyncset.s32 @!p0 $0xFFFFF086;
	s6 =	sadd.s32 @!p0 s3, s7;
	s7 =	simm.s32 @!p0 $0x108  }
0x21: {  	s3 =	sadd.s32 s3, s9;
	s6 =	sadd.s32 @!p0 $0x88, s6;
	s7 =	simm.s32 @p2 $0x1082  }
0x22: {  	[simem:s7], [sflag:s8] =	dma.local @!p0 [hbm:s6], $0xF7A  }
0x23: {  	s9 =	sor.u32 $0xD0000000, s2;
	s6 =	simm.s32 $0x108;
	_ =	swait.ge @!p0 [sflag:s8], $0x0  }
0x24: {  	s3 =	sadd.s32 $0x88, s3;
	s6 =	simm.s32 @!p1 $0x1082;
	[sflag:s4] =	ssyncset.s32 $0xFFFFF086  }
0x25: {  	[simem:s6], [sflag:s4] =	dma.local [hbm:s3], $0xF7A  }
0x26: {  	[smem:$0x3F96] =	sst s1;
	(tag) =	ssettag s2;
	_ =	strace s9  }
0x27: {  	s1 =	sld [smem:$0x3FA6]  }
0x28: {  	s2 =	sld [smem:$0x3FA7]  }
0x29: {  	s4 =	sld [smem:$0x3FA9]  }
0x2a: {  	p0 =	seq.s32 s5, $0x0;
	s5 =	sld [smem:$0x3FAA]  }
0x2b: {  	s6 =	sld [smem:$0x3FAB]  }
0x2c: {  	s7 =	sld [smem:$0x3FAC]  }
0x2d: {  	s3 =	simm.s32 $0x108;
	s8 =	sld [smem:$0x3FAD]  }
0x2e: {  	s3 =	simm.s32 @!p0 $0x1082;
	s9 =	sld [smem:$0x3FAE]  }
0x2f: {  	lr =	sadd.s32 s0, s3;
	s0 =	sld [smem:$0x3FA5]  }
0x30: {  	s3 =	sld [smem:$0x3FA8]  }
0x31: {  	[smem:$0x3FB1] =	sst s10  }
0x32: {  	s10 =	sld [smem:$0x3FAF];
	_ =	sdelay $0x3  }
0x33: {  	p0 =	seq.s32 s10, $0x1;
	s10 =	sld [smem:$0x3FB1];
	_ =	sdelay $0x3  }
0x34: {  	[smem:$0x3FB1] =	sst s10  }
0x35: {  	s10 =	sld [smem:$0x3FB0];
	_ =	sdelay $0x3  }
0x36: {  	p1 =	seq.s32 s10, $0x1;
	s10 =	sld [smem:$0x3FB1];
	_ =	sdelay $0x3  }
0x37: {  	[smem:$0x3FB1] =	sst s10  }
0x38: {  	s10 =	sld [smem:$0x3FB2]  }
0x39: {  	_ = 	snop;
	(pc) =	sbr.ind lr, $3  }
0x3a: {  	_ = 	snop  }
0x3b: {  	_ = 	snop  }
0x3c: {  	p2 =	seq.s32 s10, $0x1;
	s10 =	sld [smem:$0x3FB1]  }
0x3d: {  	_ =	shalt  }
0x3e: {  	_ =	shalt  }
0x3f: {  	_ =	shalt  }
0x40: {  	_ =	shalt  }
0x41: {  	_ =	shalt  }
0x42: {  	_ =	shalt  }
0x43: {  	_ =	shalt  }
0x44: {  	_ =	shalt  }
0x45: {  	_ =	shalt  }
0x46: {  	_ =	shalt  }
0x47: {  	_ =	shalt  }
0x48: {  	_ =	shalt  }
0x49: {  	_ =	shalt  }
0x4a: {  	_ =	shalt  }
0x4b: {  	_ =	shalt  }
0x4c: {  	_ =	shalt  }
0x4d: {  	_ =	shalt  }
0x4e: {  	_ =	shalt  }
0x4f: {  	_ =	shalt  }
0x50: {  	_ =	shalt  }
0x51: {  	_ =	shalt  }
0x52: {  	_ =	shalt  }
0x53: {  	_ =	shalt  }
0x54: {  	_ =	shalt  }
0x55: {  	_ =	shalt  }
0x56: {  	_ =	shalt  }
0x57: {  	_ =	shalt  }
0x58: {  	_ =	shalt  }
0x59: {  	_ =	shalt  }
0x5a: {  	_ =	shalt  }
0x5b: {  	_ =	shalt  }
0x5c: {  	_ =	shalt  }
0x5d: {  	_ =	shalt  }
0x5e: {  	_ =	shalt  }
0x5f: {  	_ =	shalt  }
0x60: {  	_ =	shalt  }
0x61: {  	_ =	shalt  }
0x62: {  	_ =	shalt  }
0x63: {  	_ =	shalt  }
0x64: {  	_ =	shalt  }
0x65: {  	_ =	shalt  }
0x66: {  	_ =	shalt  }
0x67: {  	_ =	shalt  }
0x68: {  	_ =	shalt  }
0x69: {  	_ =	shalt  }
0x6a: {  	_ =	shalt  }
0x6b: {  	_ =	shalt  }
0x6c: {  	_ =	shalt  }
0x6d: {  	_ =	shalt  }
0x6e: {  	_ =	shalt  }
0x6f: {  	_ =	shalt  }
0x70: {  	_ =	shalt  }
0x71: {  	_ =	shalt  }
0x72: {  	_ =	shalt  }
0x73: {  	_ =	shalt  }
0x74: {  	_ =	shalt  }
0x75: {  	_ =	shalt  }
0x76: {  	_ =	shalt  }
0x77: {  	_ =	shalt  }
0x78: {  	_ =	shalt  }
0x79: {  	_ =	shalt  }
0x7a: {  	_ =	shalt  }
0x7b: {  	_ =	shalt  }
0x7c: {  	_ =	shalt  }
0x7d: {  	_ =	shalt  }
0x7e: {  	_ =	shalt  }
0x7f: {  	_ =	shalt  }
0x80: {  	_ =	shalt  }
0x81: {  	_ =	shalt  }
0x82: {  	_ =	shalt  }
0x83: {  	_ =	shalt  }
0x84: {  	_ =	shalt  }
0x85: {  	_ =	shalt  }
0x86: {  	_ =	shalt  }
0x87: {  	_ =	shalt  }
.Lfunc_end0:
.L_simem_size_0:
called_computation.1_lowered:
.L_overlay_start_0:
0x88: {  	s2 =	sld [smem:$0x3FD9]  }
0x89: {  	s3 =	sld [smem:$0x3FFE];
	_ =	sdelay $0x1  }
0x8a: {  	s1 =	srdreg.scid  }
0x8b: {  	s0 =	sand.u32 $0x1, s1  }
0x8c: {  	s17 =	sshll.u32 s0, $0xA;
	s2 =	sadd.s32 s3, s2  }
0x8d: {  	s2 =	sadd.s32 s2, s17  }
0x8e: {  	[smem:$0x3FBD] =	sst s2  }
0x8f: {  	_ = 	snop  }
0x90: {  	s2 =	sld [smem:$0x3FD0];
	(tm) =	ssettm $0x1  }
0x91: {  	s18 =	sld [smem:$0x3FFB];
	_ =	sdelay $0x3  }
0x92: {  	_ =	strace s18  }
0x93: {  	s3 =	sld [smem:$0x3FFC];
	_ =	sdelay $0x3  }
0x94: {  	_ =	strace s3  }
0x95: {  	s3 =	sld [smem:$0x3FFD];
	_ =	sdelay $0x3  }
0x96: {  	_ =	strace s3  }
0x97: {  	_ =	strace $0x8FFFFFFF  }
0x98: {  	s19 =	sld [smem:$0x3FDB];
	_ =	sdelay $0x1  }
0x99: {  	s4 =	simm.s32 $_scs_section_size  }
0x9a: {  	s5 =	simm.s32 $_size__tile_overlayer_lowered;
	s6 =	simm.s32 $_tile_overlayer_lowered  }
0x9b: {  	s22 =	simm.s32 $0x1BFF;
	s21 =	sshll.u32 s6, $0x1;
	s3 =	sadd.s32 s4, s19  }
0x9c: {  	s7 =	simm.s32 $0x0;
	s20 =	sshll.u32 s5, $0x1;
	s5 =	sadd.s32 s21, s3  }
0x9d: {  	[timem:s7], [sflag:s22] =	dma.local [hbm:s5], s20  }
0x9e: {  	_ =	swait.ge [sflag:s22], s20  }
0x9f: {  	s4 =	ssub.s32 $0x0, s20;
	[sflag:s22] =	ssyncset.done $0x0  }
0xa0: {  	[sflag:s22] =	ssyncadd.s32 s4;
	_ =	sdelay $0x1  }
0xa1: {  	s23 =	simm.s32 $0x1B8B  }
0xa2: {  	_ =	swait.ge [sflag:s23], $0x1  }
0xa3: {  	[sflag:s23] =	ssyncset.done $0x0  }
0xa4: {  	s25 =	simm.s32 $0x1B8E;
	s24 =	sld [smem:$0x3FFE];
	[sflag:s23] =	ssyncadd.s32 $0xFFFFFFFF  }
0xa5: {  	s26 =	simm.s32 $execute0_lowered;
	[smem:$0x3FD2] =	sst s25  }
0xa6: {  	s5 =	sshll.u32 s26, $0x1;
	_ =	strace $0x80000049;
	[dreg:$0x1] =	wrdreg $0xFFFFFFFF  }
0xa7: {  	s28 =	simm.s32 $_size_execute0_lowered;
	s3 =	sadd.s32 s3, s5;
	[dreg:$0x0] =	wrdreg $0x0  }
0xa8: {  	s5 =	sshll.u32 s28, $0x1;
	[dreg:$0x2] =	wrdreg s3  }
0xa9: {  	[dreg:$0x3] =	wrdreg s5  }
0xaa: {  	[dreg:$0x4] =	wrdreg $0xC0  }
0xab: {  	_ =	task [dreg:s7], $0x5FFFF  }
0xac: {  	[dreg:$0x1] =	wrdreg $0xFFFFFFFF  }
0xad: {  	[dreg:$0x0] =	wrdreg $0x60  }
0xae: {  	[dreg:$0x2] =	wrdreg s24  }
0xaf: {  	[dreg:$0x3] =	wrdreg s2  }
0xb0: {  	[dreg:$0x4] =	wrdreg $0x88000  }
0xb1: {  	[dreg:$0x5] =	wrdreg $0x9  }
0xb2: {  	_ =	task.clear_ibuf [dreg:s7], $0x6FFFF;
	_ =	strace $0x90000049  }
0xb3: {  	s29 =	simm.s32 $0x9;
	_ =	strace $0x8000004B  }
0xb4: {  	_ =	swait.ge [sflag:s29], $0x1  }
0xb5: {  	[sflag:s29] =	ssyncadd.s32 $0xFFFFFFFF  }
0xb6: {  	_ =	strace $0x9000004B  }
0xb7: {  	_ =	sfence  }
0xb8: {  	s30 =	sld [smem:$0x0];
	_ =	sdelay $0x2  }
0xb9: {  	s31 =	sshll.u32 s1, $0xD;
	s1 =	sshrl.u32 s1, $0x2  }
0xba: {  	s3 =	sand.u32 $0x4000, s31;
	s1 =	sadd.s32 s1, s30  }
0xbb: {  	s0 =	sor.u32 s3, s0;
	s1 =	sshll.u32 s1, $0x11  }
0xbc: {  	s0 =	sor.u32 s1, s0  }
0xbd: {  	s0 =	sadd.s32 $0x8F2B, s0  }
0xbe: {  	[sflag:s0] =	ssyncadd.remote.s32 $0x1  }
0xbf: {  	_ =	sfence.sel $0xFFFF  }
0xc0: {  	[dreg:$0x0] =	wrdreg $0xFFFFFFFF;
	(pc) =	sbr.abs _section_cstart, $3  }
0xc1: {  	[dreg:$0x1] =	wrdreg $0xFFFFFFFF  }
0xc2: {  	_ =	task.clear_ibuf [dreg:s7], $0x2FFFF;
	_ =	strace $0x9FFFFFFF  }
0xc3: {  	(tm) =	ssettm $0x7FFFFFFF  }
tec
execute0_lowered:
.L_overlay_start_1:
0x0: {  	(tag) =	ssettag $0x1  }
0x1: {  	s0 =	rddreg [dreg:$0x0]  }
0x2: {  	s1 =	rddreg [dreg:$0x1]  }
0x3: {  	s2 =	rddreg [dreg:$0x2]  }
0x4: {  	s4 =	srdreg.scid;
	s13 =	stileid.u32  }
0x5: {  	s3 =	simm.s32 $0x0;
	s14 =	simm.s32 $0x3;
	s16 =	simm.s32 $0x400  }
0x6: {  	s17 =	simm.s32 $0x80;
	s28 =	simm.s32 $0x200;
	s29 =	simm.s32 $0x280  }
0x7: {  	s30 =	simm.s32 $0x600;
	s31 =	simm.s32 $0x680;
	s6 =	smul.u32 $0x5000, s13  }
0x8: {  	s5 =	sand.u32 $0x1, s4;
	[smem:$0x7FF] =	sst s3;
	s8 =	smul.u32 $0x4E000, s13  }
0x9: {  	s4 =	sadd.s32 $0x17600, s0;
	s10 =	smul.u32 $0x13800, s13;
	s23 =	sshll.u32 s13, $0x6  }
0xa: {  	p0 =	sne.s32 s13, $0xF;
	s7 =	smul.u32 $0x2800, s5;
	_ =	strace $0x8000004A  }
0xb: {  	s18 =	ssub.s32 $0x2, s5;
	s5 =	smul.u32 $0x138800, s5;
	s15 =	sor.u32 $0x1C03, s23  }
0xc: {  	s23 =	simm.s32 $0x100;
	s9 =	sshrl.u32 s18, $0x1;
	s19 =	sshrl.u32 s8, $0x2  }
0xd: {  	s20 =	sshrl.u32 s10, $0x3;
	[dreg:$0x5] =	wrdreg s15;
	s6 =	sadd.s32 s7, s6  }
0xe: {  	s7 =	ssub.s32 s18, s9;
	s21 =	sadd.s32 s19, s2;
	s22 =	sadd.s32 s1, s20  }
0xf: {  	s24 =	sadd.s32 s10, s5;
	s5 =	sshrl.u32 s5, $0x3;
	s10 =	sadd.s32 $0x138000, s2  }
0x10: {  	s1 =	sadd.s32 $0x27000, s1;
	s18 =	simm.s32 $0x800;
	s19 =	simm.s32 $0x4800  }
0x11: {  	s20 =	simm.s32 $0x1;
	s6 =	sshrl.u32 s6, $0x3;
	[dreg:$0x4] =	wrdreg s22  }
0x12: {  	s8 =	sshrl.u32 s24, $0x3;
	[dreg:$0x6] =	wrdreg s1;
	s26 =	smax.u32 s7, $0x1  }
0x13: {  	s13 =	sshrl.u32 s21, $0x3;
	s10 =	sshrl.u32 @!p0 s10, $0x3;
	s21 =	simm.s32 $0x2  }
0x14: {  	s22 =	simm.s32 $0x480;
	s24 =	simm.s32 $0x180;
	s1 =	simm.s32 $0x380  }
0x15: {  	s7 =	simm.s32 $0x780;
	s12 =	sadd.s32 s6, s0;
	[dreg:$0x9] =	wrdreg s26  }
0x16: {  	s0 =	sadd.s32 $0x3E800, s0;
	s26 =	simm.s32 $0x580;
	[dreg:$0xa] =	wrdreg s13  }
0x17: {  	[dreg:$0xb] =	wrdreg s10;
	s5 =	sadd.s32 s0, s5;
	s0 =	sadd.s32 s0, s8  }
0x18: {  	s11 =	sadd.s32 $0xCE00, s12;
	s12 =	sadd.s32 $0x2E00, s12;
	s8 =	simm.s32 $0x0  }
0x19: {  	[dreg:$0x7] =	wrdreg s0;
	s25 =	sadd.s32 $0x27000, s5;
	s0 =	simm.s32 $0x300  }
0x1a: {  	s5 =	simm.s32 $0x700;
	[dreg:$0x8] =	wrdreg s25;
	s25 =	simm.s32 $0x500  }
.LBB2_1:
0x1b: {  	s6 =	rddreg [dreg:$0x4]  }
0x1c: {  	[spmem:s13], [sflag:s15] =	dma.local [hbm:s6], $0x2700  }
0x1d: {  	_ =	swait.ge [sflag:s14], $0x2700  }
0x1e: {  	[sflag:s14] =	ssyncset.done $0x0  }
0x1f: {  	s9 =	simm.s32 @!p0 $0x3;
	s6 =	rddreg [dreg:$0x6];
	[sflag:s14] =	ssyncadd.s32 $0xFFFFD900  }
0x20: {  	[spmem:s10], [sflag:s15] =	dma.local @!p0 [hbm:s6], $0x100  }
0x21: {  	_ =	swait.ge @!p0 [sflag:s9], $0x100  }
0x22: {  	[sflag:s9] =	ssyncset.done @!p0 $0x0  }
0x23: {  	[sflag:s9] =	ssyncadd.s32 @!p0 $0xFFFFFF00  }
0x24: {  	s13 =	sadd.s32 $0x0, s12;
	[bflag:$0x0] =	sbarrier.arrive $0xFFFF  }
0x25: {  	[tilespmem:s3], [sflag:$0x3] =	stream.linear.gather [hbm4b:s13+s3], $0x400, $0x38;
	[tilespmem:$0x1C480] =	vst v63  }
0x26: {  	_ =	swait.ge [sflag:s14], $0x400  }
0x27: {  	[sflag:s14] =	ssyncset.done $0x0  }
0x28: {  	s15 =	sadd.s32 $0x0, s11;
	[sflag:s14] =	ssyncadd.s32 $0xFFFFFC00  }
0x29: {  	[tilespmem:s16], [sflag:$0x3] =	stream.linear.gather [hbm4b:s15+s3], $0x400, $0x38;
	[tilespmem:$0x1C480] =	vst v63  }
0x2a: {  	_ =	swait.ge [sflag:s14], $0x400  }
0x2b: {  	[sflag:s14] =	ssyncset.done $0x0  }
0x2c: {  	[sflag:s14] =	ssyncadd.s32 $0xFFFFFC00  }
0x2d: {  	[tilespmem:s18], [sflag:$0x1] =	stream.indirect.gather [hbm4b:s4+s17], $0x80, s3, s17, $0xb8;
	[tilespmem:$0x1C480] =	vst v63  }
0x2e: {  	_ = 	snop  }
0x2f: {  	[tilespmem:s19], [sflag:$0x2] =	stream.indirect.gather [hbm4b:s4+s17], $0x80, s17, s17, $0xb8;
	[tilespmem:$0x1C480] =	vst v63  }
0x30: {  	_ =	swait.ge [sflag:s20], $0x4000  }
0x31: {  	[sflag:s20] =	ssyncset.done $0x0  }
0x32: {  	[sflag:s20] =	ssyncadd.s32 $0xFFFFC000  }
0x33: {  	[spmem:s2] =	stream.indirect.scatter.add.f32 [tilespmem:s18], [sflag:$0x3], $0x80, s16, s17, $0xb8;
	[tilespmem:$0x1C480] =	vst v63  }
0x34: {  	_ =	swait.ge [sflag:s14], $0x4000  }
0x35: {  	[sflag:s14] =	ssyncset.done $0x0  }
0x36: {  	[sflag:s14] =	ssyncadd.s32 $0xFFFFC000  }
0x37: {  	_ =	swait.ge [sflag:s21], $0x4000  }
0x38: {  	[sflag:s21] =	ssyncset.done $0x0  }
0x39: {  	[sflag:s21] =	ssyncadd.s32 $0xFFFFC000  }
0x3a: {  	[spmem:s2] =	stream.indirect.scatter.add.f32 [tilespmem:s19], [sflag:$0x3], $0x80, s22, s17, $0xb8;
	[tilespmem:$0x1C480] =	vst v63  }
0x3b: {  	_ =	swait.ge [sflag:s14], $0x4000  }
0x3c: {  	[sflag:s14] =	ssyncset.done $0x0  }
0x3d: {  	[sflag:s14] =	ssyncadd.s32 $0xFFFFC000  }
0x3e: {  	[tilespmem:s18], [sflag:$0x1] =	stream.indirect.gather [hbm4b:s4+s17], $0x80, s23, s17, $0xb8;
	[tilespmem:$0x1C480] =	vst v63  }
0x3f: {  	_ = 	snop  }
0x40: {  	[tilespmem:s19], [sflag:$0x2] =	stream.indirect.gather [hbm4b:s4+s17], $0x80, s24, s17, $0xb8;
	[tilespmem:$0x1C480] =	vst v63  }
0x41: {  	_ =	swait.ge [sflag:s20], $0x4000  }
0x42: {  	[sflag:s20] =	ssyncset.done $0x0  }
0x43: {  	[sflag:s20] =	ssyncadd.s32 $0xFFFFC000  }
0x44: {  	[spmem:s2] =	stream.indirect.scatter.add.f32 [tilespmem:s18], [sflag:$0x3], $0x80, s25, s17, $0xb8;
	[tilespmem:$0x1C480] =	vst v63  }
0x45: {  	_ =	swait.ge [sflag:s14], $0x4000  }
0x46: {  	[sflag:s14] =	ssyncset.done $0x0  }
0x47: {  	[sflag:s14] =	ssyncadd.s32 $0xFFFFC000  }
0x48: {  	_ =	swait.ge [sflag:s21], $0x4000  }
0x49: {  	[sflag:s21] =	ssyncset.done $0x0  }
0x4a: {  	[sflag:s21] =	ssyncadd.s32 $0xFFFFC000  }
0x4b: {  	[spmem:s2] =	stream.indirect.scatter.add.f32 [tilespmem:s19], [sflag:$0x3], $0x80, s26, s17, $0xb8;
	[tilespmem:$0x1C480] =	vst v63  }
0x4c: {  	_ =	swait.ge [sflag:s14], $0x4000  }
0x4d: {  	[sflag:s14] =	ssyncset.done $0x0  }
0x4e: {  	[sflag:s14] =	ssyncadd.s32 $0xFFFFC000  }
0x4f: {  	[tilespmem:s18], [sflag:$0x1] =	stream.indirect.gather [hbm4b:s4+s17], $0x80, s28, s17, $0xb8;
	[tilespmem:$0x1C480] =	vst v63  }
0x50: {  	_ = 	snop  }
0x51: {  	[tilespmem:s19], [sflag:$0x2] =	stream.indirect.gather [hbm4b:s4+s17], $0x80, s29, s17, $0xb8;
	[tilespmem:$0x1C480] =	vst v63  }
0x52: {  	_ =	swait.ge [sflag:s20], $0x4000  }
0x53: {  	[sflag:s20] =	ssyncset.done $0x0  }
0x54: {  	[sflag:s20] =	ssyncadd.s32 $0xFFFFC000  }
0x55: {  	[spmem:s2] =	stream.indirect.scatter.add.f32 [tilespmem:s18], [sflag:$0x3], $0x80, s30, s17, $0xb8;
	[tilespmem:$0x1C480] =	vst v63  }
0x56: {  	_ =	swait.ge [sflag:s14], $0x4000  }
0x57: {  	[sflag:s14] =	ssyncset.done $0x0  }
0x58: {  	[sflag:s14] =	ssyncadd.s32 $0xFFFFC000  }
0x59: {  	_ =	swait.ge [sflag:s21], $0x4000  }
0x5a: {  	[sflag:s21] =	ssyncset.done $0x0  }
0x5b: {  	[sflag:s21] =	ssyncadd.s32 $0xFFFFC000  }
0x5c: {  	[spmem:s2] =	stream.indirect.scatter.add.f32 [tilespmem:s19], [sflag:$0x3], $0x80, s31, s17, $0xb8;
	[tilespmem:$0x1C480] =	vst v63  }
0x5d: {  	_ =	swait.ge [sflag:s14], $0x4000  }
0x5e: {  	[sflag:s14] =	ssyncset.done $0x0  }
0x5f: {  	[sflag:s14] =	ssyncadd.s32 $0xFFFFC000  }
0x60: {  	[tilespmem:s18], [sflag:$0x1] =	stream.indirect.gather [hbm4b:s4+s17], $0x80, s0, s17, $0xb8;
	[tilespmem:$0x1C480] =	vst v63  }
0x61: {  	_ = 	snop  }
0x62: {  	[tilespmem:s19], [sflag:$0x2] =	stream.indirect.gather [hbm4b:s4+s17], $0x80, s1, s17, $0xb8;
	[tilespmem:$0x1C480] =	vst v63  }
0x63: {  	_ =	swait.ge [sflag:s20], $0x4000  }
0x64: {  	[sflag:s20] =	ssyncset.done $0x0  }
0x65: {  	[sflag:s20] =	ssyncadd.s32 $0xFFFFC000  }
0x66: {  	[spmem:s2] =	stream.indirect.scatter.add.f32 [tilespmem:s18], [sflag:$0x3], $0x80, s5, s17, $0xb8;
	[tilespmem:$0x1C480] =	vst v63  }
0x67: {  	_ =	swait.ge [sflag:s14], $0x4000  }
0x68: {  	[sflag:s14] =	ssyncset.done $0x0  }
0x69: {  	[sflag:s14] =	ssyncadd.s32 $0xFFFFC000  }
0x6a: {  	_ =	swait.ge [sflag:s21], $0x4000  }
0x6b: {  	[sflag:s21] =	ssyncset.done $0x0  }
0x6c: {  	[sflag:s21] =	ssyncadd.s32 $0xFFFFC000  }
0x6d: {  	[spmem:s2] =	stream.indirect.scatter.add.f32 [tilespmem:s19], [sflag:$0x3], $0x80, s7, s17, $0xb8;
	[tilespmem:$0x1C480] =	vst v63  }
0x6e: {  	_ =	swait.ge [sflag:s14], $0x4000  }
0x6f: {  	s10 =	simm.s32 $0x100;
	s9 =	simm.s32 $0x80;
	[sflag:s14] =	ssyncset.done $0x0  }
.LBB2_2:
0x70: {  	s15 =	sadd.s32 s9, s12  }
0x71: {  	[sflag:s14] =	ssyncadd.s32 $0xFFFFC000;
	s6 =	smov.u32 s10;
	s13 =	sadd.s32 $0x80, s10  }
0x72: {  	[tilespmem:s3], [sflag:$0x3] =	stream.linear.gather [hbm4b:s15+s3], $0x400, $0x38;
	[tilespmem:$0x1C480] =	vst v63  }
0x73: {  	p1 =	sne.s32 s10, $0x480;
	_ =	swait.ge [sflag:s14], $0x400  }
0x74: {  	[sflag:s14] =	ssyncset.done $0x0  }
0x75: {  	s10 =	sadd.s32 s9, s11;
	s9 =	smov.u32 s6;
	[sflag:s14] =	ssyncadd.s32 $0xFFFFFC00  }
0x76: {  	[tilespmem:s16], [sflag:$0x3] =	stream.linear.gather [hbm4b:s10+s3], $0x400, $0x38;
	[tilespmem:$0x1C480] =	vst v63  }
0x77: {  	_ =	swait.ge [sflag:s14], $0x400  }
0x78: {  	[sflag:s14] =	ssyncset.done $0x0  }
0x79: {  	[sflag:s14] =	ssyncadd.s32 $0xFFFFFC00  }
0x7a: {  	[tilespmem:s18], [sflag:$0x1] =	stream.indirect.gather [hbm4b:s4+s17], $0x80, s3, s17, $0xb8;
	[tilespmem:$0x1C480] =	vst v63  }
0x7b: {  	_ = 	snop  }
0x7c: {  	[tilespmem:s19], [sflag:$0x2] =	stream.indirect.gather [hbm4b:s4+s17], $0x80, s17, s17, $0xb8;
	[tilespmem:$0x1C480] =	vst v63  }
0x7d: {  	_ =	swait.ge [sflag:s20], $0x4000  }
0x7e: {  	[sflag:s20] =	ssyncset.done $0x0  }
0x7f: {  	[sflag:s20] =	ssyncadd.s32 $0xFFFFC000  }
0x80: {  	[spmem:s2] =	stream.indirect.scatter.add.f32 [tilespmem:s18], [sflag:$0x3], $0x80, s16, s17, $0xb8;
	[tilespmem:$0x1C480] =	vst v63  }
0x81: {  	_ =	swait.ge [sflag:s14], $0x4000  }
0x82: {  	[sflag:s14] =	ssyncset.done $0x0  }
0x83: {  	[sflag:s14] =	ssyncadd.s32 $0xFFFFC000  }
0x84: {  	_ =	swait.ge [sflag:s21], $0x4000  }
0x85: {  	[sflag:s21] =	ssyncset.done $0x0  }
0x86: {  	[sflag:s21] =	ssyncadd.s32 $0xFFFFC000  }
0x87: {  	[spmem:s2] =	stream.indirect.scatter.add.f32 [tilespmem:s19], [sflag:$0x3], $0x80, s22, s17, $0xb8;
	[tilespmem:$0x1C480] =	vst v63  }
0x88: {  	_ =	swait.ge [sflag:s14], $0x4000  }
0x89: {  	[sflag:s14] =	ssyncset.done $0x0  }
0x8a: {  	[sflag:s14] =	ssyncadd.s32 $0xFFFFC000  }
0x8b: {  	[tilespmem:s18], [sflag:$0x1] =	stream.indirect.gather [hbm4b:s4+s17], $0x80, s23, s17, $0xb8;
	[tilespmem:$0x1C480] =	vst v63  }
0x8c: {  	_ = 	snop  }
0x8d: {  	[tilespmem:s19], [sflag:$0x2] =	stream.indirect.gather [hbm4b:s4+s17], $0x80, s24, s17, $0xb8;
	[tilespmem:$0x1C480] =	vst v63  }
0x8e: {  	_ =	swait.ge [sflag:s20], $0x4000  }
0x8f: {  	[sflag:s20] =	ssyncset.done $0x0  }
0x90: {  	[sflag:s20] =	ssyncadd.s32 $0xFFFFC000  }
0x91: {  	[spmem:s2] =	stream.indirect.scatter.add.f32 [tilespmem:s18], [sflag:$0x3], $0x80, s25, s17, $0xb8;
	[tilespmem:$0x1C480] =	vst v63  }
0x92: {  	_ =	swait.ge [sflag:s14], $0x4000  }
0x93: {  	[sflag:s14] =	ssyncset.done $0x0  }
0x94: {  	[sflag:s14] =	ssyncadd.s32 $0xFFFFC000  }
0x95: {  	_ =	swait.ge [sflag:s21], $0x4000  }
0x96: {  	[sflag:s21] =	ssyncset.done $0x0  }
0x97: {  	[sflag:s21] =	ssyncadd.s32 $0xFFFFC000  }
0x98: {  	[spmem:s2] =	stream.indirect.scatter.add.f32 [tilespmem:s19], [sflag:$0x3], $0x80, s26, s17, $0xb8;
	[tilespmem:$0x1C480] =	vst v63  }
0x99: {  	_ =	swait.ge [sflag:s14], $0x4000  }
0x9a: {  	[sflag:s14] =	ssyncset.done $0x0  }
0x9b: {  	[sflag:s14] =	ssyncadd.s32 $0xFFFFC000  }
0x9c: {  	[tilespmem:s18], [sflag:$0x1] =	stream.indirect.gather [hbm4b:s4+s17], $0x80, s28, s17, $0xb8;
	[tilespmem:$0x1C480] =	vst v63  }
0x9d: {  	_ = 	snop  }
0x9e: {  	[tilespmem:s19], [sflag:$0x2] =	stream.indirect.gather [hbm4b:s4+s17], $0x80, s29, s17, $0xb8;
	[tilespmem:$0x1C480] =	vst v63  }
0x9f: {  	_ =	swait.ge [sflag:s20], $0x4000  }
0xa0: {  	[sflag:s20] =	ssyncset.done $0x0  }
0xa1: {  	[sflag:s20] =	ssyncadd.s32 $0xFFFFC000  }
0xa2: {  	[spmem:s2] =	stream.indirect.scatter.add.f32 [tilespmem:s18], [sflag:$0x3], $0x80, s30, s17, $0xb8;
	[tilespmem:$0x1C480] =	vst v63  }
0xa3: {  	_ =	swait.ge [sflag:s14], $0x4000  }
0xa4: {  	[sflag:s14] =	ssyncset.done $0x0  }
0xa5: {  	[sflag:s14] =	ssyncadd.s32 $0xFFFFC000  }
0xa6: {  	_ =	swait.ge [sflag:s21], $0x4000  }
0xa7: {  	[sflag:s21] =	ssyncset.done $0x0  }
0xa8: {  	[sflag:s21] =	ssyncadd.s32 $0xFFFFC000  }
0xa9: {  	[spmem:s2] =	stream.indirect.scatter.add.f32 [tilespmem:s19], [sflag:$0x3], $0x80, s31, s17, $0xb8;
	[tilespmem:$0x1C480] =	vst v63  }
0xaa: {  	_ =	swait.ge [sflag:s14], $0x4000  }
0xab: {  	[sflag:s14] =	ssyncset.done $0x0  }
0xac: {  	[sflag:s14] =	ssyncadd.s32 $0xFFFFC000  }
0xad: {  	[tilespmem:s18], [sflag:$0x1] =	stream.indirect.gather [hbm4b:s4+s17], $0x80, s0, s17, $0xb8;
	[tilespmem:$0x1C480] =	vst v63  }
0xae: {  	_ = 	snop  }
0xaf: {  	[tilespmem:s19], [sflag:$0x2] =	stream.indirect.gather [hbm4b:s4+s17], $0x80, s1, s17, $0xb8;
	[tilespmem:$0x1C480] =	vst v63  }
0xb0: {  	_ =	swait.ge [sflag:s20], $0x4000  }
0xb1: {  	[sflag:s20] =	ssyncset.done $0x0  }
0xb2: {  	[sflag:s20] =	ssyncadd.s32 $0xFFFFC000  }
0xb3: {  	[spmem:s2] =	stream.indirect.scatter.add.f32 [tilespmem:s18], [sflag:$0x3], $0x80, s5, s17, $0xb8;
	[tilespmem:$0x1C480] =	vst v63  }
0xb4: {  	_ =	swait.ge [sflag:s14], $0x4000  }
0xb5: {  	[sflag:s14] =	ssyncset.done $0x0  }
0xb6: {  	[sflag:s14] =	ssyncadd.s32 $0xFFFFC000  }
0xb7: {  	_ =	swait.ge [sflag:s21], $0x4000  }
.Ltmp0:
0xb8: {  	[sflag:s21] =	ssyncset.done $0x0;
	(pc) =	sbr.rel @p1 .LBB2_2-.Ltmp0, $4  }
0xb9: {  	[sflag:s21] =	ssyncadd.s32 $0xFFFFC000  }
0xba: {  	[spmem:s2] =	stream.indirect.scatter.add.f32 [tilespmem:s19], [sflag:$0x3], $0x80, s7, s17, $0xb8;
	[tilespmem:$0x1C480] =	vst v63  }
0xbb: {  	_ =	swait.ge [sflag:s14], $0x4000  }
0xbc: {  	s10 =	smov.u32 s13;
	[sflag:s14] =	ssyncset.done $0x0  }
0xbd: {  	s6 =	sadd.s32 s9, s12;
	[sflag:s14] =	ssyncadd.s32 $0xFFFFC000  }
0xbe: {  	[tilespmem:s3], [sflag:$0x3] =	stream.linear.gather [hbm4b:s6+s3], $0x400, $0x38;
	[tilespmem:$0x1C480] =	vst v63  }
0xbf: {  	_ =	swait.ge [sflag:s14], $0x400  }
0xc0: {  	[sflag:s14] =	ssyncset.done $0x0  }
0xc1: {  	s9 =	sadd.s32 s9, s11;
	[sflag:s14] =	ssyncadd.s32 $0xFFFFFC00  }
0xc2: {  	[tilespmem:s16], [sflag:$0x3] =	stream.linear.gather [hbm4b:s9+s3], $0x400, $0x38;
	[tilespmem:$0x1C480] =	vst v63  }
0xc3: {  	_ =	swait.ge [sflag:s14], $0x400  }
0xc4: {  	[sflag:s14] =	ssyncset.done $0x0  }
0xc5: {  	[sflag:s14] =	ssyncadd.s32 $0xFFFFFC00  }
0xc6: {  	[tilespmem:s18], [sflag:$0x1] =	stream.indirect.gather [hbm4b:s4+s17], $0x80, s3, s17, $0xb8;
	[tilespmem:$0x1C480] =	vst v63  }
0xc7: {  	_ = 	snop  }
0xc8: {  	[tilespmem:s19], [sflag:$0x2] =	stream.indirect.gather [hbm4b:s4+s17], $0x80, s17, s17, $0xb8;
	[tilespmem:$0x1C480] =	vst v63  }
0xc9: {  	_ =	swait.ge [sflag:s20], $0x4000  }
0xca: {  	[sflag:s20] =	ssyncset.done $0x0  }
0xcb: {  	[sflag:s20] =	ssyncadd.s32 $0xFFFFC000  }
0xcc: {  	[spmem:s2] =	stream.indirect.scatter.add.f32 [tilespmem:s18], [sflag:$0x3], $0x80, s16, s17, $0xb8;
	[tilespmem:$0x1C480] =	vst v63  }
0xcd: {  	_ =	swait.ge [sflag:s14], $0x4000  }
0xce: {  	[sflag:s14] =	ssyncset.done $0x0  }
0xcf: {  	[sflag:s14] =	ssyncadd.s32 $0xFFFFC000  }
0xd0: {  	_ =	swait.ge [sflag:s21], $0x4000  }
0xd1: {  	[sflag:s21] =	ssyncset.done $0x0  }
0xd2: {  	[sflag:s21] =	ssyncadd.s32 $0xFFFFC000  }
0xd3: {  	[spmem:s2] =	stream.indirect.scatter.add.f32 [tilespmem:s19], [sflag:$0x3], $0x80, s22, s17, $0xb8;
	[tilespmem:$0x1C480] =	vst v63  }
0xd4: {  	_ =	swait.ge [sflag:s14], $0x4000  }
0xd5: {  	[sflag:s14] =	ssyncset.done $0x0  }
0xd6: {  	[sflag:s14] =	ssyncadd.s32 $0xFFFFC000  }
0xd7: {  	[tilespmem:s18], [sflag:$0x1] =	stream.indirect.gather [hbm4b:s4+s17], $0x80, s23, s17, $0xb8;
	[tilespmem:$0x1C480] =	vst v63  }
0xd8: {  	_ = 	snop  }
0xd9: {  	[tilespmem:s19], [sflag:$0x2] =	stream.indirect.gather [hbm4b:s4+s17], $0x80, s24, s17, $0xb8;
	[tilespmem:$0x1C480] =	vst v63  }
0xda: {  	_ =	swait.ge [sflag:s20], $0x4000  }
0xdb: {  	[sflag:s20] =	ssyncset.done $0x0  }
0xdc: {  	[sflag:s20] =	ssyncadd.s32 $0xFFFFC000  }
0xdd: {  	[spmem:s2] =	stream.indirect.scatter.add.f32 [tilespmem:s18], [sflag:$0x3], $0x80, s25, s17, $0xb8;
	[tilespmem:$0x1C480] =	vst v63  }
0xde: {  	_ =	swait.ge [sflag:s14], $0x4000  }
0xdf: {  	[sflag:s14] =	ssyncset.done $0x0  }
0xe0: {  	[sflag:s14] =	ssyncadd.s32 $0xFFFFC000  }
0xe1: {  	_ =	swait.ge [sflag:s21], $0x4000  }
0xe2: {  	[sflag:s21] =	ssyncset.done $0x0  }
0xe3: {  	[sflag:s21] =	ssyncadd.s32 $0xFFFFC000  }
0xe4: {  	[spmem:s2] =	stream.indirect.scatter.add.f32 [tilespmem:s19], [sflag:$0x3], $0x80, s26, s17, $0xb8;
	[tilespmem:$0x1C480] =	vst v63  }
0xe5: {  	_ =	swait.ge [sflag:s14], $0x4000  }
0xe6: {  	[sflag:s14] =	ssyncset.done $0x0  }
0xe7: {  	[sflag:s14] =	ssyncadd.s32 $0xFFFFC000  }
0xe8: {  	[tilespmem:s18], [sflag:$0x1] =	stream.indirect.gather [hbm4b:s4+s17], $0x80, s28, s17, $0xb8;
	[tilespmem:$0x1C480] =	vst v63  }
0xe9: {  	_ = 	snop  }
0xea: {  	[tilespmem:s19], [sflag:$0x2] =	stream.indirect.gather [hbm4b:s4+s17], $0x80, s29, s17, $0xb8;
	[tilespmem:$0x1C480] =	vst v63  }
0xeb: {  	_ =	swait.ge [sflag:s20], $0x4000  }
0xec: {  	[sflag:s20] =	ssyncset.done $0x0  }
0xed: {  	[sflag:s20] =	ssyncadd.s32 $0xFFFFC000  }
0xee: {  	[spmem:s2] =	stream.indirect.scatter.add.f32 [tilespmem:s18], [sflag:$0x3], $0x80, s30, s17, $0xb8;
	[tilespmem:$0x1C480] =	vst v63  }
0xef: {  	_ =	swait.ge [sflag:s14], $0x4000  }
0xf0: {  	[sflag:s14] =	ssyncset.done $0x0  }
0xf1: {  	[sflag:s14] =	ssyncadd.s32 $0xFFFFC000  }
0xf2: {  	_ =	swait.ge [sflag:s21], $0x4000  }
0xf3: {  	[sflag:s21] =	ssyncset.done $0x0  }
0xf4: {  	[sflag:s21] =	ssyncadd.s32 $0xFFFFC000  }
0xf5: {  	[spmem:s2] =	stream.indirect.scatter.add.f32 [tilespmem:s19], [sflag:$0x3], $0x80, s31, s17, $0xb8;
	[tilespmem:$0x1C480] =	vst v63  }
0xf6: {  	_ =	swait.ge [sflag:s14], $0x4000  }
0xf7: {  	[sflag:s14] =	ssyncset.done $0x0  }
0xf8: {  	[sflag:s14] =	ssyncadd.s32 $0xFFFFC000  }
0xf9: {  	[tilespmem:s18], [sflag:$0x1] =	stream.indirect.gather [hbm4b:s4+s17], $0x80, s0, s17, $0xb8;
	[tilespmem:$0x1C480] =	vst v63  }
0xfa: {  	_ = 	snop  }
0xfb: {  	[tilespmem:s19], [sflag:$0x2] =	stream.indirect.gather [hbm4b:s4+s17], $0x80, s1, s17, $0xb8;
	[tilespmem:$0x1C480] =	vst v63  }
0xfc: {  	_ =	swait.ge [sflag:s20], $0x4000  }
0xfd: {  	[sflag:s20] =	ssyncset.done $0x0  }
0xfe: {  	[sflag:s20] =	ssyncadd.s32 $0xFFFFC000  }
0xff: {  	[spmem:s2] =	stream.indirect.scatter.add.f32 [tilespmem:s18], [sflag:$0x3], $0x80, s5, s17, $0xb8;
	[tilespmem:$0x1C480] =	vst v63  }
0x100: {  	_ =	swait.ge [sflag:s14], $0x4000  }
0x101: {  	[sflag:s14] =	ssyncset.done $0x0  }
0x102: {  	[sflag:s14] =	ssyncadd.s32 $0xFFFFC000  }
0x103: {  	_ =	swait.ge [sflag:s21], $0x4000  }
0x104: {  	[sflag:s21] =	ssyncset.done $0x0  }
0x105: {  	[sflag:s21] =	ssyncadd.s32 $0xFFFFC000  }
0x106: {  	[spmem:s2] =	stream.indirect.scatter.add.f32 [tilespmem:s19], [sflag:$0x3], $0x80, s7, s17, $0xb8;
	[tilespmem:$0x1C480] =	vst v63  }
0x107: {  	_ =	swait.ge [sflag:s14], $0x4000  }
0x108: {  	[sflag:s14] =	ssyncset.done $0x0  }
0x109: {  	[sflag:s14] =	ssyncadd.s32 $0xFFFFC000  }
0x10a: {  	[bflag:$0x0] =	sbarrier.arrive $0xFFFF  }
0x10b: {  	s15 =	rddreg [dreg:$0x5]  }
0x10c: {  	s10 =	rddreg [dreg:$0x7]  }
0x10d: {  	s13 =	rddreg [dreg:$0xa]  }
0x10e: {  	[hbm:s10], [sflag:s15] =	dma.local [spmem:s13], $0x2700  }
0x10f: {  	_ =	swait.ge [sflag:s14], $0x2700  }
0x110: {  	[sflag:s14] =	ssyncset.done $0x0;
	s6 =	rddreg [dreg:$0x8]  }
0x111: {  	s10 =	rddreg [dreg:$0xb];
	[sflag:s14] =	ssyncadd.s32 $0xFFFFD900  }
0x112: {  	[hbm:s6], [sflag:s15] =	dma.local @!p0 [spmem:s10], $0x100  }
0x113: {  	s6 =	simm.s32 @!p0 $0x3  }
0x114: {  	_ =	swait.ge @!p0 [sflag:s6], $0x100  }
0x115: {  	s8 =	sadd.s32 $0x1, s8;
	s9 =	rddreg [dreg:$0x9]  }
0x116: {  	p1 =	sne.s32 s8, s9  }
.Ltmp1:
0x117: {  	_ = 	snop;
	(pc) =	sbr.rel @p1 .LBB2_1-.Ltmp1, $3  }
0x118: {  	_ =	sdelay $0x1  }
0x119: {  	[sflag:s6] =	ssyncset.done @!p0 $0x0  }
0x11a: {  	[sflag:s6] =	ssyncadd.s32 @!p0 $0xFFFFFF00  }
0x11b: {  	_ =	sfence.sel $0x180000  }
0x11c: {  	[bflag:$0x0] =	sbarrier.arrive $0xFFFF  }
0x11d: {  	_ =	strace $0x9000004A  }
0x11e: {  	s0 =	stileid.u32;
	[bflag:$0x2] =	sbarrier.arrive $0xFFFF  }
0x11f: {  	p0 =	sne.s32 s0, $0x0;
	s0 =	rddreg [dreg:$0x3]  }
0x120: {  	s0 =	sadd.s32 @!p0 $0x100000, s0  }
0x121: {  	[sflag:s0] =	ssyncadd.tile.s32 @!p0 $0x1;
	_ =	shalt  }
.Lfunc_end2:
_tile_overlayer_lowered:
.L_overlay_start_2:
0x122: {  	(tag) =	ssettag $0x2  }
0x123: {  	s0 =	rddreg [dreg:$0x0];
	s2 =	stileid.u32  }
0x124: {  	s1 =	rddreg [dreg:$0x1];
	p0 =	sne.s32 s2, $0x0  }
0x125: {  	s3 =	rddreg [dreg:$0x2];
	[bflag:$0x3] =	sbarrier.arrive $0xFFFF;
	s2 =	simm.s32 @!p0 $0x1C03  }
0x126: {  	[timem:s3], [sflag:s2] =	dma.local @!p0 [hbm:s0], s1  }
0x127: {  	s0 =	simm.s32 @!p0 $0x3  }
0x128: {  	_ =	swait.ge @!p0 [sflag:s0], s1  }
0x129: {  	s1 =	ssub.s32 @!p0 $0x0, s1;
	[sflag:s0] =	ssyncset.done @!p0 $0x0  }
0x12a: {  	[sflag:s0] =	ssyncadd.s32 @!p0 s1  }
0x12b: {  	[bflag:$0x3] =	sbarrier.arrive $0xFFFF  }
0x12c: {  	_ =	shalt  }

</sc_bundles>
